<compile_context>
chip_gen: v7x
topology: tpu7x:2x2x1
jax: 0.10.2.dev20260603
libtpu: 0.0.44.dev20260713+nightly
codegen_flags: <defaults>
</compile_context>

<pallas_src>
import functools

import jax
import jax.numpy as jnp
from jax import lax
from jax.experimental import pallas as pl
from jax.experimental.pallas import tpu as pltpu
from jax.experimental.pallas import tpu_sc as plsc

N = 10000
E = 320000
IN, H1, H2, OUT = 128, 64, 64, 32

NC, NS = 2, 16
NW = NC * NS
PER_TILE = E // NW
CHUNK = 80
ITERS = PER_TILE // CHUNK

_mesh = lambda: plsc.VectorSubcoreMesh(
    core_axis_name="c", subcore_axis_name="s", num_cores=NC, num_subcores=NS)

_sc_params = lambda: pltpu.CompilerParams(use_tc_tiling_on_sc=False)



def _sc_degree(dst3, zeros16):

    @functools.partial(
        pl.kernel,
        out_type=jax.ShapeDtypeStruct((NC, N, 16), jnp.float32),
        mesh=_mesh(),
        compiler_params=_sc_params(),
        scratch_types=[
            pltpu.VMEM((ITERS, CHUNK), jnp.int32),
            pltpu.VMEM((CHUNK, 16), jnp.float32),
            pltpu.VMEM_SHARED((N, 16), jnp.float32),
            pltpu.SemaphoreType.DMA,
        ],
    )
    def k(dst3_hbm, z_hbm, out_hbm, didx_v, ones_v, accum, ssem):
        cid = lax.axis_index("c")
        sid = lax.axis_index("s")
        wid = cid * NS + sid
        for i in range(CHUNK):
            ones_v[i, :] = jnp.full((16,), 1.0, jnp.float32)
        pltpu.sync_copy(dst3_hbm.at[wid], didx_v)

        @pl.when(sid == 0)
        def _init():
            pltpu.sync_copy(z_hbm, accum)

        plsc.subcore_barrier()

        def body(i, carry):
            pltpu.async_copy(ones_v, accum.at[didx_v.at[i]], ssem, add=True)

            @pl.when(i >= 8)
            def _throttle():
                pltpu.make_async_copy(
                    ones_v, accum.at[didx_v.at[i]], ssem).wait()

            return carry

        lax.fori_loop(0, ITERS, body, 0)
        for _ in range(8):
            pltpu.make_async_copy(ones_v, accum.at[didx_v.at[0]], ssem).wait()
        plsc.subcore_barrier()

        @pl.when(sid == 0)
        def _writeback():
            pltpu.sync_copy(accum, out_hbm.at[cid])

    return k(dst3, zeros16)


NB = 4
PFD = 3


def _sc_propagate(src3, dst3, y):

    @functools.partial(
        pl.kernel,
        out_type=jax.ShapeDtypeStruct((NC, N, H1), jnp.float32),
        mesh=_mesh(),
        compiler_params=_sc_params(),
        scratch_types=[
            pltpu.VMEM((ITERS, CHUNK), jnp.int32),
            pltpu.VMEM((ITERS, CHUNK), jnp.int32),
            pltpu.VMEM((NB, CHUNK, H1), jnp.float32),
            pltpu.VMEM_SHARED((N, H1), jnp.float32),
            pltpu.SemaphoreType.DMA((NB,)),
            pltpu.SemaphoreType.DMA((NB,)),
        ],
    )
    def k(src3_hbm, dst3_hbm, y_hbm, out_hbm, sidx_v, didx_v, rows_v, accum,
          gsem, ssem):
        cid = lax.axis_index("c")
        sid = lax.axis_index("s")
        wid = cid * NS + sid

        @pl.when(sid == 0)
        def _init():
            pltpu.sync_copy(y_hbm, accum)

        pltpu.sync_copy(src3_hbm.at[wid], sidx_v)
        pltpu.sync_copy(dst3_hbm.at[wid], didx_v)
        for j in range(PFD):
            pltpu.async_copy(y_hbm.at[sidx_v.at[j]], rows_v.at[j], gsem.at[j])
        plsc.subcore_barrier()

        def body(i, carry):
            @pl.when(i + PFD < ITERS)
            def _prefetch():
                bn = lax.rem(i + PFD, NB)

                @pl.when(i + PFD >= NB)
                def _slot_free():
                    pltpu.make_async_copy(
                        rows_v.at[bn], accum.at[didx_v.at[i]], ssem.at[bn]
                    ).wait()

                pltpu.async_copy(
                    y_hbm.at[sidx_v.at[i + PFD]],
                    rows_v.at[bn], gsem.at[bn])

            b = lax.rem(i, NB)
            pltpu.make_async_copy(
                y_hbm.at[sidx_v.at[i]], rows_v.at[b], gsem.at[b]).wait()
            pltpu.async_copy(rows_v.at[b], accum.at[didx_v.at[i]],
                             ssem.at[b], add=True)
            return carry

        lax.fori_loop(0, ITERS, body, 0)
        for j in range(NB):
            pltpu.make_async_copy(
                rows_v.at[j], accum.at[didx_v.at[0]], ssem.at[j]).wait()
        plsc.subcore_barrier()

        @pl.when(sid == 0)
        def _writeback():
            pltpu.sync_copy(accum, out_hbm.at[cid])

    return k(src3, dst3, y)



_BLK = 1000


def _tc_matmul(x, W1):

    def body(x_ref, w_ref, o_ref):
        o_ref[...] = jnp.dot(x_ref[...], w_ref[...],
                             preferred_element_type=jnp.float32)

    return pl.pallas_call(
        body,
        grid=(N // _BLK,),
        in_specs=[
            pl.BlockSpec((_BLK, IN), lambda i: (i, 0)),
            pl.BlockSpec((IN, H1), lambda i: (0, 0)),
        ],
        out_specs=pl.BlockSpec((_BLK, H1), lambda i: (i, 0)),
        out_shape=jax.ShapeDtypeStruct((N, H1), jnp.float32),
    )(x, W1)


def _tc_scale(dp, xw1):

    def body(dp_ref, xw_ref, y_ref, dinv_ref):
        deg = dp_ref[0, :, 0:1] + dp_ref[1, :, 0:1] + 1.0
        dinv = lax.rsqrt(deg)
        y_ref[...] = dinv * xw_ref[...]
        dinv_ref[...] = jnp.broadcast_to(dinv, (_BLK, 16))

    return pl.pallas_call(
        body,
        grid=(N // _BLK,),
        in_specs=[
            pl.BlockSpec((NC, _BLK, 16), lambda i: (0, i, 0)),
            pl.BlockSpec((_BLK, H1), lambda i: (i, 0)),
        ],
        out_specs=[
            pl.BlockSpec((_BLK, H1), lambda i: (i, 0)),
            pl.BlockSpec((_BLK, 16), lambda i: (i, 0)),
        ],
        out_shape=[
            jax.ShapeDtypeStruct((N, H1), jnp.float32),
            jax.ShapeDtypeStruct((N, 16), jnp.float32),
        ],
    )(dp, xw1)


def _tc_mid(p, y1, dinv16, W2, b1):

    def body(p_ref, y_ref, dinv_ref, w_ref, b_ref, out_ref):
        dinv = dinv_ref[:, 0:1]
        h1 = dinv * (p_ref[0] + p_ref[1] - y_ref[...]) + b_ref[0, :]
        out_ref[...] = dinv * jnp.dot(h1, w_ref[...], preferred_element_type=jnp.float32)

    return pl.pallas_call(
        body,
        grid=(N // _BLK,),
        in_specs=[
            pl.BlockSpec((NC, _BLK, H1), lambda i: (0, i, 0)),
            pl.BlockSpec((_BLK, H1), lambda i: (i, 0)),
            pl.BlockSpec((_BLK, 16), lambda i: (i, 0)),
            pl.BlockSpec((H1, H2), lambda i: (0, 0)),
            pl.BlockSpec((1, H1), lambda i: (0, 0)),
        ],
        out_specs=pl.BlockSpec((_BLK, H2), lambda i: (i, 0)),
        out_shape=jax.ShapeDtypeStruct((N, H2), jnp.float32),
    )(p, y1, dinv16, W2, b1.reshape(1, H1))


def _tc_heads(r, y2, dinv16, b2, Wmu, bmu, Wlv, blv):

    def body(r_ref, y_ref, dinv_ref, b2_ref, wmu_ref, bmu_ref, wlv_ref, blv_ref,
             mu_ref, lv_ref):
        dinv = dinv_ref[:, 0:1]
        h2 = dinv * (r_ref[0] + r_ref[1] - y_ref[...]) + b2_ref[0, :]
        mu_ref[...] = jnp.dot(h2, wmu_ref[...], preferred_element_type=jnp.float32) + bmu_ref[0, :]
        lv_ref[...] = jnp.dot(h2, wlv_ref[...], preferred_element_type=jnp.float32) + blv_ref[0, :]

    return pl.pallas_call(
        body,
        grid=(N // _BLK,),
        in_specs=[
            pl.BlockSpec((NC, _BLK, H2), lambda i: (0, i, 0)),
            pl.BlockSpec((_BLK, H2), lambda i: (i, 0)),
            pl.BlockSpec((_BLK, 16), lambda i: (i, 0)),
            pl.BlockSpec((1, H2), lambda i: (0, 0)),
            pl.BlockSpec((H2, OUT), lambda i: (0, 0)),
            pl.BlockSpec((1, OUT), lambda i: (0, 0)),
            pl.BlockSpec((H2, OUT), lambda i: (0, 0)),
            pl.BlockSpec((1, OUT), lambda i: (0, 0)),
        ],
        out_specs=[
            pl.BlockSpec((_BLK, OUT), lambda i: (i, 0)),
            pl.BlockSpec((_BLK, OUT), lambda i: (i, 0)),
        ],
        out_shape=[
            jax.ShapeDtypeStruct((N, OUT), jnp.float32),
            jax.ShapeDtypeStruct((N, OUT), jnp.float32),
        ],
    )(r, y2, dinv16, b2.reshape(1, H2), Wmu, bmu.reshape(1, OUT),
      Wlv, blv.reshape(1, OUT))


def kernel(x, edge_index, W1, b1, W2, b2, Wmu, bmu, Wlv, blv):
    src3 = lax.optimization_barrier(edge_index[0]).reshape(NW, ITERS, CHUNK)
    dst3 = edge_index[1].reshape(NW, ITERS, CHUNK)
    xw1 = _tc_matmul(x, W1)
    dp = _sc_degree(dst3, jnp.zeros((N, 16), jnp.float32))
    y1, dinv16 = _tc_scale(dp, xw1)
    p = _sc_propagate(src3, dst3, y1)
    y2 = _tc_mid(p, y1, dinv16, W2, b1)
    r = _sc_propagate(src3, dst3, y2)
    mu, log_var = _tc_heads(r, y2, dinv16, b2, Wmu, bmu, Wlv, blv)
    return (mu, log_var)

# --- scband reference (transcript-rebuilt; emitter-appended) ---
"""Pipeline reference for scband-encoder-datasets-publications-gcn-82257213653409 (READ-ONLY COPY).

The authoritative reference and input builder live on the scoring server;
editing this copy changes nothing except your own understanding.
"""

import jax, jax.numpy as jnp
import numpy as np

N = 10000
E = 320000
IN, H1, H2, OUT = 128, 64, 64, 32


def _glorot(key, fan_in, fan_out):
    limit = np.sqrt(6.0 / (fan_in + fan_out))
    return jax.random.uniform(key, (fan_in, fan_out), dtype=jnp.float32, minval=-limit, maxval=limit)


def setup_inputs(seed: int = 0) -> dict:
    key = jax.random.key(seed)
    ks = jax.random.split(key, 10)
    x = jax.random.normal(ks[0], (N, IN), dtype=jnp.float32)
    edge_index = jax.random.randint(ks[1], (2, E), 0, N, dtype=jnp.int32)
    W1 = _glorot(ks[2], IN, H1)
    b1 = jnp.zeros((H1,), dtype=jnp.float32)
    W2 = _glorot(ks[3], H1, H2)
    b2 = jnp.zeros((H2,), dtype=jnp.float32)
    Wmu = _glorot(ks[4], H2, OUT)
    bmu = jnp.zeros((OUT,), dtype=jnp.float32)
    Wlv = _glorot(ks[5], H2, OUT)
    blv = jnp.zeros((OUT,), dtype=jnp.float32)
    return {"x": x, "edge_index": edge_index, "W1": W1, "b1": b1, "W2": W2, "b2": b2, "Wmu": Wmu, "bmu": bmu, "Wlv": Wlv, "blv": blv}


def _gcn_conv(x, src, dst, W, b, n):
    # PyG GCNConv: x' = D^{-1/2} (A + I) D^{-1/2} X W + b
    xw = x @ W
    deg = jnp.zeros((n,), dtype=xw.dtype).at[dst].add(1.0)
    dinv = jnp.where(deg > 0, jax.lax.rsqrt(jnp.maximum(deg, 1e-12)), 0.0)
    norm = dinv[src] * dinv[dst]
    msg = xw[src] * norm[:, None]
    out = jnp.zeros((n, xw.shape[1]), dtype=xw.dtype).at[dst].add(msg)
    return out + b


def reference(x, edge_index, W1, b1, W2, b2, Wmu, bmu, Wlv, blv):
    n = x.shape[0]
    loop = jnp.arange(n, dtype=edge_index.dtype)
    src = jnp.concatenate([edge_index[0], loop])
    dst = jnp.concatenate([edge_index[1], loop])
    h = _gcn_conv(x, src, dst, W1, b1, n)
    h = _gcn_conv(h, src, dst, W2, b2, n)
    mu = h @ Wmu + bmu
    log_var = h @ Wlv + blv
    return (mu, log_var)

if __name__ == "__main__":
    import jax
    _d = setup_inputs()
    print(jax.jit(kernel)(*tuple(_d.values())))

</pallas_src>

<mosaic_0001>
#map = affine_map<(d0, d1) -> (0, 0, 0)>
#map1 = affine_map<(d0, d1) -> (0, 0)>
module attributes {stable_mosaic.version = 14 : i64} {
  func.func @k(%arg0: i32, %arg1: i32, %arg2: memref<32x125x80xi32, #tpu.memory_space<hbm>>, %arg3: memref<10000x16xf32, #tpu.memory_space<hbm>>, %arg4: memref<2x10000x16xf32, #tpu.memory_space<hbm>>, %arg5: memref<125x80xi32, #tpu.memory_space<vmem>>, %arg6: memref<80x16xf32, #tpu.memory_space<vmem>>, %arg7: memref<10000x16xf32, #tpu.memory_space<vmem_shared>>, %arg8: memref<!tpu.dma_semaphore, #tpu.memory_space<semaphore_mem>>) attributes {dimension_semantics = [#tpu.dimension_semantics<core_parallel>, #tpu.dimension_semantics<subcore_parallel>], iteration_bounds = array<i64: 2, 16>, scalar_prefetch = 0 : i64, scratch_operands = 4 : i64, tpu.core_type = #tpu.core_type<sc_vector_subcore>, window_params = [{transform_indices = #map}, {transform_indices = #map1}, {transform_indices = #map}]} {
    %mul3A = arith.constant 16 : i32
    %mul3A_0 = arith.muli %arg0, %mul3A : i32
    %add3A = arith.addi %mul3A_0, %arg1 : i32
    %broadcast_in_dim3A = arith.constant 1.000000e+00 : f32
    %broadcast_in_dim3A_1 = vector.broadcast %broadcast_in_dim3A : f32 to vector<16xf32>
    %swap3A = arith.constant 0 : i32
    %swap3A_2 = arith.index_cast %swap3A : i32 to index
    %swap3A_3 = arith.constant 0 : index
    %swap3A_4 = tpu.vector_load %arg6[%swap3A_2, %swap3A_3] {strides = array<i32>} : memref<80x16xf32, #tpu.memory_space<vmem>>, vector<1x16xf32>,
    %swap3A_5 = vector.shape_cast %swap3A_4 : vector<1x16xf32> to vector<16xf32>
    %swap3A_6 = vector.shape_cast %broadcast_in_dim3A_1 : vector<16xf32> to vector<1x16xf32>
    tpu.vector_store %arg6[%swap3A_2, %swap3A_3], %swap3A_6 {strides = array<i32>} : memref<80x16xf32, #tpu.memory_space<vmem>>, vector<1x16xf32>,
    %broadcast_in_dim3A_7 = arith.constant 1.000000e+00 : f32
    %broadcast_in_dim3A_8 = vector.broadcast %broadcast_in_dim3A_7 : f32 to vector<16xf32>
    %swap3A_9 = arith.constant 1 : i32
    %swap3A_10 = arith.index_cast %swap3A_9 : i32 to index
    %swap3A_11 = arith.constant 0 : index
    %swap3A_12 = tpu.vector_load %arg6[%swap3A_10, %swap3A_11] {strides = array<i32>} : memref<80x16xf32, #tpu.memory_space<vmem>>, vector<1x16xf32>,
    %swap3A_13 = vector.shape_cast %swap3A_12 : vector<1x16xf32> to vector<16xf32>
    %swap3A_14 = vector.shape_cast %broadcast_in_dim3A_8 : vector<16xf32> to vector<1x16xf32>
    tpu.vector_store %arg6[%swap3A_10, %swap3A_11], %swap3A_14 {strides = array<i32>} : memref<80x16xf32, #tpu.memory_space<vmem>>, vector<1x16xf32>,
    %broadcast_in_dim3A_15 = arith.constant 1.000000e+00 : f32
    %broadcast_in_dim3A_16 = vector.broadcast %broadcast_in_dim3A_15 : f32 to vector<16xf32>
    %swap3A_17 = arith.constant 2 : i32
    %swap3A_18 = arith.index_cast %swap3A_17 : i32 to index
    %swap3A_19 = arith.constant 0 : index
    %swap3A_20 = tpu.vector_load %arg6[%swap3A_18, %swap3A_19] {strides = array<i32>} : memref<80x16xf32, #tpu.memory_space<vmem>>, vector<1x16xf32>,
    %swap3A_21 = vector.shape_cast %swap3A_20 : vector<1x16xf32> to vector<16xf32>
    %swap3A_22 = vector.shape_cast %broadcast_in_dim3A_16 : vector<16xf32> to vector<1x16xf32>
    tpu.vector_store %arg6[%swap3A_18, %swap3A_19], %swap3A_22 {strides = array<i32>} : memref<80x16xf32, #tpu.memory_space<vmem>>, vector<1x16xf32>,
    %broadcast_in_dim3A_23 = arith.constant 1.000000e+00 : f32
    %broadcast_in_dim3A_24 = vector.broadcast %broadcast_in_dim3A_23 : f32 to vector<16xf32>
    %swap3A_25 = arith.constant 3 : i32
    %swap3A_26 = arith.index_cast %swap3A_25 : i32 to index
    %swap3A_27 = arith.constant 0 : index
    %swap3A_28 = tpu.vector_load %arg6[%swap3A_26, %swap3A_27] {strides = array<i32>} : memref<80x16xf32, #tpu.memory_space<vmem>>, vector<1x16xf32>,
    %swap3A_29 = vector.shape_cast %swap3A_28 : vector<1x16xf32> to vector<16xf32>
    %swap3A_30 = vector.shape_cast %broadcast_in_dim3A_24 : vector<16xf32> to vector<1x16xf32>
    tpu.vector_store %arg6[%swap3A_26, %swap3A_27], %swap3A_30 {strides = array<i32>} : memref<80x16xf32, #tpu.memory_space<vmem>>, vector<1x16xf32>,
    %broadcast_in_dim3A_31 = arith.constant 1.000000e+00 : f32
    %broadcast_in_dim3A_32 = vector.broadcast %broadcast_in_dim3A_31 : f32 to vector<16xf32>
    %swap3A_33 = arith.constant 4 : i32
    %swap3A_34 = arith.index_cast %swap3A_33 : i32 to index
    %swap3A_35 = arith.constant 0 : index
    %swap3A_36 = tpu.vector_load %arg6[%swap3A_34, %swap3A_35] {strides = array<i32>} : memref<80x16xf32, #tpu.memory_space<vmem>>, vector<1x16xf32>,
    %swap3A_37 = vector.shape_cast %swap3A_36 : vector<1x16xf32> to vector<16xf32>
    %swap3A_38 = vector.shape_cast %broadcast_in_dim3A_32 : vector<16xf32> to vector<1x16xf32>
    tpu.vector_store %arg6[%swap3A_34, %swap3A_35], %swap3A_38 {strides = array<i32>} : memref<80x16xf32, #tpu.memory_space<vmem>>, vector<1x16xf32>,
    %broadcast_in_dim3A_39 = arith.constant 1.000000e+00 : f32
    %broadcast_in_dim3A_40 = vector.broadcast %broadcast_in_dim3A_39 : f32 to vector<16xf32>
    %swap3A_41 = arith.constant 5 : i32
    %swap3A_42 = arith.index_cast %swap3A_41 : i32 to index
    %swap3A_43 = arith.constant 0 : index
    %swap3A_44 = tpu.vector_load %arg6[%swap3A_42, %swap3A_43] {strides = array<i32>} : memref<80x16xf32, #tpu.memory_space<vmem>>, vector<1x16xf32>,
    %swap3A_45 = vector.shape_cast %swap3A_44 : vector<1x16xf32> to vector<16xf32>
    %swap3A_46 = vector.shape_cast %broadcast_in_dim3A_40 : vector<16xf32> to vector<1x16xf32>
    tpu.vector_store %arg6[%swap3A_42, %swap3A_43], %swap3A_46 {strides = array<i32>} : memref<80x16xf32, #tpu.memory_space<vmem>>, vector<1x16xf32>,
    %broadcast_in_dim3A_47 = arith.constant 1.000000e+00 : f32
    %broadcast_in_dim3A_48 = vector.broadcast %broadcast_in_dim3A_47 : f32 to vector<16xf32>
    %swap3A_49 = arith.constant 6 : i32
    %swap3A_50 = arith.index_cast %swap3A_49 : i32 to index
    %swap3A_51 = arith.constant 0 : index
    %swap3A_52 = tpu.vector_load %arg6[%swap3A_50, %swap3A_51] {strides = array<i32>} : memref<80x16xf32, #tpu.memory_space<vmem>>, vector<1x16xf32>,
    %swap3A_53 = vector.shape_cast %swap3A_52 : vector<1x16xf32> to vector<16xf32>
    %swap3A_54 = vector.shape_cast %broadcast_in_dim3A_48 : vector<16xf32> to vector<1x16xf32>
    tpu.vector_store %arg6[%swap3A_50, %swap3A_51], %swap3A_54 {strides = array<i32>} : memref<80x16xf32, #tpu.memory_space<vmem>>, vector<1x16xf32>,
    %broadcast_in_dim3A_55 = arith.constant 1.000000e+00 : f32
    %broadcast_in_dim3A_56 = vector.broadcast %broadcast_in_dim3A_55 : f32 to vector<16xf32>
    %swap3A_57 = arith.constant 7 : i32
    %swap3A_58 = arith.index_cast %swap3A_57 : i32 to index
    %swap3A_59 = arith.constant 0 : index
    %swap3A_60 = tpu.vector_load %arg6[%swap3A_58, %swap3A_59] {strides = array<i32>} : memref<80x16xf32, #tpu.memory_space<vmem>>, vector<1x16xf32>,
    %swap3A_61 = vector.shape_cast %swap3A_60 : vector<1x16xf32> to vector<16xf32>
    %swap3A_62 = vector.shape_cast %broadcast_in_dim3A_56 : vector<16xf32> to vector<1x16xf32>
    tpu.vector_store %arg6[%swap3A_58, %swap3A_59], %swap3A_62 {strides = array<i32>} : memref<80x16xf32, #tpu.memory_space<vmem>>, vector<1x16xf32>,
    %broadcast_in_dim3A_63 = arith.constant 1.000000e+00 : f32
    %broadcast_in_dim3A_64 = vector.broadcast %broadcast_in_dim3A_63 : f32 to vector<16xf32>
    %swap3A_65 = arith.constant 8 : i32
    %swap3A_66 = arith.index_cast %swap3A_65 : i32 to index
    %swap3A_67 = arith.constant 0 : index
    %swap3A_68 = tpu.vector_load %arg6[%swap3A_66, %swap3A_67] {strides = array<i32>} : memref<80x16xf32, #tpu.memory_space<vmem>>, vector<1x16xf32>,
    %swap3A_69 = vector.shape_cast %swap3A_68 : vector<1x16xf32> to vector<16xf32>
    %swap3A_70 = vector.shape_cast %broadcast_in_dim3A_64 : vector<16xf32> to vector<1x16xf32>
    tpu.vector_store %arg6[%swap3A_66, %swap3A_67], %swap3A_70 {strides = array<i32>} : memref<80x16xf32, #tpu.memory_space<vmem>>, vector<1x16xf32>,
    %broadcast_in_dim3A_71 = arith.constant 1.000000e+00 : f32
    %broadcast_in_dim3A_72 = vector.broadcast %broadcast_in_dim3A_71 : f32 to vector<16xf32>
    %swap3A_73 = arith.constant 9 : i32
    %swap3A_74 = arith.index_cast %swap3A_73 : i32 to index
    %swap3A_75 = arith.constant 0 : index
    %swap3A_76 = tpu.vector_load %arg6[%swap3A_74, %swap3A_75] {strides = array<i32>} : memref<80x16xf32, #tpu.memory_space<vmem>>, vector<1x16xf32>,
    %swap3A_77 = vector.shape_cast %swap3A_76 : vector<1x16xf32> to vector<16xf32>
    %swap3A_78 = vector.shape_cast %broadcast_in_dim3A_72 : vector<16xf32> to vector<1x16xf32>
    tpu.vector_store %arg6[%swap3A_74, %swap3A_75], %swap3A_78 {strides = array<i32>} : memref<80x16xf32, #tpu.memory_space<vmem>>, vector<1x16xf32>,
    %broadcast_in_dim3A_79 = arith.constant 1.000000e+00 : f32
    %broadcast_in_dim3A_80 = vector.broadcast %broadcast_in_dim3A_79 : f32 to vector<16xf32>
    %swap3A_81 = arith.constant 10 : i32
    %swap3A_82 = arith.index_cast %swap3A_81 : i32 to index
    %swap3A_83 = arith.constant 0 : index
    %swap3A_84 = tpu.vector_load %arg6[%swap3A_82, %swap3A_83] {strides = array<i32>} : memref<80x16xf32, #tpu.memory_space<vmem>>, vector<1x16xf32>,
    %swap3A_85 = vector.shape_cast %swap3A_84 : vector<1x16xf32> to vector<16xf32>
    %swap3A_86 = vector.shape_cast %broadcast_in_dim3A_80 : vector<16xf32> to vector<1x16xf32>
    tpu.vector_store %arg6[%swap3A_82, %swap3A_83], %swap3A_86 {strides = array<i32>} : memref<80x16xf32, #tpu.memory_space<vmem>>, vector<1x16xf32>,
    %broadcast_in_dim3A_87 = arith.constant 1.000000e+00 : f32
    %broadcast_in_dim3A_88 = vector.broadcast %broadcast_in_dim3A_87 : f32 to vector<16xf32>
    %swap3A_89 = arith.constant 11 : i32
    %swap3A_90 = arith.index_cast %swap3A_89 : i32 to index
    %swap3A_91 = arith.constant 0 : index
    %swap3A_92 = tpu.vector_load %arg6[%swap3A_90, %swap3A_91] {strides = array<i32>} : memref<80x16xf32, #tpu.memory_space<vmem>>, vector<1x16xf32>,
    %swap3A_93 = vector.shape_cast %swap3A_92 : vector<1x16xf32> to vector<16xf32>
    %swap3A_94 = vector.shape_cast %broadcast_in_dim3A_88 : vector<16xf32> to vector<1x16xf32>
    tpu.vector_store %arg6[%swap3A_90, %swap3A_91], %swap3A_94 {strides = array<i32>} : memref<80x16xf32, #tpu.memory_space<vmem>>, vector<1x16xf32>,
    %broadcast_in_dim3A_95 = arith.constant 1.000000e+00 : f32
    %broadcast_in_dim3A_96 = vector.broadcast %broadcast_in_dim3A_95 : f32 to vector<16xf32>
    %swap3A_97 = arith.constant 12 : i32
    %swap3A_98 = arith.index_cast %swap3A_97 : i32 to index
    %swap3A_99 = arith.constant 0 : index
    %swap3A_100 = tpu.vector_load %arg6[%swap3A_98, %swap3A_99] {strides = array<i32>} : memref<80x16xf32, #tpu.memory_space<vmem>>, vector<1x16xf32>,
    %swap3A_101 = vector.shape_cast %swap3A_100 : vector<1x16xf32> to vector<16xf32>
    %swap3A_102 = vector.shape_cast %broadcast_in_dim3A_96 : vector<16xf32> to vector<1x16xf32>
    tpu.vector_store %arg6[%swap3A_98, %swap3A_99], %swap3A_102 {strides = array<i32>} : memref<80x16xf32, #tpu.memory_space<vmem>>, vector<1x16xf32>,
    %broadcast_in_dim3A_103 = arith.constant 1.000000e+00 : f32
    %broadcast_in_dim3A_104 = vector.broadcast %broadcast_in_dim3A_103 : f32 to vector<16xf32>
    %swap3A_105 = arith.constant 13 : i32
    %swap3A_106 = arith.index_cast %swap3A_105 : i32 to index
    %swap3A_107 = arith.constant 0 : index
    %swap3A_108 = tpu.vector_load %arg6[%swap3A_106, %swap3A_107] {strides = array<i32>} : memref<80x16xf32, #tpu.memory_space<vmem>>, vector<1x16xf32>,
    %swap3A_109 = vector.shape_cast %swap3A_108 : vector<1x16xf32> to vector<16xf32>
    %swap3A_110 = vector.shape_cast %broadcast_in_dim3A_104 : vector<16xf32> to vector<1x16xf32>
    tpu.vector_store %arg6[%swap3A_106, %swap3A_107], %swap3A_110 {strides = array<i32>} : memref<80x16xf32, #tpu.memory_space<vmem>>, vector<1x16xf32>,
    %broadcast_in_dim3A_111 = arith.constant 1.000000e+00 : f32
    %broadcast_in_dim3A_112 = vector.broadcast %broadcast_in_dim3A_111 : f32 to vector<16xf32>
    %swap3A_113 = arith.constant 14 : i32
    %swap3A_114 = arith.index_cast %swap3A_113 : i32 to index
    %swap3A_115 = arith.constant 0 : index
    %swap3A_116 = tpu.vector_load %arg6[%swap3A_114, %swap3A_115] {strides = array<i32>} : memref<80x16xf32, #tpu.memory_space<vmem>>, vector<1x16xf32>,
    %swap3A_117 = vector.shape_cast %swap3A_116 : vector<1x16xf32> to vector<16xf32>
    %swap3A_118 = vector.shape_cast %broadcast_in_dim3A_112 : vector<16xf32> to vector<1x16xf32>
    tpu.vector_store %arg6[%swap3A_114, %swap3A_115], %swap3A_118 {strides = array<i32>} : memref<80x16xf32, #tpu.memory_space<vmem>>, vector<1x16xf32>,
    %broadcast_in_dim3A_119 = arith.constant 1.000000e+00 : f32
    %broadcast_in_dim3A_120 = vector.broadcast %broadcast_in_dim3A_119 : f32 to vector<16xf32>
    %swap3A_121 = arith.constant 15 : i32
    %swap3A_122 = arith.index_cast %swap3A_121 : i32 to index
    %swap3A_123 = arith.constant 0 : index
    %swap3A_124 = tpu.vector_load %arg6[%swap3A_122, %swap3A_123] {strides = array<i32>} : memref<80x16xf32, #tpu.memory_space<vmem>>, vector<1x16xf32>,
    %swap3A_125 = vector.shape_cast %swap3A_124 : vector<1x16xf32> to vector<16xf32>
    %swap3A_126 = vector.shape_cast %broadcast_in_dim3A_120 : vector<16xf32> to vector<1x16xf32>
    tpu.vector_store %arg6[%swap3A_122, %swap3A_123], %swap3A_126 {strides = array<i32>} : memref<80x16xf32, #tpu.memory_space<vmem>>, vector<1x16xf32>,
    %broadcast_in_dim3A_127 = arith.constant 1.000000e+00 : f32
    %broadcast_in_dim3A_128 = vector.broadcast %broadcast_in_dim3A_127 : f32 to vector<16xf32>
    %swap3A_129 = arith.constant 16 : i32
    %swap3A_130 = arith.index_cast %swap3A_129 : i32 to index
    %swap3A_131 = arith.constant 0 : index
    %swap3A_132 = tpu.vector_load %arg6[%swap3A_130, %swap3A_131] {strides = array<i32>} : memref<80x16xf32, #tpu.memory_space<vmem>>, vector<1x16xf32>,
    %swap3A_133 = vector.shape_cast %swap3A_132 : vector<1x16xf32> to vector<16xf32>
    %swap3A_134 = vector.shape_cast %broadcast_in_dim3A_128 : vector<16xf32> to vector<1x16xf32>
    tpu.vector_store %arg6[%swap3A_130, %swap3A_131], %swap3A_134 {strides = array<i32>} : memref<80x16xf32, #tpu.memory_space<vmem>>, vector<1x16xf32>,
    %broadcast_in_dim3A_135 = arith.constant 1.000000e+00 : f32
    %broadcast_in_dim3A_136 = vector.broadcast %broadcast_in_dim3A_135 : f32 to vector<16xf32>
    %swap3A_137 = arith.constant 17 : i32
    %swap3A_138 = arith.index_cast %swap3A_137 : i32 to index
    %swap3A_139 = arith.constant 0 : index
    %swap3A_140 = tpu.vector_load %arg6[%swap3A_138, %swap3A_139] {strides = array<i32>} : memref<80x16xf32, #tpu.memory_space<vmem>>, vector<1x16xf32>,
    %swap3A_141 = vector.shape_cast %swap3A_140 : vector<1x16xf32> to vector<16xf32>
    %swap3A_142 = vector.shape_cast %broadcast_in_dim3A_136 : vector<16xf32> to vector<1x16xf32>
    tpu.vector_store %arg6[%swap3A_138, %swap3A_139], %swap3A_142 {strides = array<i32>} : memref<80x16xf32, #tpu.memory_space<vmem>>, vector<1x16xf32>,
    %broadcast_in_dim3A_143 = arith.constant 1.000000e+00 : f32
    %broadcast_in_dim3A_144 = vector.broadcast %broadcast_in_dim3A_143 : f32 to vector<16xf32>
    %swap3A_145 = arith.constant 18 : i32
    %swap3A_146 = arith.index_cast %swap3A_145 : i32 to index
    %swap3A_147 = arith.constant 0 : index
    %swap3A_148 = tpu.vector_load %arg6[%swap3A_146, %swap3A_147] {strides = array<i32>} : memref<80x16xf32, #tpu.memory_space<vmem>>, vector<1x16xf32>,
    %swap3A_149 = vector.shape_cast %swap3A_148 : vector<1x16xf32> to vector<16xf32>
    %swap3A_150 = vector.shape_cast %broadcast_in_dim3A_144 : vector<16xf32> to vector<1x16xf32>
    tpu.vector_store %arg6[%swap3A_146, %swap3A_147], %swap3A_150 {strides = array<i32>} : memref<80x16xf32, #tpu.memory_space<vmem>>, vector<1x16xf32>,
    %broadcast_in_dim3A_151 = arith.constant 1.000000e+00 : f32
    %broadcast_in_dim3A_152 = vector.broadcast %broadcast_in_dim3A_151 : f32 to vector<16xf32>
    %swap3A_153 = arith.constant 19 : i32
    %swap3A_154 = arith.index_cast %swap3A_153 : i32 to index
    %swap3A_155 = arith.constant 0 : index
    %swap3A_156 = tpu.vector_load %arg6[%swap3A_154, %swap3A_155] {strides = array<i32>} : memref<80x16xf32, #tpu.memory_space<vmem>>, vector<1x16xf32>,
    %swap3A_157 = vector.shape_cast %swap3A_156 : vector<1x16xf32> to vector<16xf32>
    %swap3A_158 = vector.shape_cast %broadcast_in_dim3A_152 : vector<16xf32> to vector<1x16xf32>
    tpu.vector_store %arg6[%swap3A_154, %swap3A_155], %swap3A_158 {strides = array<i32>} : memref<80x16xf32, #tpu.memory_space<vmem>>, vector<1x16xf32>,
    %broadcast_in_dim3A_159 = arith.constant 1.000000e+00 : f32
    %broadcast_in_dim3A_160 = vector.broadcast %broadcast_in_dim3A_159 : f32 to vector<16xf32>
    %swap3A_161 = arith.constant 20 : i32
    %swap3A_162 = arith.index_cast %swap3A_161 : i32 to index
    %swap3A_163 = arith.constant 0 : index
    %swap3A_164 = tpu.vector_load %arg6[%swap3A_162, %swap3A_163] {strides = array<i32>} : memref<80x16xf32, #tpu.memory_space<vmem>>, vector<1x16xf32>,
    %swap3A_165 = vector.shape_cast %swap3A_164 : vector<1x16xf32> to vector<16xf32>
    %swap3A_166 = vector.shape_cast %broadcast_in_dim3A_160 : vector<16xf32> to vector<1x16xf32>
    tpu.vector_store %arg6[%swap3A_162, %swap3A_163], %swap3A_166 {strides = array<i32>} : memref<80x16xf32, #tpu.memory_space<vmem>>, vector<1x16xf32>,
    %broadcast_in_dim3A_167 = arith.constant 1.000000e+00 : f32
    %broadcast_in_dim3A_168 = vector.broadcast %broadcast_in_dim3A_167 : f32 to vector<16xf32>
    %swap3A_169 = arith.constant 21 : i32
    %swap3A_170 = arith.index_cast %swap3A_169 : i32 to index
    %swap3A_171 = arith.constant 0 : index
    %swap3A_172 = tpu.vector_load %arg6[%swap3A_170, %swap3A_171] {strides = array<i32>} : memref<80x16xf32, #tpu.memory_space<vmem>>, vector<1x16xf32>,
    %swap3A_173 = vector.shape_cast %swap3A_172 : vector<1x16xf32> to vector<16xf32>
    %swap3A_174 = vector.shape_cast %broadcast_in_dim3A_168 : vector<16xf32> to vector<1x16xf32>
    tpu.vector_store %arg6[%swap3A_170, %swap3A_171], %swap3A_174 {strides = array<i32>} : memref<80x16xf32, #tpu.memory_space<vmem>>, vector<1x16xf32>,
    %broadcast_in_dim3A_175 = arith.constant 1.000000e+00 : f32
    %broadcast_in_dim3A_176 = vector.broadcast %broadcast_in_dim3A_175 : f32 to vector<16xf32>
    %swap3A_177 = arith.constant 22 : i32
    %swap3A_178 = arith.index_cast %swap3A_177 : i32 to index
    %swap3A_179 = arith.constant 0 : index
    %swap3A_180 = tpu.vector_load %arg6[%swap3A_178, %swap3A_179] {strides = array<i32>} : memref<80x16xf32, #tpu.memory_space<vmem>>, vector<1x16xf32>,
    %swap3A_181 = vector.shape_cast %swap3A_180 : vector<1x16xf32> to vector<16xf32>
    %swap3A_182 = vector.shape_cast %broadcast_in_dim3A_176 : vector<16xf32> to vector<1x16xf32>
    tpu.vector_store %arg6[%swap3A_178, %swap3A_179], %swap3A_182 {strides = array<i32>} : memref<80x16xf32, #tpu.memory_space<vmem>>, vector<1x16xf32>,
    %broadcast_in_dim3A_183 = arith.constant 1.000000e+00 : f32
    %broadcast_in_dim3A_184 = vector.broadcast %broadcast_in_dim3A_183 : f32 to vector<16xf32>
    %swap3A_185 = arith.constant 23 : i32
    %swap3A_186 = arith.index_cast %swap3A_185 : i32 to index
    %swap3A_187 = arith.constant 0 : index
    %swap3A_188 = tpu.vector_load %arg6[%swap3A_186, %swap3A_187] {strides = array<i32>} : memref<80x16xf32, #tpu.memory_space<vmem>>, vector<1x16xf32>,
    %swap3A_189 = vector.shape_cast %swap3A_188 : vector<1x16xf32> to vector<16xf32>
    %swap3A_190 = vector.shape_cast %broadcast_in_dim3A_184 : vector<16xf32> to vector<1x16xf32>
    tpu.vector_store %arg6[%swap3A_186, %swap3A_187], %swap3A_190 {strides = array<i32>} : memref<80x16xf32, #tpu.memory_space<vmem>>, vector<1x16xf32>,
    %broadcast_in_dim3A_191 = arith.constant 1.000000e+00 : f32
    %broadcast_in_dim3A_192 = vector.broadcast %broadcast_in_dim3A_191 : f32 to vector<16xf32>
    %swap3A_193 = arith.constant 24 : i32
    %swap3A_194 = arith.index_cast %swap3A_193 : i32 to index
    %swap3A_195 = arith.constant 0 : index
    %swap3A_196 = tpu.vector_load %arg6[%swap3A_194, %swap3A_195] {strides = array<i32>} : memref<80x16xf32, #tpu.memory_space<vmem>>, vector<1x16xf32>,
    %swap3A_197 = vector.shape_cast %swap3A_196 : vector<1x16xf32> to vector<16xf32>
    %swap3A_198 = vector.shape_cast %broadcast_in_dim3A_192 : vector<16xf32> to vector<1x16xf32>
    tpu.vector_store %arg6[%swap3A_194, %swap3A_195], %swap3A_198 {strides = array<i32>} : memref<80x16xf32, #tpu.memory_space<vmem>>, vector<1x16xf32>,
    %broadcast_in_dim3A_199 = arith.constant 1.000000e+00 : f32
    %broadcast_in_dim3A_200 = vector.broadcast %broadcast_in_dim3A_199 : f32 to vector<16xf32>
    %swap3A_201 = arith.constant 25 : i32
    %swap3A_202 = arith.index_cast %swap3A_201 : i32 to index
    %swap3A_203 = arith.constant 0 : index
    %swap3A_204 = tpu.vector_load %arg6[%swap3A_202, %swap3A_203] {strides = array<i32>} : memref<80x16xf32, #tpu.memory_space<vmem>>, vector<1x16xf32>,
    %swap3A_205 = vector.shape_cast %swap3A_204 : vector<1x16xf32> to vector<16xf32>
    %swap3A_206 = vector.shape_cast %broadcast_in_dim3A_200 : vector<16xf32> to vector<1x16xf32>
    tpu.vector_store %arg6[%swap3A_202, %swap3A_203], %swap3A_206 {strides = array<i32>} : memref<80x16xf32, #tpu.memory_space<vmem>>, vector<1x16xf32>,
    %broadcast_in_dim3A_207 = arith.constant 1.000000e+00 : f32
    %broadcast_in_dim3A_208 = vector.broadcast %broadcast_in_dim3A_207 : f32 to vector<16xf32>
    %swap3A_209 = arith.constant 26 : i32
    %swap3A_210 = arith.index_cast %swap3A_209 : i32 to index
    %swap3A_211 = arith.constant 0 : index
    %swap3A_212 = tpu.vector_load %arg6[%swap3A_210, %swap3A_211] {strides = array<i32>} : memref<80x16xf32, #tpu.memory_space<vmem>>, vector<1x16xf32>,
    %swap3A_213 = vector.shape_cast %swap3A_212 : vector<1x16xf32> to vector<16xf32>
    %swap3A_214 = vector.shape_cast %broadcast_in_dim3A_208 : vector<16xf32> to vector<1x16xf32>
    tpu.vector_store %arg6[%swap3A_210, %swap3A_211], %swap3A_214 {strides = array<i32>} : memref<80x16xf32, #tpu.memory_space<vmem>>, vector<1x16xf32>,
    %broadcast_in_dim3A_215 = arith.constant 1.000000e+00 : f32
    %broadcast_in_dim3A_216 = vector.broadcast %broadcast_in_dim3A_215 : f32 to vector<16xf32>
    %swap3A_217 = arith.constant 27 : i32
    %swap3A_218 = arith.index_cast %swap3A_217 : i32 to index
    %swap3A_219 = arith.constant 0 : index
    %swap3A_220 = tpu.vector_load %arg6[%swap3A_218, %swap3A_219] {strides = array<i32>} : memref<80x16xf32, #tpu.memory_space<vmem>>, vector<1x16xf32>,
    %swap3A_221 = vector.shape_cast %swap3A_220 : vector<1x16xf32> to vector<16xf32>
    %swap3A_222 = vector.shape_cast %broadcast_in_dim3A_216 : vector<16xf32> to vector<1x16xf32>
    tpu.vector_store %arg6[%swap3A_218, %swap3A_219], %swap3A_222 {strides = array<i32>} : memref<80x16xf32, #tpu.memory_space<vmem>>, vector<1x16xf32>,
    %broadcast_in_dim3A_223 = arith.constant 1.000000e+00 : f32
    %broadcast_in_dim3A_224 = vector.broadcast %broadcast_in_dim3A_223 : f32 to vector<16xf32>
    %swap3A_225 = arith.constant 28 : i32
    %swap3A_226 = arith.index_cast %swap3A_225 : i32 to index
    %swap3A_227 = arith.constant 0 : index
    %swap3A_228 = tpu.vector_load %arg6[%swap3A_226, %swap3A_227] {strides = array<i32>} : memref<80x16xf32, #tpu.memory_space<vmem>>, vector<1x16xf32>,
    %swap3A_229 = vector.shape_cast %swap3A_228 : vector<1x16xf32> to vector<16xf32>
    %swap3A_230 = vector.shape_cast %broadcast_in_dim3A_224 : vector<16xf32> to vector<1x16xf32>
    tpu.vector_store %arg6[%swap3A_226, %swap3A_227], %swap3A_230 {strides = array<i32>} : memref<80x16xf32, #tpu.memory_space<vmem>>, vector<1x16xf32>,
    %broadcast_in_dim3A_231 = arith.constant 1.000000e+00 : f32
    %broadcast_in_dim3A_232 = vector.broadcast %broadcast_in_dim3A_231 : f32 to vector<16xf32>
    %swap3A_233 = arith.constant 29 : i32
    %swap3A_234 = arith.index_cast %swap3A_233 : i32 to index
    %swap3A_235 = arith.constant 0 : index
    %swap3A_236 = tpu.vector_load %arg6[%swap3A_234, %swap3A_235] {strides = array<i32>} : memref<80x16xf32, #tpu.memory_space<vmem>>, vector<1x16xf32>,
    %swap3A_237 = vector.shape_cast %swap3A_236 : vector<1x16xf32> to vector<16xf32>
    %swap3A_238 = vector.shape_cast %broadcast_in_dim3A_232 : vector<16xf32> to vector<1x16xf32>
    tpu.vector_store %arg6[%swap3A_234, %swap3A_235], %swap3A_238 {strides = array<i32>} : memref<80x16xf32, #tpu.memory_space<vmem>>, vector<1x16xf32>,
    %broadcast_in_dim3A_239 = arith.constant 1.000000e+00 : f32
    %broadcast_in_dim3A_240 = vector.broadcast %broadcast_in_dim3A_239 : f32 to vector<16xf32>
    %swap3A_241 = arith.constant 30 : i32
    %swap3A_242 = arith.index_cast %swap3A_241 : i32 to index
    %swap3A_243 = arith.constant 0 : index
    %swap3A_244 = tpu.vector_load %arg6[%swap3A_242, %swap3A_243] {strides = array<i32>} : memref<80x16xf32, #tpu.memory_space<vmem>>, vector<1x16xf32>,
    %swap3A_245 = vector.shape_cast %swap3A_244 : vector<1x16xf32> to vector<16xf32>
    %swap3A_246 = vector.shape_cast %broadcast_in_dim3A_240 : vector<16xf32> to vector<1x16xf32>
    tpu.vector_store %arg6[%swap3A_242, %swap3A_243], %swap3A_246 {strides = array<i32>} : memref<80x16xf32, #tpu.memory_space<vmem>>, vector<1x16xf32>,
    %broadcast_in_dim3A_247 = arith.constant 1.000000e+00 : f32
    %broadcast_in_dim3A_248 = vector.broadcast %broadcast_in_dim3A_247 : f32 to vector<16xf32>
    %swap3A_249 = arith.constant 31 : i32
    %swap3A_250 = arith.index_cast %swap3A_249 : i32 to index
    %swap3A_251 = arith.constant 0 : index
    %swap3A_252 = tpu.vector_load %arg6[%swap3A_250, %swap3A_251] {strides = array<i32>} : memref<80x16xf32, #tpu.memory_space<vmem>>, vector<1x16xf32>,
    %swap3A_253 = vector.shape_cast %swap3A_252 : vector<1x16xf32> to vector<16xf32>
    %swap3A_254 = vector.shape_cast %broadcast_in_dim3A_248 : vector<16xf32> to vector<1x16xf32>
    tpu.vector_store %arg6[%swap3A_250, %swap3A_251], %swap3A_254 {strides = array<i32>} : memref<80x16xf32, #tpu.memory_space<vmem>>, vector<1x16xf32>,
    %broadcast_in_dim3A_255 = arith.constant 1.000000e+00 : f32
    %broadcast_in_dim3A_256 = vector.broadcast %broadcast_in_dim3A_255 : f32 to vector<16xf32>
    %swap3A_257 = arith.constant 32 : i32
    %swap3A_258 = arith.index_cast %swap3A_257 : i32 to index
    %swap3A_259 = arith.constant 0 : index
    %swap3A_260 = tpu.vector_load %arg6[%swap3A_258, %swap3A_259] {strides = array<i32>} : memref<80x16xf32, #tpu.memory_space<vmem>>, vector<1x16xf32>,
    %swap3A_261 = vector.shape_cast %swap3A_260 : vector<1x16xf32> to vector<16xf32>
    %swap3A_262 = vector.shape_cast %broadcast_in_dim3A_256 : vector<16xf32> to vector<1x16xf32>
    tpu.vector_store %arg6[%swap3A_258, %swap3A_259], %swap3A_262 {strides = array<i32>} : memref<80x16xf32, #tpu.memory_space<vmem>>, vector<1x16xf32>,
    %broadcast_in_dim3A_263 = arith.constant 1.000000e+00 : f32
    %broadcast_in_dim3A_264 = vector.broadcast %broadcast_in_dim3A_263 : f32 to vector<16xf32>
    %swap3A_265 = arith.constant 33 : i32
    %swap3A_266 = arith.index_cast %swap3A_265 : i32 to index
    %swap3A_267 = arith.constant 0 : index
    %swap3A_268 = tpu.vector_load %arg6[%swap3A_266, %swap3A_267] {strides = array<i32>} : memref<80x16xf32, #tpu.memory_space<vmem>>, vector<1x16xf32>,
    %swap3A_269 = vector.shape_cast %swap3A_268 : vector<1x16xf32> to vector<16xf32>
    %swap3A_270 = vector.shape_cast %broadcast_in_dim3A_264 : vector<16xf32> to vector<1x16xf32>
    tpu.vector_store %arg6[%swap3A_266, %swap3A_267], %swap3A_270 {strides = array<i32>} : memref<80x16xf32, #tpu.memory_space<vmem>>, vector<1x16xf32>,
    %broadcast_in_dim3A_271 = arith.constant 1.000000e+00 : f32
    %broadcast_in_dim3A_272 = vector.broadcast %broadcast_in_dim3A_271 : f32 to vector<16xf32>
    %swap3A_273 = arith.constant 34 : i32
    %swap3A_274 = arith.index_cast %swap3A_273 : i32 to index
    %swap3A_275 = arith.constant 0 : index
    %swap3A_276 = tpu.vector_load %arg6[%swap3A_274, %swap3A_275] {strides = array<i32>} : memref<80x16xf32, #tpu.memory_space<vmem>>, vector<1x16xf32>,
    %swap3A_277 = vector.shape_cast %swap3A_276 : vector<1x16xf32> to vector<16xf32>
    %swap3A_278 = vector.shape_cast %broadcast_in_dim3A_272 : vector<16xf32> to vector<1x16xf32>
    tpu.vector_store %arg6[%swap3A_274, %swap3A_275], %swap3A_278 {strides = array<i32>} : memref<80x16xf32, #tpu.memory_space<vmem>>, vector<1x16xf32>,
    %broadcast_in_dim3A_279 = arith.constant 1.000000e+00 : f32
    %broadcast_in_dim3A_280 = vector.broadcast %broadcast_in_dim3A_279 : f32 to vector<16xf32>
    %swap3A_281 = arith.constant 35 : i32
    %swap3A_282 = arith.index_cast %swap3A_281 : i32 to index
    %swap3A_283 = arith.constant 0 : index
    %swap3A_284 = tpu.vector_load %arg6[%swap3A_282, %swap3A_283] {strides = array<i32>} : memref<80x16xf32, #tpu.memory_space<vmem>>, vector<1x16xf32>,
    %swap3A_285 = vector.shape_cast %swap3A_284 : vector<1x16xf32> to vector<16xf32>
    %swap3A_286 = vector.shape_cast %broadcast_in_dim3A_280 : vector<16xf32> to vector<1x16xf32>
    tpu.vector_store %arg6[%swap3A_282, %swap3A_283], %swap3A_286 {strides = array<i32>} : memref<80x16xf32, #tpu.memory_space<vmem>>, vector<1x16xf32>,
    %broadcast_in_dim3A_287 = arith.constant 1.000000e+00 : f32
    %broadcast_in_dim3A_288 = vector.broadcast %broadcast_in_dim3A_287 : f32 to vector<16xf32>
    %swap3A_289 = arith.constant 36 : i32
    %swap3A_290 = arith.index_cast %swap3A_289 : i32 to index
    %swap3A_291 = arith.constant 0 : index
    %swap3A_292 = tpu.vector_load %arg6[%swap3A_290, %swap3A_291] {strides = array<i32>} : memref<80x16xf32, #tpu.memory_space<vmem>>, vector<1x16xf32>,
    %swap3A_293 = vector.shape_cast %swap3A_292 : vector<1x16xf32> to vector<16xf32>
    %swap3A_294 = vector.shape_cast %broadcast_in_dim3A_288 : vector<16xf32> to vector<1x16xf32>
    tpu.vector_store %arg6[%swap3A_290, %swap3A_291], %swap3A_294 {strides = array<i32>} : memref<80x16xf32, #tpu.memory_space<vmem>>, vector<1x16xf32>,
    %broadcast_in_dim3A_295 = arith.constant 1.000000e+00 : f32
    %broadcast_in_dim3A_296 = vector.broadcast %broadcast_in_dim3A_295 : f32 to vector<16xf32>
    %swap3A_297 = arith.constant 37 : i32
    %swap3A_298 = arith.index_cast %swap3A_297 : i32 to index
    %swap3A_299 = arith.constant 0 : index
    %swap3A_300 = tpu.vector_load %arg6[%swap3A_298, %swap3A_299] {strides = array<i32>} : memref<80x16xf32, #tpu.memory_space<vmem>>, vector<1x16xf32>,
    %swap3A_301 = vector.shape_cast %swap3A_300 : vector<1x16xf32> to vector<16xf32>
    %swap3A_302 = vector.shape_cast %broadcast_in_dim3A_296 : vector<16xf32> to vector<1x16xf32>
    tpu.vector_store %arg6[%swap3A_298, %swap3A_299], %swap3A_302 {strides = array<i32>} : memref<80x16xf32, #tpu.memory_space<vmem>>, vector<1x16xf32>,
    %broadcast_in_dim3A_303 = arith.constant 1.000000e+00 : f32
    %broadcast_in_dim3A_304 = vector.broadcast %broadcast_in_dim3A_303 : f32 to vector<16xf32>
    %swap3A_305 = arith.constant 38 : i32
    %swap3A_306 = arith.index_cast %swap3A_305 : i32 to index
    %swap3A_307 = arith.constant 0 : index
    %swap3A_308 = tpu.vector_load %arg6[%swap3A_306, %swap3A_307] {strides = array<i32>} : memref<80x16xf32, #tpu.memory_space<vmem>>, vector<1x16xf32>,
    %swap3A_309 = vector.shape_cast %swap3A_308 : vector<1x16xf32> to vector<16xf32>
    %swap3A_310 = vector.shape_cast %broadcast_in_dim3A_304 : vector<16xf32> to vector<1x16xf32>
    tpu.vector_store %arg6[%swap3A_306, %swap3A_307], %swap3A_310 {strides = array<i32>} : memref<80x16xf32, #tpu.memory_space<vmem>>, vector<1x16xf32>,
    %broadcast_in_dim3A_311 = arith.constant 1.000000e+00 : f32
    %broadcast_in_dim3A_312 = vector.broadcast %broadcast_in_dim3A_311 : f32 to vector<16xf32>
    %swap3A_313 = arith.constant 39 : i32
    %swap3A_314 = arith.index_cast %swap3A_313 : i32 to index
    %swap3A_315 = arith.constant 0 : index
    %swap3A_316 = tpu.vector_load %arg6[%swap3A_314, %swap3A_315] {strides = array<i32>} : memref<80x16xf32, #tpu.memory_space<vmem>>, vector<1x16xf32>,
    %swap3A_317 = vector.shape_cast %swap3A_316 : vector<1x16xf32> to vector<16xf32>
    %swap3A_318 = vector.shape_cast %broadcast_in_dim3A_312 : vector<16xf32> to vector<1x16xf32>
    tpu.vector_store %arg6[%swap3A_314, %swap3A_315], %swap3A_318 {strides = array<i32>} : memref<80x16xf32, #tpu.memory_space<vmem>>, vector<1x16xf32>,
    %broadcast_in_dim3A_319 = arith.constant 1.000000e+00 : f32
    %broadcast_in_dim3A_320 = vector.broadcast %broadcast_in_dim3A_319 : f32 to vector<16xf32>
    %swap3A_321 = arith.constant 40 : i32
    %swap3A_322 = arith.index_cast %swap3A_321 : i32 to index
    %swap3A_323 = arith.constant 0 : index
    %swap3A_324 = tpu.vector_load %arg6[%swap3A_322, %swap3A_323] {strides = array<i32>} : memref<80x16xf32, #tpu.memory_space<vmem>>, vector<1x16xf32>,
    %swap3A_325 = vector.shape_cast %swap3A_324 : vector<1x16xf32> to vector<16xf32>
    %swap3A_326 = vector.shape_cast %broadcast_in_dim3A_320 : vector<16xf32> to vector<1x16xf32>
    tpu.vector_store %arg6[%swap3A_322, %swap3A_323], %swap3A_326 {strides = array<i32>} : memref<80x16xf32, #tpu.memory_space<vmem>>, vector<1x16xf32>,
    %broadcast_in_dim3A_327 = arith.constant 1.000000e+00 : f32
    %broadcast_in_dim3A_328 = vector.broadcast %broadcast_in_dim3A_327 : f32 to vector<16xf32>
    %swap3A_329 = arith.constant 41 : i32
    %swap3A_330 = arith.index_cast %swap3A_329 : i32 to index
    %swap3A_331 = arith.constant 0 : index
    %swap3A_332 = tpu.vector_load %arg6[%swap3A_330, %swap3A_331] {strides = array<i32>} : memref<80x16xf32, #tpu.memory_space<vmem>>, vector<1x16xf32>,
    %swap3A_333 = vector.shape_cast %swap3A_332 : vector<1x16xf32> to vector<16xf32>
    %swap3A_334 = vector.shape_cast %broadcast_in_dim3A_328 : vector<16xf32> to vector<1x16xf32>
    tpu.vector_store %arg6[%swap3A_330, %swap3A_331], %swap3A_334 {strides = array<i32>} : memref<80x16xf32, #tpu.memory_space<vmem>>, vector<1x16xf32>,
    %broadcast_in_dim3A_335 = arith.constant 1.000000e+00 : f32
    %broadcast_in_dim3A_336 = vector.broadcast %broadcast_in_dim3A_335 : f32 to vector<16xf32>
    %swap3A_337 = arith.constant 42 : i32
    %swap3A_338 = arith.index_cast %swap3A_337 : i32 to index
    %swap3A_339 = arith.constant 0 : index
    %swap3A_340 = tpu.vector_load %arg6[%swap3A_338, %swap3A_339] {strides = array<i32>} : memref<80x16xf32, #tpu.memory_space<vmem>>, vector<1x16xf32>,
    %swap3A_341 = vector.shape_cast %swap3A_340 : vector<1x16xf32> to vector<16xf32>
    %swap3A_342 = vector.shape_cast %broadcast_in_dim3A_336 : vector<16xf32> to vector<1x16xf32>
    tpu.vector_store %arg6[%swap3A_338, %swap3A_339], %swap3A_342 {strides = array<i32>} : memref<80x16xf32, #tpu.memory_space<vmem>>, vector<1x16xf32>,
    %broadcast_in_dim3A_343 = arith.constant 1.000000e+00 : f32
    %broadcast_in_dim3A_344 = vector.broadcast %broadcast_in_dim3A_343 : f32 to vector<16xf32>
    %swap3A_345 = arith.constant 43 : i32
    %swap3A_346 = arith.index_cast %swap3A_345 : i32 to index
    %swap3A_347 = arith.constant 0 : index
    %swap3A_348 = tpu.vector_load %arg6[%swap3A_346, %swap3A_347] {strides = array<i32>} : memref<80x16xf32, #tpu.memory_space<vmem>>, vector<1x16xf32>,
    %swap3A_349 = vector.shape_cast %swap3A_348 : vector<1x16xf32> to vector<16xf32>
    %swap3A_350 = vector.shape_cast %broadcast_in_dim3A_344 : vector<16xf32> to vector<1x16xf32>
    tpu.vector_store %arg6[%swap3A_346, %swap3A_347], %swap3A_350 {strides = array<i32>} : memref<80x16xf32, #tpu.memory_space<vmem>>, vector<1x16xf32>,
    %broadcast_in_dim3A_351 = arith.constant 1.000000e+00 : f32
    %broadcast_in_dim3A_352 = vector.broadcast %broadcast_in_dim3A_351 : f32 to vector<16xf32>
    %swap3A_353 = arith.constant 44 : i32
    %swap3A_354 = arith.index_cast %swap3A_353 : i32 to index
    %swap3A_355 = arith.constant 0 : index
    %swap3A_356 = tpu.vector_load %arg6[%swap3A_354, %swap3A_355] {strides = array<i32>} : memref<80x16xf32, #tpu.memory_space<vmem>>, vector<1x16xf32>,
    %swap3A_357 = vector.shape_cast %swap3A_356 : vector<1x16xf32> to vector<16xf32>
    %swap3A_358 = vector.shape_cast %broadcast_in_dim3A_352 : vector<16xf32> to vector<1x16xf32>
    tpu.vector_store %arg6[%swap3A_354, %swap3A_355], %swap3A_358 {strides = array<i32>} : memref<80x16xf32, #tpu.memory_space<vmem>>, vector<1x16xf32>,
    %broadcast_in_dim3A_359 = arith.constant 1.000000e+00 : f32
    %broadcast_in_dim3A_360 = vector.broadcast %broadcast_in_dim3A_359 : f32 to vector<16xf32>
    %swap3A_361 = arith.constant 45 : i32
    %swap3A_362 = arith.index_cast %swap3A_361 : i32 to index
    %swap3A_363 = arith.constant 0 : index
    %swap3A_364 = tpu.vector_load %arg6[%swap3A_362, %swap3A_363] {strides = array<i32>} : memref<80x16xf32, #tpu.memory_space<vmem>>, vector<1x16xf32>,
    %swap3A_365 = vector.shape_cast %swap3A_364 : vector<1x16xf32> to vector<16xf32>
    %swap3A_366 = vector.shape_cast %broadcast_in_dim3A_360 : vector<16xf32> to vector<1x16xf32>
    tpu.vector_store %arg6[%swap3A_362, %swap3A_363], %swap3A_366 {strides = array<i32>} : memref<80x16xf32, #tpu.memory_space<vmem>>, vector<1x16xf32>,
    %broadcast_in_dim3A_367 = arith.constant 1.000000e+00 : f32
    %broadcast_in_dim3A_368 = vector.broadcast %broadcast_in_dim3A_367 : f32 to vector<16xf32>
    %swap3A_369 = arith.constant 46 : i32
    %swap3A_370 = arith.index_cast %swap3A_369 : i32 to index
    %swap3A_371 = arith.constant 0 : index
    %swap3A_372 = tpu.vector_load %arg6[%swap3A_370, %swap3A_371] {strides = array<i32>} : memref<80x16xf32, #tpu.memory_space<vmem>>, vector<1x16xf32>,
    %swap3A_373 = vector.shape_cast %swap3A_372 : vector<1x16xf32> to vector<16xf32>
    %swap3A_374 = vector.shape_cast %broadcast_in_dim3A_368 : vector<16xf32> to vector<1x16xf32>
    tpu.vector_store %arg6[%swap3A_370, %swap3A_371], %swap3A_374 {strides = array<i32>} : memref<80x16xf32, #tpu.memory_space<vmem>>, vector<1x16xf32>,
    %broadcast_in_dim3A_375 = arith.constant 1.000000e+00 : f32
    %broadcast_in_dim3A_376 = vector.broadcast %broadcast_in_dim3A_375 : f32 to vector<16xf32>
    %swap3A_377 = arith.constant 47 : i32
    %swap3A_378 = arith.index_cast %swap3A_377 : i32 to index
    %swap3A_379 = arith.constant 0 : index
    %swap3A_380 = tpu.vector_load %arg6[%swap3A_378, %swap3A_379] {strides = array<i32>} : memref<80x16xf32, #tpu.memory_space<vmem>>, vector<1x16xf32>,
    %swap3A_381 = vector.shape_cast %swap3A_380 : vector<1x16xf32> to vector<16xf32>
    %swap3A_382 = vector.shape_cast %broadcast_in_dim3A_376 : vector<16xf32> to vector<1x16xf32>
    tpu.vector_store %arg6[%swap3A_378, %swap3A_379], %swap3A_382 {strides = array<i32>} : memref<80x16xf32, #tpu.memory_space<vmem>>, vector<1x16xf32>,
    %broadcast_in_dim3A_383 = arith.constant 1.000000e+00 : f32
    %broadcast_in_dim3A_384 = vector.broadcast %broadcast_in_dim3A_383 : f32 to vector<16xf32>
    %swap3A_385 = arith.constant 48 : i32
    %swap3A_386 = arith.index_cast %swap3A_385 : i32 to index
    %swap3A_387 = arith.constant 0 : index
    %swap3A_388 = tpu.vector_load %arg6[%swap3A_386, %swap3A_387] {strides = array<i32>} : memref<80x16xf32, #tpu.memory_space<vmem>>, vector<1x16xf32>,
    %swap3A_389 = vector.shape_cast %swap3A_388 : vector<1x16xf32> to vector<16xf32>
    %swap3A_390 = vector.shape_cast %broadcast_in_dim3A_384 : vector<16xf32> to vector<1x16xf32>
    tpu.vector_store %arg6[%swap3A_386, %swap3A_387], %swap3A_390 {strides = array<i32>} : memref<80x16xf32, #tpu.memory_space<vmem>>, vector<1x16xf32>,
    %broadcast_in_dim3A_391 = arith.constant 1.000000e+00 : f32
    %broadcast_in_dim3A_392 = vector.broadcast %broadcast_in_dim3A_391 : f32 to vector<16xf32>
    %swap3A_393 = arith.constant 49 : i32
    %swap3A_394 = arith.index_cast %swap3A_393 : i32 to index
    %swap3A_395 = arith.constant 0 : index
    %swap3A_396 = tpu.vector_load %arg6[%swap3A_394, %swap3A_395] {strides = array<i32>} : memref<80x16xf32, #tpu.memory_space<vmem>>, vector<1x16xf32>,
    %swap3A_397 = vector.shape_cast %swap3A_396 : vector<1x16xf32> to vector<16xf32>
    %swap3A_398 = vector.shape_cast %broadcast_in_dim3A_392 : vector<16xf32> to vector<1x16xf32>
    tpu.vector_store %arg6[%swap3A_394, %swap3A_395], %swap3A_398 {strides = array<i32>} : memref<80x16xf32, #tpu.memory_space<vmem>>, vector<1x16xf32>,
    %broadcast_in_dim3A_399 = arith.constant 1.000000e+00 : f32
    %broadcast_in_dim3A_400 = vector.broadcast %broadcast_in_dim3A_399 : f32 to vector<16xf32>
    %swap3A_401 = arith.constant 50 : i32
    %swap3A_402 = arith.index_cast %swap3A_401 : i32 to index
    %swap3A_403 = arith.constant 0 : index
    %swap3A_404 = tpu.vector_load %arg6[%swap3A_402, %swap3A_403] {strides = array<i32>} : memref<80x16xf32, #tpu.memory_space<vmem>>, vector<1x16xf32>,
    %swap3A_405 = vector.shape_cast %swap3A_404 : vector<1x16xf32> to vector<16xf32>
    %swap3A_406 = vector.shape_cast %broadcast_in_dim3A_400 : vector<16xf32> to vector<1x16xf32>
    tpu.vector_store %arg6[%swap3A_402, %swap3A_403], %swap3A_406 {strides = array<i32>} : memref<80x16xf32, #tpu.memory_space<vmem>>, vector<1x16xf32>,
    %broadcast_in_dim3A_407 = arith.constant 1.000000e+00 : f32
    %broadcast_in_dim3A_408 = vector.broadcast %broadcast_in_dim3A_407 : f32 to vector<16xf32>
    %swap3A_409 = arith.constant 51 : i32
    %swap3A_410 = arith.index_cast %swap3A_409 : i32 to index
    %swap3A_411 = arith.constant 0 : index
    %swap3A_412 = tpu.vector_load %arg6[%swap3A_410, %swap3A_411] {strides = array<i32>} : memref<80x16xf32, #tpu.memory_space<vmem>>, vector<1x16xf32>,
    %swap3A_413 = vector.shape_cast %swap3A_412 : vector<1x16xf32> to vector<16xf32>
    %swap3A_414 = vector.shape_cast %broadcast_in_dim3A_408 : vector<16xf32> to vector<1x16xf32>
    tpu.vector_store %arg6[%swap3A_410, %swap3A_411], %swap3A_414 {strides = array<i32>} : memref<80x16xf32, #tpu.memory_space<vmem>>, vector<1x16xf32>,
    %broadcast_in_dim3A_415 = arith.constant 1.000000e+00 : f32
    %broadcast_in_dim3A_416 = vector.broadcast %broadcast_in_dim3A_415 : f32 to vector<16xf32>
    %swap3A_417 = arith.constant 52 : i32
    %swap3A_418 = arith.index_cast %swap3A_417 : i32 to index
    %swap3A_419 = arith.constant 0 : index
    %swap3A_420 = tpu.vector_load %arg6[%swap3A_418, %swap3A_419] {strides = array<i32>} : memref<80x16xf32, #tpu.memory_space<vmem>>, vector<1x16xf32>,
    %swap3A_421 = vector.shape_cast %swap3A_420 : vector<1x16xf32> to vector<16xf32>
    %swap3A_422 = vector.shape_cast %broadcast_in_dim3A_416 : vector<16xf32> to vector<1x16xf32>
    tpu.vector_store %arg6[%swap3A_418, %swap3A_419], %swap3A_422 {strides = array<i32>} : memref<80x16xf32, #tpu.memory_space<vmem>>, vector<1x16xf32>,
    %broadcast_in_dim3A_423 = arith.constant 1.000000e+00 : f32
    %broadcast_in_dim3A_424 = vector.broadcast %broadcast_in_dim3A_423 : f32 to vector<16xf32>
    %swap3A_425 = arith.constant 53 : i32
    %swap3A_426 = arith.index_cast %swap3A_425 : i32 to index
    %swap3A_427 = arith.constant 0 : index
    %swap3A_428 = tpu.vector_load %arg6[%swap3A_426, %swap3A_427] {strides = array<i32>} : memref<80x16xf32, #tpu.memory_space<vmem>>, vector<1x16xf32>,
    %swap3A_429 = vector.shape_cast %swap3A_428 : vector<1x16xf32> to vector<16xf32>
    %swap3A_430 = vector.shape_cast %broadcast_in_dim3A_424 : vector<16xf32> to vector<1x16xf32>
    tpu.vector_store %arg6[%swap3A_426, %swap3A_427], %swap3A_430 {strides = array<i32>} : memref<80x16xf32, #tpu.memory_space<vmem>>, vector<1x16xf32>,
    %broadcast_in_dim3A_431 = arith.constant 1.000000e+00 : f32
    %broadcast_in_dim3A_432 = vector.broadcast %broadcast_in_dim3A_431 : f32 to vector<16xf32>
    %swap3A_433 = arith.constant 54 : i32
    %swap3A_434 = arith.index_cast %swap3A_433 : i32 to index
    %swap3A_435 = arith.constant 0 : index
    %swap3A_436 = tpu.vector_load %arg6[%swap3A_434, %swap3A_435] {strides = array<i32>} : memref<80x16xf32, #tpu.memory_space<vmem>>, vector<1x16xf32>,
    %swap3A_437 = vector.shape_cast %swap3A_436 : vector<1x16xf32> to vector<16xf32>
    %swap3A_438 = vector.shape_cast %broadcast_in_dim3A_432 : vector<16xf32> to vector<1x16xf32>
    tpu.vector_store %arg6[%swap3A_434, %swap3A_435], %swap3A_438 {strides = array<i32>} : memref<80x16xf32, #tpu.memory_space<vmem>>, vector<1x16xf32>,
    %broadcast_in_dim3A_439 = arith.constant 1.000000e+00 : f32
    %broadcast_in_dim3A_440 = vector.broadcast %broadcast_in_dim3A_439 : f32 to vector<16xf32>
    %swap3A_441 = arith.constant 55 : i32
    %swap3A_442 = arith.index_cast %swap3A_441 : i32 to index
    %swap3A_443 = arith.constant 0 : index
    %swap3A_444 = tpu.vector_load %arg6[%swap3A_442, %swap3A_443] {strides = array<i32>} : memref<80x16xf32, #tpu.memory_space<vmem>>, vector<1x16xf32>,
    %swap3A_445 = vector.shape_cast %swap3A_444 : vector<1x16xf32> to vector<16xf32>
    %swap3A_446 = vector.shape_cast %broadcast_in_dim3A_440 : vector<16xf32> to vector<1x16xf32>
    tpu.vector_store %arg6[%swap3A_442, %swap3A_443], %swap3A_446 {strides = array<i32>} : memref<80x16xf32, #tpu.memory_space<vmem>>, vector<1x16xf32>,
    %broadcast_in_dim3A_447 = arith.constant 1.000000e+00 : f32
    %broadcast_in_dim3A_448 = vector.broadcast %broadcast_in_dim3A_447 : f32 to vector<16xf32>
    %swap3A_449 = arith.constant 56 : i32
    %swap3A_450 = arith.index_cast %swap3A_449 : i32 to index
    %swap3A_451 = arith.constant 0 : index
    %swap3A_452 = tpu.vector_load %arg6[%swap3A_450, %swap3A_451] {strides = array<i32>} : memref<80x16xf32, #tpu.memory_space<vmem>>, vector<1x16xf32>,
    %swap3A_453 = vector.shape_cast %swap3A_452 : vector<1x16xf32> to vector<16xf32>
    %swap3A_454 = vector.shape_cast %broadcast_in_dim3A_448 : vector<16xf32> to vector<1x16xf32>
    tpu.vector_store %arg6[%swap3A_450, %swap3A_451], %swap3A_454 {strides = array<i32>} : memref<80x16xf32, #tpu.memory_space<vmem>>, vector<1x16xf32>,
    %broadcast_in_dim3A_455 = arith.constant 1.000000e+00 : f32
    %broadcast_in_dim3A_456 = vector.broadcast %broadcast_in_dim3A_455 : f32 to vector<16xf32>
    %swap3A_457 = arith.constant 57 : i32
    %swap3A_458 = arith.index_cast %swap3A_457 : i32 to index
    %swap3A_459 = arith.constant 0 : index
    %swap3A_460 = tpu.vector_load %arg6[%swap3A_458, %swap3A_459] {strides = array<i32>} : memref<80x16xf32, #tpu.memory_space<vmem>>, vector<1x16xf32>,
    %swap3A_461 = vector.shape_cast %swap3A_460 : vector<1x16xf32> to vector<16xf32>
    %swap3A_462 = vector.shape_cast %broadcast_in_dim3A_456 : vector<16xf32> to vector<1x16xf32>
    tpu.vector_store %arg6[%swap3A_458, %swap3A_459], %swap3A_462 {strides = array<i32>} : memref<80x16xf32, #tpu.memory_space<vmem>>, vector<1x16xf32>,
    %broadcast_in_dim3A_463 = arith.constant 1.000000e+00 : f32
    %broadcast_in_dim3A_464 = vector.broadcast %broadcast_in_dim3A_463 : f32 to vector<16xf32>
    %swap3A_465 = arith.constant 58 : i32
    %swap3A_466 = arith.index_cast %swap3A_465 : i32 to index
    %swap3A_467 = arith.constant 0 : index
    %swap3A_468 = tpu.vector_load %arg6[%swap3A_466, %swap3A_467] {strides = array<i32>} : memref<80x16xf32, #tpu.memory_space<vmem>>, vector<1x16xf32>,
    %swap3A_469 = vector.shape_cast %swap3A_468 : vector<1x16xf32> to vector<16xf32>
    %swap3A_470 = vector.shape_cast %broadcast_in_dim3A_464 : vector<16xf32> to vector<1x16xf32>
    tpu.vector_store %arg6[%swap3A_466, %swap3A_467], %swap3A_470 {strides = array<i32>} : memref<80x16xf32, #tpu.memory_space<vmem>>, vector<1x16xf32>,
    %broadcast_in_dim3A_471 = arith.constant 1.000000e+00 : f32
    %broadcast_in_dim3A_472 = vector.broadcast %broadcast_in_dim3A_471 : f32 to vector<16xf32>
    %swap3A_473 = arith.constant 59 : i32
    %swap3A_474 = arith.index_cast %swap3A_473 : i32 to index
    %swap3A_475 = arith.constant 0 : index
    %swap3A_476 = tpu.vector_load %arg6[%swap3A_474, %swap3A_475] {strides = array<i32>} : memref<80x16xf32, #tpu.memory_space<vmem>>, vector<1x16xf32>,
    %swap3A_477 = vector.shape_cast %swap3A_476 : vector<1x16xf32> to vector<16xf32>
    %swap3A_478 = vector.shape_cast %broadcast_in_dim3A_472 : vector<16xf32> to vector<1x16xf32>
    tpu.vector_store %arg6[%swap3A_474, %swap3A_475], %swap3A_478 {strides = array<i32>} : memref<80x16xf32, #tpu.memory_space<vmem>>, vector<1x16xf32>,
    %broadcast_in_dim3A_479 = arith.constant 1.000000e+00 : f32
    %broadcast_in_dim3A_480 = vector.broadcast %broadcast_in_dim3A_479 : f32 to vector<16xf32>
    %swap3A_481 = arith.constant 60 : i32
    %swap3A_482 = arith.index_cast %swap3A_481 : i32 to index
    %swap3A_483 = arith.constant 0 : index
    %swap3A_484 = tpu.vector_load %arg6[%swap3A_482, %swap3A_483] {strides = array<i32>} : memref<80x16xf32, #tpu.memory_space<vmem>>, vector<1x16xf32>,
    %swap3A_485 = vector.shape_cast %swap3A_484 : vector<1x16xf32> to vector<16xf32>
    %swap3A_486 = vector.shape_cast %broadcast_in_dim3A_480 : vector<16xf32> to vector<1x16xf32>
    tpu.vector_store %arg6[%swap3A_482, %swap3A_483], %swap3A_486 {strides = array<i32>} : memref<80x16xf32, #tpu.memory_space<vmem>>, vector<1x16xf32>,
    %broadcast_in_dim3A_487 = arith.constant 1.000000e+00 : f32
    %broadcast_in_dim3A_488 = vector.broadcast %broadcast_in_dim3A_487 : f32 to vector<16xf32>
    %swap3A_489 = arith.constant 61 : i32
    %swap3A_490 = arith.index_cast %swap3A_489 : i32 to index
    %swap3A_491 = arith.constant 0 : index
    %swap3A_492 = tpu.vector_load %arg6[%swap3A_490, %swap3A_491] {strides = array<i32>} : memref<80x16xf32, #tpu.memory_space<vmem>>, vector<1x16xf32>,
    %swap3A_493 = vector.shape_cast %swap3A_492 : vector<1x16xf32> to vector<16xf32>
    %swap3A_494 = vector.shape_cast %broadcast_in_dim3A_488 : vector<16xf32> to vector<1x16xf32>
    tpu.vector_store %arg6[%swap3A_490, %swap3A_491], %swap3A_494 {strides = array<i32>} : memref<80x16xf32, #tpu.memory_space<vmem>>, vector<1x16xf32>,
    %broadcast_in_dim3A_495 = arith.constant 1.000000e+00 : f32
    %broadcast_in_dim3A_496 = vector.broadcast %broadcast_in_dim3A_495 : f32 to vector<16xf32>
    %swap3A_497 = arith.constant 62 : i32
    %swap3A_498 = arith.index_cast %swap3A_497 : i32 to index
    %swap3A_499 = arith.constant 0 : index
    %swap3A_500 = tpu.vector_load %arg6[%swap3A_498, %swap3A_499] {strides = array<i32>} : memref<80x16xf32, #tpu.memory_space<vmem>>, vector<1x16xf32>,
    %swap3A_501 = vector.shape_cast %swap3A_500 : vector<1x16xf32> to vector<16xf32>
    %swap3A_502 = vector.shape_cast %broadcast_in_dim3A_496 : vector<16xf32> to vector<1x16xf32>
    tpu.vector_store %arg6[%swap3A_498, %swap3A_499], %swap3A_502 {strides = array<i32>} : memref<80x16xf32, #tpu.memory_space<vmem>>, vector<1x16xf32>,
    %broadcast_in_dim3A_503 = arith.constant 1.000000e+00 : f32
    %broadcast_in_dim3A_504 = vector.broadcast %broadcast_in_dim3A_503 : f32 to vector<16xf32>
    %swap3A_505 = arith.constant 63 : i32
    %swap3A_506 = arith.index_cast %swap3A_505 : i32 to index
    %swap3A_507 = arith.constant 0 : index
    %swap3A_508 = tpu.vector_load %arg6[%swap3A_506, %swap3A_507] {strides = array<i32>} : memref<80x16xf32, #tpu.memory_space<vmem>>, vector<1x16xf32>,
    %swap3A_509 = vector.shape_cast %swap3A_508 : vector<1x16xf32> to vector<16xf32>
    %swap3A_510 = vector.shape_cast %broadcast_in_dim3A_504 : vector<16xf32> to vector<1x16xf32>
    tpu.vector_store %arg6[%swap3A_506, %swap3A_507], %swap3A_510 {strides = array<i32>} : memref<80x16xf32, #tpu.memory_space<vmem>>, vector<1x16xf32>,
    %broadcast_in_dim3A_511 = arith.constant 1.000000e+00 : f32
    %broadcast_in_dim3A_512 = vector.broadcast %broadcast_in_dim3A_511 : f32 to vector<16xf32>
    %swap3A_513 = arith.constant 64 : i32
    %swap3A_514 = arith.index_cast %swap3A_513 : i32 to index
    %swap3A_515 = arith.constant 0 : index
    %swap3A_516 = tpu.vector_load %arg6[%swap3A_514, %swap3A_515] {strides = array<i32>} : memref<80x16xf32, #tpu.memory_space<vmem>>, vector<1x16xf32>,
    %swap3A_517 = vector.shape_cast %swap3A_516 : vector<1x16xf32> to vector<16xf32>
    %swap3A_518 = vector.shape_cast %broadcast_in_dim3A_512 : vector<16xf32> to vector<1x16xf32>
    tpu.vector_store %arg6[%swap3A_514, %swap3A_515], %swap3A_518 {strides = array<i32>} : memref<80x16xf32, #tpu.memory_space<vmem>>, vector<1x16xf32>,
    %broadcast_in_dim3A_519 = arith.constant 1.000000e+00 : f32
    %broadcast_in_dim3A_520 = vector.broadcast %broadcast_in_dim3A_519 : f32 to vector<16xf32>
    %swap3A_521 = arith.constant 65 : i32
    %swap3A_522 = arith.index_cast %swap3A_521 : i32 to index
    %swap3A_523 = arith.constant 0 : index
    %swap3A_524 = tpu.vector_load %arg6[%swap3A_522, %swap3A_523] {strides = array<i32>} : memref<80x16xf32, #tpu.memory_space<vmem>>, vector<1x16xf32>,
    %swap3A_525 = vector.shape_cast %swap3A_524 : vector<1x16xf32> to vector<16xf32>
    %swap3A_526 = vector.shape_cast %broadcast_in_dim3A_520 : vector<16xf32> to vector<1x16xf32>
    tpu.vector_store %arg6[%swap3A_522, %swap3A_523], %swap3A_526 {strides = array<i32>} : memref<80x16xf32, #tpu.memory_space<vmem>>, vector<1x16xf32>,
    %broadcast_in_dim3A_527 = arith.constant 1.000000e+00 : f32
    %broadcast_in_dim3A_528 = vector.broadcast %broadcast_in_dim3A_527 : f32 to vector<16xf32>
    %swap3A_529 = arith.constant 66 : i32
    %swap3A_530 = arith.index_cast %swap3A_529 : i32 to index
    %swap3A_531 = arith.constant 0 : index
    %swap3A_532 = tpu.vector_load %arg6[%swap3A_530, %swap3A_531] {strides = array<i32>} : memref<80x16xf32, #tpu.memory_space<vmem>>, vector<1x16xf32>,
    %swap3A_533 = vector.shape_cast %swap3A_532 : vector<1x16xf32> to vector<16xf32>
    %swap3A_534 = vector.shape_cast %broadcast_in_dim3A_528 : vector<16xf32> to vector<1x16xf32>
    tpu.vector_store %arg6[%swap3A_530, %swap3A_531], %swap3A_534 {strides = array<i32>} : memref<80x16xf32, #tpu.memory_space<vmem>>, vector<1x16xf32>,
    %broadcast_in_dim3A_535 = arith.constant 1.000000e+00 : f32
    %broadcast_in_dim3A_536 = vector.broadcast %broadcast_in_dim3A_535 : f32 to vector<16xf32>
    %swap3A_537 = arith.constant 67 : i32
    %swap3A_538 = arith.index_cast %swap3A_537 : i32 to index
    %swap3A_539 = arith.constant 0 : index
    %swap3A_540 = tpu.vector_load %arg6[%swap3A_538, %swap3A_539] {strides = array<i32>} : memref<80x16xf32, #tpu.memory_space<vmem>>, vector<1x16xf32>,
    %swap3A_541 = vector.shape_cast %swap3A_540 : vector<1x16xf32> to vector<16xf32>
    %swap3A_542 = vector.shape_cast %broadcast_in_dim3A_536 : vector<16xf32> to vector<1x16xf32>
    tpu.vector_store %arg6[%swap3A_538, %swap3A_539], %swap3A_542 {strides = array<i32>} : memref<80x16xf32, #tpu.memory_space<vmem>>, vector<1x16xf32>,
    %broadcast_in_dim3A_543 = arith.constant 1.000000e+00 : f32
    %broadcast_in_dim3A_544 = vector.broadcast %broadcast_in_dim3A_543 : f32 to vector<16xf32>
    %swap3A_545 = arith.constant 68 : i32
    %swap3A_546 = arith.index_cast %swap3A_545 : i32 to index
    %swap3A_547 = arith.constant 0 : index
    %swap3A_548 = tpu.vector_load %arg6[%swap3A_546, %swap3A_547] {strides = array<i32>} : memref<80x16xf32, #tpu.memory_space<vmem>>, vector<1x16xf32>,
    %swap3A_549 = vector.shape_cast %swap3A_548 : vector<1x16xf32> to vector<16xf32>
    %swap3A_550 = vector.shape_cast %broadcast_in_dim3A_544 : vector<16xf32> to vector<1x16xf32>
    tpu.vector_store %arg6[%swap3A_546, %swap3A_547], %swap3A_550 {strides = array<i32>} : memref<80x16xf32, #tpu.memory_space<vmem>>, vector<1x16xf32>,
    %broadcast_in_dim3A_551 = arith.constant 1.000000e+00 : f32
    %broadcast_in_dim3A_552 = vector.broadcast %broadcast_in_dim3A_551 : f32 to vector<16xf32>
    %swap3A_553 = arith.constant 69 : i32
    %swap3A_554 = arith.index_cast %swap3A_553 : i32 to index
    %swap3A_555 = arith.constant 0 : index
    %swap3A_556 = tpu.vector_load %arg6[%swap3A_554, %swap3A_555] {strides = array<i32>} : memref<80x16xf32, #tpu.memory_space<vmem>>, vector<1x16xf32>,
    %swap3A_557 = vector.shape_cast %swap3A_556 : vector<1x16xf32> to vector<16xf32>
    %swap3A_558 = vector.shape_cast %broadcast_in_dim3A_552 : vector<16xf32> to vector<1x16xf32>
    tpu.vector_store %arg6[%swap3A_554, %swap3A_555], %swap3A_558 {strides = array<i32>} : memref<80x16xf32, #tpu.memory_space<vmem>>, vector<1x16xf32>,
    %broadcast_in_dim3A_559 = arith.constant 1.000000e+00 : f32
    %broadcast_in_dim3A_560 = vector.broadcast %broadcast_in_dim3A_559 : f32 to vector<16xf32>
    %swap3A_561 = arith.constant 70 : i32
    %swap3A_562 = arith.index_cast %swap3A_561 : i32 to index
    %swap3A_563 = arith.constant 0 : index
    %swap3A_564 = tpu.vector_load %arg6[%swap3A_562, %swap3A_563] {strides = array<i32>} : memref<80x16xf32, #tpu.memory_space<vmem>>, vector<1x16xf32>,
    %swap3A_565 = vector.shape_cast %swap3A_564 : vector<1x16xf32> to vector<16xf32>
    %swap3A_566 = vector.shape_cast %broadcast_in_dim3A_560 : vector<16xf32> to vector<1x16xf32>
    tpu.vector_store %arg6[%swap3A_562, %swap3A_563], %swap3A_566 {strides = array<i32>} : memref<80x16xf32, #tpu.memory_space<vmem>>, vector<1x16xf32>,
    %broadcast_in_dim3A_567 = arith.constant 1.000000e+00 : f32
    %broadcast_in_dim3A_568 = vector.broadcast %broadcast_in_dim3A_567 : f32 to vector<16xf32>
    %swap3A_569 = arith.constant 71 : i32
    %swap3A_570 = arith.index_cast %swap3A_569 : i32 to index
    %swap3A_571 = arith.constant 0 : index
    %swap3A_572 = tpu.vector_load %arg6[%swap3A_570, %swap3A_571] {strides = array<i32>} : memref<80x16xf32, #tpu.memory_space<vmem>>, vector<1x16xf32>,
    %swap3A_573 = vector.shape_cast %swap3A_572 : vector<1x16xf32> to vector<16xf32>
    %swap3A_574 = vector.shape_cast %broadcast_in_dim3A_568 : vector<16xf32> to vector<1x16xf32>
    tpu.vector_store %arg6[%swap3A_570, %swap3A_571], %swap3A_574 {strides = array<i32>} : memref<80x16xf32, #tpu.memory_space<vmem>>, vector<1x16xf32>,
    %broadcast_in_dim3A_575 = arith.constant 1.000000e+00 : f32
    %broadcast_in_dim3A_576 = vector.broadcast %broadcast_in_dim3A_575 : f32 to vector<16xf32>
    %swap3A_577 = arith.constant 72 : i32
    %swap3A_578 = arith.index_cast %swap3A_577 : i32 to index
    %swap3A_579 = arith.constant 0 : index
    %swap3A_580 = tpu.vector_load %arg6[%swap3A_578, %swap3A_579] {strides = array<i32>} : memref<80x16xf32, #tpu.memory_space<vmem>>, vector<1x16xf32>,
    %swap3A_581 = vector.shape_cast %swap3A_580 : vector<1x16xf32> to vector<16xf32>
    %swap3A_582 = vector.shape_cast %broadcast_in_dim3A_576 : vector<16xf32> to vector<1x16xf32>
    tpu.vector_store %arg6[%swap3A_578, %swap3A_579], %swap3A_582 {strides = array<i32>} : memref<80x16xf32, #tpu.memory_space<vmem>>, vector<1x16xf32>,
    %broadcast_in_dim3A_583 = arith.constant 1.000000e+00 : f32
    %broadcast_in_dim3A_584 = vector.broadcast %broadcast_in_dim3A_583 : f32 to vector<16xf32>
    %swap3A_585 = arith.constant 73 : i32
    %swap3A_586 = arith.index_cast %swap3A_585 : i32 to index
    %swap3A_587 = arith.constant 0 : index
    %swap3A_588 = tpu.vector_load %arg6[%swap3A_586, %swap3A_587] {strides = array<i32>} : memref<80x16xf32, #tpu.memory_space<vmem>>, vector<1x16xf32>,
    %swap3A_589 = vector.shape_cast %swap3A_588 : vector<1x16xf32> to vector<16xf32>
    %swap3A_590 = vector.shape_cast %broadcast_in_dim3A_584 : vector<16xf32> to vector<1x16xf32>
    tpu.vector_store %arg6[%swap3A_586, %swap3A_587], %swap3A_590 {strides = array<i32>} : memref<80x16xf32, #tpu.memory_space<vmem>>, vector<1x16xf32>,
    %broadcast_in_dim3A_591 = arith.constant 1.000000e+00 : f32
    %broadcast_in_dim3A_592 = vector.broadcast %broadcast_in_dim3A_591 : f32 to vector<16xf32>
    %swap3A_593 = arith.constant 74 : i32
    %swap3A_594 = arith.index_cast %swap3A_593 : i32 to index
    %swap3A_595 = arith.constant 0 : index
    %swap3A_596 = tpu.vector_load %arg6[%swap3A_594, %swap3A_595] {strides = array<i32>} : memref<80x16xf32, #tpu.memory_space<vmem>>, vector<1x16xf32>,
    %swap3A_597 = vector.shape_cast %swap3A_596 : vector<1x16xf32> to vector<16xf32>
    %swap3A_598 = vector.shape_cast %broadcast_in_dim3A_592 : vector<16xf32> to vector<1x16xf32>
    tpu.vector_store %arg6[%swap3A_594, %swap3A_595], %swap3A_598 {strides = array<i32>} : memref<80x16xf32, #tpu.memory_space<vmem>>, vector<1x16xf32>,
    %broadcast_in_dim3A_599 = arith.constant 1.000000e+00 : f32
    %broadcast_in_dim3A_600 = vector.broadcast %broadcast_in_dim3A_599 : f32 to vector<16xf32>
    %swap3A_601 = arith.constant 75 : i32
    %swap3A_602 = arith.index_cast %swap3A_601 : i32 to index
    %swap3A_603 = arith.constant 0 : index
    %swap3A_604 = tpu.vector_load %arg6[%swap3A_602, %swap3A_603] {strides = array<i32>} : memref<80x16xf32, #tpu.memory_space<vmem>>, vector<1x16xf32>,
    %swap3A_605 = vector.shape_cast %swap3A_604 : vector<1x16xf32> to vector<16xf32>
    %swap3A_606 = vector.shape_cast %broadcast_in_dim3A_600 : vector<16xf32> to vector<1x16xf32>
    tpu.vector_store %arg6[%swap3A_602, %swap3A_603], %swap3A_606 {strides = array<i32>} : memref<80x16xf32, #tpu.memory_space<vmem>>, vector<1x16xf32>,
    %broadcast_in_dim3A_607 = arith.constant 1.000000e+00 : f32
    %broadcast_in_dim3A_608 = vector.broadcast %broadcast_in_dim3A_607 : f32 to vector<16xf32>
    %swap3A_609 = arith.constant 76 : i32
    %swap3A_610 = arith.index_cast %swap3A_609 : i32 to index
    %swap3A_611 = arith.constant 0 : index
    %swap3A_612 = tpu.vector_load %arg6[%swap3A_610, %swap3A_611] {strides = array<i32>} : memref<80x16xf32, #tpu.memory_space<vmem>>, vector<1x16xf32>,
    %swap3A_613 = vector.shape_cast %swap3A_612 : vector<1x16xf32> to vector<16xf32>
    %swap3A_614 = vector.shape_cast %broadcast_in_dim3A_608 : vector<16xf32> to vector<1x16xf32>
    tpu.vector_store %arg6[%swap3A_610, %swap3A_611], %swap3A_614 {strides = array<i32>} : memref<80x16xf32, #tpu.memory_space<vmem>>, vector<1x16xf32>,
    %broadcast_in_dim3A_615 = arith.constant 1.000000e+00 : f32
    %broadcast_in_dim3A_616 = vector.broadcast %broadcast_in_dim3A_615 : f32 to vector<16xf32>
    %swap3A_617 = arith.constant 77 : i32
    %swap3A_618 = arith.index_cast %swap3A_617 : i32 to index
    %swap3A_619 = arith.constant 0 : index
    %swap3A_620 = tpu.vector_load %arg6[%swap3A_618, %swap3A_619] {strides = array<i32>} : memref<80x16xf32, #tpu.memory_space<vmem>>, vector<1x16xf32>,
    %swap3A_621 = vector.shape_cast %swap3A_620 : vector<1x16xf32> to vector<16xf32>
    %swap3A_622 = vector.shape_cast %broadcast_in_dim3A_616 : vector<16xf32> to vector<1x16xf32>
    tpu.vector_store %arg6[%swap3A_618, %swap3A_619], %swap3A_622 {strides = array<i32>} : memref<80x16xf32, #tpu.memory_space<vmem>>, vector<1x16xf32>,
    %broadcast_in_dim3A_623 = arith.constant 1.000000e+00 : f32
    %broadcast_in_dim3A_624 = vector.broadcast %broadcast_in_dim3A_623 : f32 to vector<16xf32>
    %swap3A_625 = arith.constant 78 : i32
    %swap3A_626 = arith.index_cast %swap3A_625 : i32 to index
    %swap3A_627 = arith.constant 0 : index
    %swap3A_628 = tpu.vector_load %arg6[%swap3A_626, %swap3A_627] {strides = array<i32>} : memref<80x16xf32, #tpu.memory_space<vmem>>, vector<1x16xf32>,
    %swap3A_629 = vector.shape_cast %swap3A_628 : vector<1x16xf32> to vector<16xf32>
    %swap3A_630 = vector.shape_cast %broadcast_in_dim3A_624 : vector<16xf32> to vector<1x16xf32>
    tpu.vector_store %arg6[%swap3A_626, %swap3A_627], %swap3A_630 {strides = array<i32>} : memref<80x16xf32, #tpu.memory_space<vmem>>, vector<1x16xf32>,
    %broadcast_in_dim3A_631 = arith.constant 1.000000e+00 : f32
    %broadcast_in_dim3A_632 = vector.broadcast %broadcast_in_dim3A_631 : f32 to vector<16xf32>
    %swap3A_633 = arith.constant 79 : i32
    %swap3A_634 = arith.index_cast %swap3A_633 : i32 to index
    %swap3A_635 = arith.constant 0 : index
    %swap3A_636 = tpu.vector_load %arg6[%swap3A_634, %swap3A_635] {strides = array<i32>} : memref<80x16xf32, #tpu.memory_space<vmem>>, vector<1x16xf32>,
    %swap3A_637 = vector.shape_cast %swap3A_636 : vector<1x16xf32> to vector<16xf32>
    %swap3A_638 = vector.shape_cast %broadcast_in_dim3A_632 : vector<16xf32> to vector<1x16xf32>
    tpu.vector_store %arg6[%swap3A_634, %swap3A_635], %swap3A_638 {strides = array<i32>} : memref<80x16xf32, #tpu.memory_space<vmem>>, vector<1x16xf32>,
    "tpu.region"() ({
      %run_scoped3A = tpu.sem_alloc : memref<!tpu.dma_semaphore, #tpu.memory_space<semaphore_mem>>
      %dma_start3A = arith.constant 0 : i32
      %dma_start3A_707 = arith.constant 0 : i32
      %dma_start3A_708 = tpu.memref_slice %arg2[%add3A, %dma_start3A, %dma_start3A_707] : memref<32x125x80xi32, #tpu.memory_space<hbm>> -> memref<1x125x80xi32, #tpu.memory_space<hbm>>
      %dma_start3A_709 = tpu.memref_squeeze %dma_start3A_708 : memref<1x125x80xi32, #tpu.memory_space<hbm>> -> memref<125x80xi32, #tpu.memory_space<hbm>>
      %dma_start3A_710 = arith.constant 0 : i32
      %dma_start3A_711 = arith.constant 0 : i32
      %dma_start3A_712 = tpu.memref_slice %arg2[%add3A, %dma_start3A_710, %dma_start3A_711] : memref<32x125x80xi32, #tpu.memory_space<hbm>> -> memref<1x125x80xi32, #tpu.memory_space<hbm>>
      %dma_start3A_713 = tpu.memref_squeeze %dma_start3A_712 : memref<1x125x80xi32, #tpu.memory_space<hbm>> -> memref<125x80xi32, #tpu.memory_space<hbm>>
      tpu.enqueue_dma source(%dma_start3A_713 : memref<125x80xi32, #tpu.memory_space<hbm>>) target(%arg5 : memref<125x80xi32, #tpu.memory_space<vmem>>) target_semaphore(%run_scoped3A : memref<!tpu.dma_semaphore, #tpu.memory_space<semaphore_mem>>)
      %dma_wait3A_714 = arith.constant 0 : i32
      %dma_wait3A_715 = arith.constant 0 : i32
      %dma_wait3A_716 = tpu.memref_slice %arg2[%add3A, %dma_wait3A_714, %dma_wait3A_715] : memref<32x125x80xi32, #tpu.memory_space<hbm>> -> memref<1x125x80xi32, #tpu.memory_space<hbm>>
      %dma_wait3A_717 = tpu.memref_squeeze %dma_wait3A_716 : memref<1x125x80xi32, #tpu.memory_space<hbm>> -> memref<125x80xi32, #tpu.memory_space<hbm>>
      %dma_wait3A_718 = arith.constant 0 : i32
      %dma_wait3A_719 = arith.constant 0 : i32
      %dma_wait3A_720 = tpu.memref_slice %arg2[%add3A, %dma_wait3A_718, %dma_wait3A_719] : memref<32x125x80xi32, #tpu.memory_space<hbm>> -> memref<1x125x80xi32, #tpu.memory_space<hbm>>
      %dma_wait3A_721 = tpu.memref_squeeze %dma_wait3A_720 : memref<1x125x80xi32, #tpu.memory_space<hbm>> -> memref<125x80xi32, #tpu.memory_space<hbm>>
      tpu.wait_dma2 semaphore(%run_scoped3A : memref<!tpu.dma_semaphore, #tpu.memory_space<semaphore_mem>>) src(%dma_wait3A_721 : memref<125x80xi32, #tpu.memory_space<hbm>>) dst(%arg5 : memref<125x80xi32, #tpu.memory_space<vmem>>)
      tpu.yield
    }) : () -> ()
    %eq3A = arith.constant 0 : i32
    %eq3A_639 = arith.cmpi eq, %arg1, %eq3A : i32
    %convert_element_type3A = arith.extui %eq3A_639 : i1 to i32
    %cond3A = arith.constant 0 : i32
    %cond3A_640 = arith.cmpi ne, %convert_element_type3A, %cond3A : i32
    scf.if %cond3A_640 {
      "tpu.region"() ({
        %run_scoped3A = tpu.sem_alloc : memref<!tpu.dma_semaphore, #tpu.memory_space<semaphore_mem>>
        tpu.enqueue_dma source(%arg3 : memref<10000x16xf32, #tpu.memory_space<hbm>>) target(%arg7 : memref<10000x16xf32, #tpu.memory_space<vmem_shared>>) target_semaphore(%run_scoped3A : memref<!tpu.dma_semaphore, #tpu.memory_space<semaphore_mem>>)
        tpu.wait_dma2 semaphore(%run_scoped3A : memref<!tpu.dma_semaphore, #tpu.memory_space<semaphore_mem>>) src(%arg3 : memref<10000x16xf32, #tpu.memory_space<hbm>>) dst(%arg7 : memref<10000x16xf32, #tpu.memory_space<vmem_shared>>)
        tpu.yield
      }) : () -> ()
    } else {
    }
    %barrier3A = arith.constant 0 : index
    tpu.barrier barrier_id(%barrier3A)
    %scan3A = arith.constant 0 : i32
    %scan3A_641 = arith.constant 0 : i32
    %scan3A_642 = arith.constant 125 : i32
    %scan3A_643 = arith.addi %scan3A_641, %scan3A_642 : i32
    %scan3A_644 = arith.constant 1 : i32
    scf.for %scan3A_707 = %scan3A_641 to %scan3A_643 step %scan3A_644  : i32 {
      %dma_start3A = arith.constant 0 : i32
      %dma_start3A_708 = tpu.memref_slice %arg5[%scan3A_707, %dma_start3A] : memref<125x80xi32, #tpu.memory_space<vmem>> -> memref<1x80xi32, #tpu.memory_space<vmem>>
      %dma_start3A_709 = tpu.memref_squeeze %dma_start3A_708 : memref<1x80xi32, #tpu.memory_space<vmem>> -> memref<80xi32, #tpu.memory_space<vmem>>
      %dma_start3A_710 = arith.constant 0 : i32
      %dma_start3A_711 = arith.constant 0 : i32
      %dma_start3A_712 = tpu.memref_slice %arg7[%dma_start3A_710, %dma_start3A_711] : memref<10000x16xf32, #tpu.memory_space<vmem_shared>> -> memref<10000x16xf32, #tpu.memory_space<vmem_shared>>
      tpu.enqueue_indirect_dma source(%arg6 : memref<80x16xf32, #tpu.memory_space<vmem>>) target(%dma_start3A_712 : memref<10000x16xf32, #tpu.memory_space<vmem_shared>>) offsets(%dma_start3A_709 : memref<80xi32, #tpu.memory_space<vmem>>) semaphore(%arg8 : memref<!tpu.dma_semaphore, #tpu.memory_space<semaphore_mem>>) {add = true}
      %ge3A = arith.constant 8 : i32
      %ge3A_713 = arith.cmpi sge, %scan3A_707, %ge3A : i32
      %convert_element_type3A_714 = arith.extui %ge3A_713 : i1 to i32
      %cond3A_715 = arith.constant 0 : i32
      %cond3A_716 = arith.cmpi ne, %convert_element_type3A_714, %cond3A_715 : i32
      scf.if %cond3A_716 {
        %dma_wait3A_717 = arith.constant 0 : i32
        %dma_wait3A_718 = tpu.memref_slice %arg5[%scan3A_707, %dma_wait3A_717] : memref<125x80xi32, #tpu.memory_space<vmem>> -> memref<1x80xi32, #tpu.memory_space<vmem>>
        %dma_wait3A_719 = tpu.memref_squeeze %dma_wait3A_718 : memref<1x80xi32, #tpu.memory_space<vmem>> -> memref<80xi32, #tpu.memory_space<vmem>>
        %dma_wait3A_720 = arith.constant 0 : i32
        %dma_wait3A_721 = arith.constant 0 : i32
        %dma_wait3A_722 = tpu.memref_slice %arg7[%dma_wait3A_720, %dma_wait3A_721] : memref<10000x16xf32, #tpu.memory_space<vmem_shared>> -> memref<10000x16xf32, #tpu.memory_space<vmem_shared>>
        tpu.wait_indirect_dma semaphore(%arg8 : memref<!tpu.dma_semaphore, #tpu.memory_space<semaphore_mem>>) src(%arg6 : memref<80x16xf32, #tpu.memory_space<vmem>>) dst(%dma_wait3A_722 : memref<10000x16xf32, #tpu.memory_space<vmem_shared>>)
      } else {
      }
    }
    %scan3A_645 = arith.constant 125 : i32
    %dma_wait3A = arith.constant 0 : i32
    %dma_wait3A_646 = arith.constant 0 : i32
    %dma_wait3A_647 = tpu.memref_slice %arg5[%dma_wait3A, %dma_wait3A_646] : memref<125x80xi32, #tpu.memory_space<vmem>> -> memref<1x80xi32, #tpu.memory_space<vmem>>
    %dma_wait3A_648 = tpu.memref_squeeze %dma_wait3A_647 : memref<1x80xi32, #tpu.memory_space<vmem>> -> memref<80xi32, #tpu.memory_space<vmem>>
    %dma_wait3A_649 = arith.constant 0 : i32
    %dma_wait3A_650 = arith.constant 0 : i32
    %dma_wait3A_651 = tpu.memref_slice %arg7[%dma_wait3A_649, %dma_wait3A_650] : memref<10000x16xf32, #tpu.memory_space<vmem_shared>> -> memref<10000x16xf32, #tpu.memory_space<vmem_shared>>
    tpu.wait_indirect_dma semaphore(%arg8 : memref<!tpu.dma_semaphore, #tpu.memory_space<semaphore_mem>>) src(%arg6 : memref<80x16xf32, #tpu.memory_space<vmem>>) dst(%dma_wait3A_651 : memref<10000x16xf32, #tpu.memory_space<vmem_shared>>)
    %dma_wait3A_652 = arith.constant 0 : i32
    %dma_wait3A_653 = arith.constant 0 : i32
    %dma_wait3A_654 = tpu.memref_slice %arg5[%dma_wait3A_652, %dma_wait3A_653] : memref<125x80xi32, #tpu.memory_space<vmem>> -> memref<1x80xi32, #tpu.memory_space<vmem>>
    %dma_wait3A_655 = tpu.memref_squeeze %dma_wait3A_654 : memref<1x80xi32, #tpu.memory_space<vmem>> -> memref<80xi32, #tpu.memory_space<vmem>>
    %dma_wait3A_656 = arith.constant 0 : i32
    %dma_wait3A_657 = arith.constant 0 : i32
    %dma_wait3A_658 = tpu.memref_slice %arg7[%dma_wait3A_656, %dma_wait3A_657] : memref<10000x16xf32, #tpu.memory_space<vmem_shared>> -> memref<10000x16xf32, #tpu.memory_space<vmem_shared>>
    tpu.wait_indirect_dma semaphore(%arg8 : memref<!tpu.dma_semaphore, #tpu.memory_space<semaphore_mem>>) src(%arg6 : memref<80x16xf32, #tpu.memory_space<vmem>>) dst(%dma_wait3A_658 : memref<10000x16xf32, #tpu.memory_space<vmem_shared>>)
    %dma_wait3A_659 = arith.constant 0 : i32
    %dma_wait3A_660 = arith.constant 0 : i32
    %dma_wait3A_661 = tpu.memref_slice %arg5[%dma_wait3A_659, %dma_wait3A_660] : memref<125x80xi32, #tpu.memory_space<vmem>> -> memref<1x80xi32, #tpu.memory_space<vmem>>
    %dma_wait3A_662 = tpu.memref_squeeze %dma_wait3A_661 : memref<1x80xi32, #tpu.memory_space<vmem>> -> memref<80xi32, #tpu.memory_space<vmem>>
    %dma_wait3A_663 = arith.constant 0 : i32
    %dma_wait3A_664 = arith.constant 0 : i32
    %dma_wait3A_665 = tpu.memref_slice %arg7[%dma_wait3A_663, %dma_wait3A_664] : memref<10000x16xf32, #tpu.memory_space<vmem_shared>> -> memref<10000x16xf32, #tpu.memory_space<vmem_shared>>
    tpu.wait_indirect_dma semaphore(%arg8 : memref<!tpu.dma_semaphore, #tpu.memory_space<semaphore_mem>>) src(%arg6 : memref<80x16xf32, #tpu.memory_space<vmem>>) dst(%dma_wait3A_665 : memref<10000x16xf32, #tpu.memory_space<vmem_shared>>)
    %dma_wait3A_666 = arith.constant 0 : i32
    %dma_wait3A_667 = arith.constant 0 : i32
    %dma_wait3A_668 = tpu.memref_slice %arg5[%dma_wait3A_666, %dma_wait3A_667] : memref<125x80xi32, #tpu.memory_space<vmem>> -> memref<1x80xi32, #tpu.memory_space<vmem>>
    %dma_wait3A_669 = tpu.memref_squeeze %dma_wait3A_668 : memref<1x80xi32, #tpu.memory_space<vmem>> -> memref<80xi32, #tpu.memory_space<vmem>>
    %dma_wait3A_670 = arith.constant 0 : i32
    %dma_wait3A_671 = arith.constant 0 : i32
    %dma_wait3A_672 = tpu.memref_slice %arg7[%dma_wait3A_670, %dma_wait3A_671] : memref<10000x16xf32, #tpu.memory_space<vmem_shared>> -> memref<10000x16xf32, #tpu.memory_space<vmem_shared>>
    tpu.wait_indirect_dma semaphore(%arg8 : memref<!tpu.dma_semaphore, #tpu.memory_space<semaphore_mem>>) src(%arg6 : memref<80x16xf32, #tpu.memory_space<vmem>>) dst(%dma_wait3A_672 : memref<10000x16xf32, #tpu.memory_space<vmem_shared>>)
    %dma_wait3A_673 = arith.constant 0 : i32
    %dma_wait3A_674 = arith.constant 0 : i32
    %dma_wait3A_675 = tpu.memref_slice %arg5[%dma_wait3A_673, %dma_wait3A_674] : memref<125x80xi32, #tpu.memory_space<vmem>> -> memref<1x80xi32, #tpu.memory_space<vmem>>
    %dma_wait3A_676 = tpu.memref_squeeze %dma_wait3A_675 : memref<1x80xi32, #tpu.memory_space<vmem>> -> memref<80xi32, #tpu.memory_space<vmem>>
    %dma_wait3A_677 = arith.constant 0 : i32
    %dma_wait3A_678 = arith.constant 0 : i32
    %dma_wait3A_679 = tpu.memref_slice %arg7[%dma_wait3A_677, %dma_wait3A_678] : memref<10000x16xf32, #tpu.memory_space<vmem_shared>> -> memref<10000x16xf32, #tpu.memory_space<vmem_shared>>
    tpu.wait_indirect_dma semaphore(%arg8 : memref<!tpu.dma_semaphore, #tpu.memory_space<semaphore_mem>>) src(%arg6 : memref<80x16xf32, #tpu.memory_space<vmem>>) dst(%dma_wait3A_679 : memref<10000x16xf32, #tpu.memory_space<vmem_shared>>)
    %dma_wait3A_680 = arith.constant 0 : i32
    %dma_wait3A_681 = arith.constant 0 : i32
    %dma_wait3A_682 = tpu.memref_slice %arg5[%dma_wait3A_680, %dma_wait3A_681] : memref<125x80xi32, #tpu.memory_space<vmem>> -> memref<1x80xi32, #tpu.memory_space<vmem>>
    %dma_wait3A_683 = tpu.memref_squeeze %dma_wait3A_682 : memref<1x80xi32, #tpu.memory_space<vmem>> -> memref<80xi32, #tpu.memory_space<vmem>>
    %dma_wait3A_684 = arith.constant 0 : i32
    %dma_wait3A_685 = arith.constant 0 : i32
    %dma_wait3A_686 = tpu.memref_slice %arg7[%dma_wait3A_684, %dma_wait3A_685] : memref<10000x16xf32, #tpu.memory_space<vmem_shared>> -> memref<10000x16xf32, #tpu.memory_space<vmem_shared>>
    tpu.wait_indirect_dma semaphore(%arg8 : memref<!tpu.dma_semaphore, #tpu.memory_space<semaphore_mem>>) src(%arg6 : memref<80x16xf32, #tpu.memory_space<vmem>>) dst(%dma_wait3A_686 : memref<10000x16xf32, #tpu.memory_space<vmem_shared>>)
    %dma_wait3A_687 = arith.constant 0 : i32
    %dma_wait3A_688 = arith.constant 0 : i32
    %dma_wait3A_689 = tpu.memref_slice %arg5[%dma_wait3A_687, %dma_wait3A_688] : memref<125x80xi32, #tpu.memory_space<vmem>> -> memref<1x80xi32, #tpu.memory_space<vmem>>
    %dma_wait3A_690 = tpu.memref_squeeze %dma_wait3A_689 : memref<1x80xi32, #tpu.memory_space<vmem>> -> memref<80xi32, #tpu.memory_space<vmem>>
    %dma_wait3A_691 = arith.constant 0 : i32
    %dma_wait3A_692 = arith.constant 0 : i32
    %dma_wait3A_693 = tpu.memref_slice %arg7[%dma_wait3A_691, %dma_wait3A_692] : memref<10000x16xf32, #tpu.memory_space<vmem_shared>> -> memref<10000x16xf32, #tpu.memory_space<vmem_shared>>
    tpu.wait_indirect_dma semaphore(%arg8 : memref<!tpu.dma_semaphore, #tpu.memory_space<semaphore_mem>>) src(%arg6 : memref<80x16xf32, #tpu.memory_space<vmem>>) dst(%dma_wait3A_693 : memref<10000x16xf32, #tpu.memory_space<vmem_shared>>)
    %dma_wait3A_694 = arith.constant 0 : i32
    %dma_wait3A_695 = arith.constant 0 : i32
    %dma_wait3A_696 = tpu.memref_slice %arg5[%dma_wait3A_694, %dma_wait3A_695] : memref<125x80xi32, #tpu.memory_space<vmem>> -> memref<1x80xi32, #tpu.memory_space<vmem>>
    %dma_wait3A_697 = tpu.memref_squeeze %dma_wait3A_696 : memref<1x80xi32, #tpu.memory_space<vmem>> -> memref<80xi32, #tpu.memory_space<vmem>>
    %dma_wait3A_698 = arith.constant 0 : i32
    %dma_wait3A_699 = arith.constant 0 : i32
    %dma_wait3A_700 = tpu.memref_slice %arg7[%dma_wait3A_698, %dma_wait3A_699] : memref<10000x16xf32, #tpu.memory_space<vmem_shared>> -> memref<10000x16xf32, #tpu.memory_space<vmem_shared>>
    tpu.wait_indirect_dma semaphore(%arg8 : memref<!tpu.dma_semaphore, #tpu.memory_space<semaphore_mem>>) src(%arg6 : memref<80x16xf32, #tpu.memory_space<vmem>>) dst(%dma_wait3A_700 : memref<10000x16xf32, #tpu.memory_space<vmem_shared>>)
    %barrier3A_701 = arith.constant 0 : index
    tpu.barrier barrier_id(%barrier3A_701)
    %eq3A_702 = arith.constant 0 : i32
    %eq3A_703 = arith.cmpi eq, %arg1, %eq3A_702 : i32
    %convert_element_type3A_704 = arith.extui %eq3A_703 : i1 to i32
    %cond3A_705 = arith.constant 0 : i32
    %cond3A_706 = arith.cmpi ne, %convert_element_type3A_704, %cond3A_705 : i32
    scf.if %cond3A_706 {
      "tpu.region"() ({
        %run_scoped3A = tpu.sem_alloc : memref<!tpu.dma_semaphore, #tpu.memory_space<semaphore_mem>>
        %dma_start3A = arith.constant 0 : i32
        %dma_start3A_707 = arith.constant 0 : i32
        %dma_start3A_708 = tpu.memref_slice %arg4[%arg0, %dma_start3A, %dma_start3A_707] : memref<2x10000x16xf32, #tpu.memory_space<hbm>> -> memref<1x10000x16xf32, #tpu.memory_space<hbm>>
        %dma_start3A_709 = tpu.memref_squeeze %dma_start3A_708 : memref<1x10000x16xf32, #tpu.memory_space<hbm>> -> memref<10000x16xf32, #tpu.memory_space<hbm>>
        tpu.enqueue_dma source(%arg7 : memref<10000x16xf32, #tpu.memory_space<vmem_shared>>) target(%dma_start3A_709 : memref<10000x16xf32, #tpu.memory_space<hbm>>) target_semaphore(%run_scoped3A : memref<!tpu.dma_semaphore, #tpu.memory_space<semaphore_mem>>)
        %dma_wait3A_710 = arith.constant 0 : i32
        %dma_wait3A_711 = arith.constant 0 : i32
        %dma_wait3A_712 = tpu.memref_slice %arg4[%arg0, %dma_wait3A_710, %dma_wait3A_711] : memref<2x10000x16xf32, #tpu.memory_space<hbm>> -> memref<1x10000x16xf32, #tpu.memory_space<hbm>>
        %dma_wait3A_713 = tpu.memref_squeeze %dma_wait3A_712 : memref<1x10000x16xf32, #tpu.memory_space<hbm>> -> memref<10000x16xf32, #tpu.memory_space<hbm>>
        tpu.wait_dma2 semaphore(%run_scoped3A : memref<!tpu.dma_semaphore, #tpu.memory_space<semaphore_mem>>) src(%arg7 : memref<10000x16xf32, #tpu.memory_space<vmem_shared>>) dst(%dma_wait3A_713 : memref<10000x16xf32, #tpu.memory_space<hbm>>)
        tpu.yield
      }) : () -> ()
    } else {
    }
    return
  }
}

#map = affine_map<(d0, d1) -> (0, 0, 0)>
#map1 = affine_map<(d0, d1) -> (0, 0)>
module attributes {stable_mosaic.version = 14 : i64} {
  func.func @k(%arg0: i32, %arg1: i32, %arg2: memref<32x125x80xi32, #tpu.memory_space<hbm>>, %arg3: memref<32x125x80xi32, #tpu.memory_space<hbm>>, %arg4: memref<10000x64xf32, #tpu.memory_space<hbm>>, %arg5: memref<2x10000x64xf32, #tpu.memory_space<hbm>>, %arg6: memref<125x80xi32, #tpu.memory_space<vmem>>, %arg7: memref<125x80xi32, #tpu.memory_space<vmem>>, %arg8: memref<4x80x64xf32, #tpu.memory_space<vmem>>, %arg9: memref<10000x64xf32, #tpu.memory_space<vmem_shared>>, %arg10: memref<4x!tpu.dma_semaphore, #tpu.memory_space<semaphore_mem>>, %arg11: memref<4x!tpu.dma_semaphore, #tpu.memory_space<semaphore_mem>>) attributes {dimension_semantics = [#tpu.dimension_semantics<core_parallel>, #tpu.dimension_semantics<subcore_parallel>], iteration_bounds = array<i64: 2, 16>, scalar_prefetch = 0 : i64, scratch_operands = 6 : i64, tpu.core_type = #tpu.core_type<sc_vector_subcore>, window_params = [{transform_indices = #map}, {transform_indices = #map}, {transform_indices = #map1}, {transform_indices = #map}]} {
    %mul3A = arith.constant 16 : i32
    %mul3A_0 = arith.muli %arg0, %mul3A : i32
    %add3A = arith.addi %mul3A_0, %arg1 : i32
    %eq3A = arith.constant 0 : i32
    %eq3A_1 = arith.cmpi eq, %arg1, %eq3A : i32
    %convert_element_type3A = arith.extui %eq3A_1 : i1 to i32
    %cond3A = arith.constant 0 : i32
    %cond3A_2 = arith.cmpi ne, %convert_element_type3A, %cond3A : i32
    scf.if %cond3A_2 {
      "tpu.region"() ({
        %run_scoped3A = tpu.sem_alloc : memref<!tpu.dma_semaphore, #tpu.memory_space<semaphore_mem>>
        tpu.enqueue_dma source(%arg4 : memref<10000x64xf32, #tpu.memory_space<hbm>>) target(%arg9 : memref<10000x64xf32, #tpu.memory_space<vmem_shared>>) target_semaphore(%run_scoped3A : memref<!tpu.dma_semaphore, #tpu.memory_space<semaphore_mem>>)
        tpu.wait_dma2 semaphore(%run_scoped3A : memref<!tpu.dma_semaphore, #tpu.memory_space<semaphore_mem>>) src(%arg4 : memref<10000x64xf32, #tpu.memory_space<hbm>>) dst(%arg9 : memref<10000x64xf32, #tpu.memory_space<vmem_shared>>)
        tpu.yield
      }) : () -> ()
    } else {
    }
    "tpu.region"() ({
      %run_scoped3A = tpu.sem_alloc : memref<!tpu.dma_semaphore, #tpu.memory_space<semaphore_mem>>
      %dma_start3A_117 = arith.constant 0 : i32
      %dma_start3A_118 = arith.constant 0 : i32
      %dma_start3A_119 = tpu.memref_slice %arg2[%add3A, %dma_start3A_117, %dma_start3A_118] : memref<32x125x80xi32, #tpu.memory_space<hbm>> -> memref<1x125x80xi32, #tpu.memory_space<hbm>>
      %dma_start3A_120 = tpu.memref_squeeze %dma_start3A_119 : memref<1x125x80xi32, #tpu.memory_space<hbm>> -> memref<125x80xi32, #tpu.memory_space<hbm>>
      %dma_start3A_121 = arith.constant 0 : i32
      %dma_start3A_122 = arith.constant 0 : i32
      %dma_start3A_123 = tpu.memref_slice %arg2[%add3A, %dma_start3A_121, %dma_start3A_122] : memref<32x125x80xi32, #tpu.memory_space<hbm>> -> memref<1x125x80xi32, #tpu.memory_space<hbm>>
      %dma_start3A_124 = tpu.memref_squeeze %dma_start3A_123 : memref<1x125x80xi32, #tpu.memory_space<hbm>> -> memref<125x80xi32, #tpu.memory_space<hbm>>
      tpu.enqueue_dma source(%dma_start3A_124 : memref<125x80xi32, #tpu.memory_space<hbm>>) target(%arg6 : memref<125x80xi32, #tpu.memory_space<vmem>>) target_semaphore(%run_scoped3A : memref<!tpu.dma_semaphore, #tpu.memory_space<semaphore_mem>>)
      %dma_wait3A_125 = arith.constant 0 : i32
      %dma_wait3A_126 = arith.constant 0 : i32
      %dma_wait3A_127 = tpu.memref_slice %arg2[%add3A, %dma_wait3A_125, %dma_wait3A_126] : memref<32x125x80xi32, #tpu.memory_space<hbm>> -> memref<1x125x80xi32, #tpu.memory_space<hbm>>
      %dma_wait3A_128 = tpu.memref_squeeze %dma_wait3A_127 : memref<1x125x80xi32, #tpu.memory_space<hbm>> -> memref<125x80xi32, #tpu.memory_space<hbm>>
      %dma_wait3A_129 = arith.constant 0 : i32
      %dma_wait3A_130 = arith.constant 0 : i32
      %dma_wait3A_131 = tpu.memref_slice %arg2[%add3A, %dma_wait3A_129, %dma_wait3A_130] : memref<32x125x80xi32, #tpu.memory_space<hbm>> -> memref<1x125x80xi32, #tpu.memory_space<hbm>>
      %dma_wait3A_132 = tpu.memref_squeeze %dma_wait3A_131 : memref<1x125x80xi32, #tpu.memory_space<hbm>> -> memref<125x80xi32, #tpu.memory_space<hbm>>
      tpu.wait_dma2 semaphore(%run_scoped3A : memref<!tpu.dma_semaphore, #tpu.memory_space<semaphore_mem>>) src(%dma_wait3A_132 : memref<125x80xi32, #tpu.memory_space<hbm>>) dst(%arg6 : memref<125x80xi32, #tpu.memory_space<vmem>>)
      tpu.yield
    }) : () -> ()
    "tpu.region"() ({
      %run_scoped3A = tpu.sem_alloc : memref<!tpu.dma_semaphore, #tpu.memory_space<semaphore_mem>>
      %dma_start3A_117 = arith.constant 0 : i32
      %dma_start3A_118 = arith.constant 0 : i32
      %dma_start3A_119 = tpu.memref_slice %arg3[%add3A, %dma_start3A_117, %dma_start3A_118] : memref<32x125x80xi32, #tpu.memory_space<hbm>> -> memref<1x125x80xi32, #tpu.memory_space<hbm>>
      %dma_start3A_120 = tpu.memref_squeeze %dma_start3A_119 : memref<1x125x80xi32, #tpu.memory_space<hbm>> -> memref<125x80xi32, #tpu.memory_space<hbm>>
      %dma_start3A_121 = arith.constant 0 : i32
      %dma_start3A_122 = arith.constant 0 : i32
      %dma_start3A_123 = tpu.memref_slice %arg3[%add3A, %dma_start3A_121, %dma_start3A_122] : memref<32x125x80xi32, #tpu.memory_space<hbm>> -> memref<1x125x80xi32, #tpu.memory_space<hbm>>
      %dma_start3A_124 = tpu.memref_squeeze %dma_start3A_123 : memref<1x125x80xi32, #tpu.memory_space<hbm>> -> memref<125x80xi32, #tpu.memory_space<hbm>>
      tpu.enqueue_dma source(%dma_start3A_124 : memref<125x80xi32, #tpu.memory_space<hbm>>) target(%arg7 : memref<125x80xi32, #tpu.memory_space<vmem>>) target_semaphore(%run_scoped3A : memref<!tpu.dma_semaphore, #tpu.memory_space<semaphore_mem>>)
      %dma_wait3A_125 = arith.constant 0 : i32
      %dma_wait3A_126 = arith.constant 0 : i32
      %dma_wait3A_127 = tpu.memref_slice %arg3[%add3A, %dma_wait3A_125, %dma_wait3A_126] : memref<32x125x80xi32, #tpu.memory_space<hbm>> -> memref<1x125x80xi32, #tpu.memory_space<hbm>>
      %dma_wait3A_128 = tpu.memref_squeeze %dma_wait3A_127 : memref<1x125x80xi32, #tpu.memory_space<hbm>> -> memref<125x80xi32, #tpu.memory_space<hbm>>
      %dma_wait3A_129 = arith.constant 0 : i32
      %dma_wait3A_130 = arith.constant 0 : i32
      %dma_wait3A_131 = tpu.memref_slice %arg3[%add3A, %dma_wait3A_129, %dma_wait3A_130] : memref<32x125x80xi32, #tpu.memory_space<hbm>> -> memref<1x125x80xi32, #tpu.memory_space<hbm>>
      %dma_wait3A_132 = tpu.memref_squeeze %dma_wait3A_131 : memref<1x125x80xi32, #tpu.memory_space<hbm>> -> memref<125x80xi32, #tpu.memory_space<hbm>>
      tpu.wait_dma2 semaphore(%run_scoped3A : memref<!tpu.dma_semaphore, #tpu.memory_space<semaphore_mem>>) src(%dma_wait3A_132 : memref<125x80xi32, #tpu.memory_space<hbm>>) dst(%arg7 : memref<125x80xi32, #tpu.memory_space<vmem>>)
      tpu.yield
    }) : () -> ()
    %dma_start3A = arith.constant 0 : i32
    %dma_start3A_3 = arith.constant 0 : i32
    %dma_start3A_4 = arith.constant 0 : i32
    %dma_start3A_5 = arith.constant 0 : i32
    %dma_start3A_6 = arith.constant 0 : i32
    %dma_start3A_7 = tpu.memref_slice %arg8[%dma_start3A_3, %dma_start3A_5, %dma_start3A_6] : memref<4x80x64xf32, #tpu.memory_space<vmem>> -> memref<1x80x64xf32, #tpu.memory_space<vmem>>
    %dma_start3A_8 = tpu.memref_squeeze %dma_start3A_7 : memref<1x80x64xf32, #tpu.memory_space<vmem>> -> memref<80x64xf32, #tpu.memory_space<vmem>>
    %dma_start3A_9 = arith.constant 0 : i32
    %dma_start3A_10 = tpu.memref_slice %arg6[%dma_start3A, %dma_start3A_9] : memref<125x80xi32, #tpu.memory_space<vmem>> -> memref<1x80xi32, #tpu.memory_space<vmem>>
    %dma_start3A_11 = tpu.memref_squeeze %dma_start3A_10 : memref<1x80xi32, #tpu.memory_space<vmem>> -> memref<80xi32, #tpu.memory_space<vmem>>
    %dma_start3A_12 = arith.constant 0 : i32
    %dma_start3A_13 = arith.constant 0 : i32
    %dma_start3A_14 = tpu.memref_slice %arg4[%dma_start3A_12, %dma_start3A_13] : memref<10000x64xf32, #tpu.memory_space<hbm>> -> memref<10000x64xf32, #tpu.memory_space<hbm>>
    %dma_start3A_15 = tpu.memref_slice %arg10[%dma_start3A_4] : memref<4x!tpu.dma_semaphore, #tpu.memory_space<semaphore_mem>> -> memref<1x!tpu.dma_semaphore, #tpu.memory_space<semaphore_mem>>
    %dma_start3A_16 = tpu.memref_squeeze %dma_start3A_15 : memref<1x!tpu.dma_semaphore, #tpu.memory_space<semaphore_mem>> -> memref<!tpu.dma_semaphore, #tpu.memory_space<semaphore_mem>>
    tpu.enqueue_indirect_dma source(%dma_start3A_14 : memref<10000x64xf32, #tpu.memory_space<hbm>>) target(%dma_start3A_8 : memref<80x64xf32, #tpu.memory_space<vmem>>) offsets(%dma_start3A_11 : memref<80xi32, #tpu.memory_space<vmem>>) semaphore(%dma_start3A_16 : memref<!tpu.dma_semaphore, #tpu.memory_space<semaphore_mem>>)
    %dma_start3A_17 = arith.constant 1 : i32
    %dma_start3A_18 = arith.constant 1 : i32
    %dma_start3A_19 = arith.constant 1 : i32
    %dma_start3A_20 = arith.constant 0 : i32
    %dma_start3A_21 = arith.constant 0 : i32
    %dma_start3A_22 = tpu.memref_slice %arg8[%dma_start3A_18, %dma_start3A_20, %dma_start3A_21] : memref<4x80x64xf32, #tpu.memory_space<vmem>> -> memref<1x80x64xf32, #tpu.memory_space<vmem>>
    %dma_start3A_23 = tpu.memref_squeeze %dma_start3A_22 : memref<1x80x64xf32, #tpu.memory_space<vmem>> -> memref<80x64xf32, #tpu.memory_space<vmem>>
    %dma_start3A_24 = arith.constant 0 : i32
    %dma_start3A_25 = tpu.memref_slice %arg6[%dma_start3A_17, %dma_start3A_24] : memref<125x80xi32, #tpu.memory_space<vmem>> -> memref<1x80xi32, #tpu.memory_space<vmem>>
    %dma_start3A_26 = tpu.memref_squeeze %dma_start3A_25 : memref<1x80xi32, #tpu.memory_space<vmem>> -> memref<80xi32, #tpu.memory_space<vmem>>
    %dma_start3A_27 = arith.constant 0 : i32
    %dma_start3A_28 = arith.constant 0 : i32
    %dma_start3A_29 = tpu.memref_slice %arg4[%dma_start3A_27, %dma_start3A_28] : memref<10000x64xf32, #tpu.memory_space<hbm>> -> memref<10000x64xf32, #tpu.memory_space<hbm>>
    %dma_start3A_30 = tpu.memref_slice %arg10[%dma_start3A_19] : memref<4x!tpu.dma_semaphore, #tpu.memory_space<semaphore_mem>> -> memref<1x!tpu.dma_semaphore, #tpu.memory_space<semaphore_mem>>
    %dma_start3A_31 = tpu.memref_squeeze %dma_start3A_30 : memref<1x!tpu.dma_semaphore, #tpu.memory_space<semaphore_mem>> -> memref<!tpu.dma_semaphore, #tpu.memory_space<semaphore_mem>>
    tpu.enqueue_indirect_dma source(%dma_start3A_29 : memref<10000x64xf32, #tpu.memory_space<hbm>>) target(%dma_start3A_23 : memref<80x64xf32, #tpu.memory_space<vmem>>) offsets(%dma_start3A_26 : memref<80xi32, #tpu.memory_space<vmem>>) semaphore(%dma_start3A_31 : memref<!tpu.dma_semaphore, #tpu.memory_space<semaphore_mem>>)
    %dma_start3A_32 = arith.constant 2 : i32
    %dma_start3A_33 = arith.constant 2 : i32
    %dma_start3A_34 = arith.constant 2 : i32
    %dma_start3A_35 = arith.constant 0 : i32
    %dma_start3A_36 = arith.constant 0 : i32
    %dma_start3A_37 = tpu.memref_slice %arg8[%dma_start3A_33, %dma_start3A_35, %dma_start3A_36] : memref<4x80x64xf32, #tpu.memory_space<vmem>> -> memref<1x80x64xf32, #tpu.memory_space<vmem>>
    %dma_start3A_38 = tpu.memref_squeeze %dma_start3A_37 : memref<1x80x64xf32, #tpu.memory_space<vmem>> -> memref<80x64xf32, #tpu.memory_space<vmem>>
    %dma_start3A_39 = arith.constant 0 : i32
    %dma_start3A_40 = tpu.memref_slice %arg6[%dma_start3A_32, %dma_start3A_39] : memref<125x80xi32, #tpu.memory_space<vmem>> -> memref<1x80xi32, #tpu.memory_space<vmem>>
    %dma_start3A_41 = tpu.memref_squeeze %dma_start3A_40 : memref<1x80xi32, #tpu.memory_space<vmem>> -> memref<80xi32, #tpu.memory_space<vmem>>
    %dma_start3A_42 = arith.constant 0 : i32
    %dma_start3A_43 = arith.constant 0 : i32
    %dma_start3A_44 = tpu.memref_slice %arg4[%dma_start3A_42, %dma_start3A_43] : memref<10000x64xf32, #tpu.memory_space<hbm>> -> memref<10000x64xf32, #tpu.memory_space<hbm>>
    %dma_start3A_45 = tpu.memref_slice %arg10[%dma_start3A_34] : memref<4x!tpu.dma_semaphore, #tpu.memory_space<semaphore_mem>> -> memref<1x!tpu.dma_semaphore, #tpu.memory_space<semaphore_mem>>
    %dma_start3A_46 = tpu.memref_squeeze %dma_start3A_45 : memref<1x!tpu.dma_semaphore, #tpu.memory_space<semaphore_mem>> -> memref<!tpu.dma_semaphore, #tpu.memory_space<semaphore_mem>>
    tpu.enqueue_indirect_dma source(%dma_start3A_44 : memref<10000x64xf32, #tpu.memory_space<hbm>>) target(%dma_start3A_38 : memref<80x64xf32, #tpu.memory_space<vmem>>) offsets(%dma_start3A_41 : memref<80xi32, #tpu.memory_space<vmem>>) semaphore(%dma_start3A_46 : memref<!tpu.dma_semaphore, #tpu.memory_space<semaphore_mem>>)
    %barrier3A = arith.constant 0 : index
    tpu.barrier barrier_id(%barrier3A)
    %scan3A = arith.constant 0 : i32
    %scan3A_47 = arith.constant 0 : i32
    %scan3A_48 = arith.constant 125 : i32
    %scan3A_49 = arith.addi %scan3A_47, %scan3A_48 : i32
    %scan3A_50 = arith.constant 1 : i32
    scf.for %scan3A_117 = %scan3A_47 to %scan3A_49 step %scan3A_50  : i32 {
      %add3A_118 = arith.constant 3 : i32
      %add3A_119 = arith.addi %scan3A_117, %add3A_118 : i32
      %lt3A = arith.constant 125 : i32
      %lt3A_120 = arith.cmpi slt, %add3A_119, %lt3A : i32
      %convert_element_type3A_121 = arith.extui %lt3A_120 : i1 to i32
      %cond3A_122 = arith.constant 0 : i32
      %cond3A_123 = arith.cmpi ne, %convert_element_type3A_121, %cond3A_122 : i32
      scf.if %cond3A_123 {
        %add3A_149 = arith.constant 3 : i32
        %add3A_150 = arith.addi %scan3A_117, %add3A_149 : i32
        %rem3A_151 = arith.constant 4 : i32
        %rem3A_152 = arith.remsi %add3A_150, %rem3A_151 : i32
        %add3A_153 = arith.constant 3 : i32
        %add3A_154 = arith.addi %scan3A_117, %add3A_153 : i32
        %ge3A = arith.constant 4 : i32
        %ge3A_155 = arith.cmpi sge, %add3A_154, %ge3A : i32
        %convert_element_type3A_156 = arith.extui %ge3A_155 : i1 to i32
        %cond3A_157 = arith.constant 0 : i32
        %cond3A_158 = arith.cmpi ne, %convert_element_type3A_156, %cond3A_157 : i32
        scf.if %cond3A_158 {
          %dma_wait3A_173 = arith.constant 0 : i32
          %dma_wait3A_174 = arith.constant 0 : i32
          %dma_wait3A_175 = tpu.memref_slice %arg8[%rem3A_152, %dma_wait3A_173, %dma_wait3A_174] : memref<4x80x64xf32, #tpu.memory_space<vmem>> -> memref<1x80x64xf32, #tpu.memory_space<vmem>>
          %dma_wait3A_176 = tpu.memref_squeeze %dma_wait3A_175 : memref<1x80x64xf32, #tpu.memory_space<vmem>> -> memref<80x64xf32, #tpu.memory_space<vmem>>
          %dma_wait3A_177 = arith.constant 0 : i32
          %dma_wait3A_178 = tpu.memref_slice %arg7[%scan3A_117, %dma_wait3A_177] : memref<125x80xi32, #tpu.memory_space<vmem>> -> memref<1x80xi32, #tpu.memory_space<vmem>>
          %dma_wait3A_179 = tpu.memref_squeeze %dma_wait3A_178 : memref<1x80xi32, #tpu.memory_space<vmem>> -> memref<80xi32, #tpu.memory_space<vmem>>
          %dma_wait3A_180 = arith.constant 0 : i32
          %dma_wait3A_181 = arith.constant 0 : i32
          %dma_wait3A_182 = tpu.memref_slice %arg9[%dma_wait3A_180, %dma_wait3A_181] : memref<10000x64xf32, #tpu.memory_space<vmem_shared>> -> memref<10000x64xf32, #tpu.memory_space<vmem_shared>>
          %dma_wait3A_183 = tpu.memref_slice %arg11[%rem3A_152] : memref<4x!tpu.dma_semaphore, #tpu.memory_space<semaphore_mem>> -> memref<1x!tpu.dma_semaphore, #tpu.memory_space<semaphore_mem>>
          %dma_wait3A_184 = tpu.memref_squeeze %dma_wait3A_183 : memref<1x!tpu.dma_semaphore, #tpu.memory_space<semaphore_mem>> -> memref<!tpu.dma_semaphore, #tpu.memory_space<semaphore_mem>>
          tpu.wait_indirect_dma semaphore(%dma_wait3A_184 : memref<!tpu.dma_semaphore, #tpu.memory_space<semaphore_mem>>) src(%dma_wait3A_176 : memref<80x64xf32, #tpu.memory_space<vmem>>) dst(%dma_wait3A_182 : memref<10000x64xf32, #tpu.memory_space<vmem_shared>>)
        } else {
        }
        %add3A_159 = arith.constant 3 : i32
        %add3A_160 = arith.addi %scan3A_117, %add3A_159 : i32
        %dma_start3A_161 = arith.constant 0 : i32
        %dma_start3A_162 = arith.constant 0 : i32
        %dma_start3A_163 = tpu.memref_slice %arg8[%rem3A_152, %dma_start3A_161, %dma_start3A_162] : memref<4x80x64xf32, #tpu.memory_space<vmem>> -> memref<1x80x64xf32, #tpu.memory_space<vmem>>
        %dma_start3A_164 = tpu.memref_squeeze %dma_start3A_163 : memref<1x80x64xf32, #tpu.memory_space<vmem>> -> memref<80x64xf32, #tpu.memory_space<vmem>>
        %dma_start3A_165 = arith.constant 0 : i32
        %dma_start3A_166 = tpu.memref_slice %arg6[%add3A_160, %dma_start3A_165] : memref<125x80xi32, #tpu.memory_space<vmem>> -> memref<1x80xi32, #tpu.memory_space<vmem>>
        %dma_start3A_167 = tpu.memref_squeeze %dma_start3A_166 : memref<1x80xi32, #tpu.memory_space<vmem>> -> memref<80xi32, #tpu.memory_space<vmem>>
        %dma_start3A_168 = arith.constant 0 : i32
        %dma_start3A_169 = arith.constant 0 : i32
        %dma_start3A_170 = tpu.memref_slice %arg4[%dma_start3A_168, %dma_start3A_169] : memref<10000x64xf32, #tpu.memory_space<hbm>> -> memref<10000x64xf32, #tpu.memory_space<hbm>>
        %dma_start3A_171 = tpu.memref_slice %arg10[%rem3A_152] : memref<4x!tpu.dma_semaphore, #tpu.memory_space<semaphore_mem>> -> memref<1x!tpu.dma_semaphore, #tpu.memory_space<semaphore_mem>>
        %dma_start3A_172 = tpu.memref_squeeze %dma_start3A_171 : memref<1x!tpu.dma_semaphore, #tpu.memory_space<semaphore_mem>> -> memref<!tpu.dma_semaphore, #tpu.memory_space<semaphore_mem>>
        tpu.enqueue_indirect_dma source(%dma_start3A_170 : memref<10000x64xf32, #tpu.memory_space<hbm>>) target(%dma_start3A_164 : memref<80x64xf32, #tpu.memory_space<vmem>>) offsets(%dma_start3A_167 : memref<80xi32, #tpu.memory_space<vmem>>) semaphore(%dma_start3A_172 : memref<!tpu.dma_semaphore, #tpu.memory_space<semaphore_mem>>)
      } else {
      }
      %rem3A = arith.constant 4 : i32
      %rem3A_124 = arith.remsi %scan3A_117, %rem3A : i32
      %dma_wait3A_125 = arith.constant 0 : i32
      %dma_wait3A_126 = arith.constant 0 : i32
      %dma_wait3A_127 = tpu.memref_slice %arg8[%rem3A_124, %dma_wait3A_125, %dma_wait3A_126] : memref<4x80x64xf32, #tpu.memory_space<vmem>> -> memref<1x80x64xf32, #tpu.memory_space<vmem>>
      %dma_wait3A_128 = tpu.memref_squeeze %dma_wait3A_127 : memref<1x80x64xf32, #tpu.memory_space<vmem>> -> memref<80x64xf32, #tpu.memory_space<vmem>>
      %dma_wait3A_129 = arith.constant 0 : i32
      %dma_wait3A_130 = tpu.memref_slice %arg6[%scan3A_117, %dma_wait3A_129] : memref<125x80xi32, #tpu.memory_space<vmem>> -> memref<1x80xi32, #tpu.memory_space<vmem>>
      %dma_wait3A_131 = tpu.memref_squeeze %dma_wait3A_130 : memref<1x80xi32, #tpu.memory_space<vmem>> -> memref<80xi32, #tpu.memory_space<vmem>>
      %dma_wait3A_132 = arith.constant 0 : i32
      %dma_wait3A_133 = arith.constant 0 : i32
      %dma_wait3A_134 = tpu.memref_slice %arg4[%dma_wait3A_132, %dma_wait3A_133] : memref<10000x64xf32, #tpu.memory_space<hbm>> -> memref<10000x64xf32, #tpu.memory_space<hbm>>
      %dma_wait3A_135 = tpu.memref_slice %arg10[%rem3A_124] : memref<4x!tpu.dma_semaphore, #tpu.memory_space<semaphore_mem>> -> memref<1x!tpu.dma_semaphore, #tpu.memory_space<semaphore_mem>>
      %dma_wait3A_136 = tpu.memref_squeeze %dma_wait3A_135 : memref<1x!tpu.dma_semaphore, #tpu.memory_space<semaphore_mem>> -> memref<!tpu.dma_semaphore, #tpu.memory_space<semaphore_mem>>
      tpu.wait_indirect_dma semaphore(%dma_wait3A_136 : memref<!tpu.dma_semaphore, #tpu.memory_space<semaphore_mem>>) src(%dma_wait3A_134 : memref<10000x64xf32, #tpu.memory_space<hbm>>) dst(%dma_wait3A_128 : memref<80x64xf32, #tpu.memory_space<vmem>>)
      %dma_start3A_137 = arith.constant 0 : i32
      %dma_start3A_138 = arith.constant 0 : i32
      %dma_start3A_139 = tpu.memref_slice %arg8[%rem3A_124, %dma_start3A_137, %dma_start3A_138] : memref<4x80x64xf32, #tpu.memory_space<vmem>> -> memref<1x80x64xf32, #tpu.memory_space<vmem>>
      %dma_start3A_140 = tpu.memref_squeeze %dma_start3A_139 : memref<1x80x64xf32, #tpu.memory_space<vmem>> -> memref<80x64xf32, #tpu.memory_space<vmem>>
      %dma_start3A_141 = arith.constant 0 : i32
      %dma_start3A_142 = tpu.memref_slice %arg7[%scan3A_117, %dma_start3A_141] : memref<125x80xi32, #tpu.memory_space<vmem>> -> memref<1x80xi32, #tpu.memory_space<vmem>>
      %dma_start3A_143 = tpu.memref_squeeze %dma_start3A_142 : memref<1x80xi32, #tpu.memory_space<vmem>> -> memref<80xi32, #tpu.memory_space<vmem>>
      %dma_start3A_144 = arith.constant 0 : i32
      %dma_start3A_145 = arith.constant 0 : i32
      %dma_start3A_146 = tpu.memref_slice %arg9[%dma_start3A_144, %dma_start3A_145] : memref<10000x64xf32, #tpu.memory_space<vmem_shared>> -> memref<10000x64xf32, #tpu.memory_space<vmem_shared>>
      %dma_start3A_147 = tpu.memref_slice %arg11[%rem3A_124] : memref<4x!tpu.dma_semaphore, #tpu.memory_space<semaphore_mem>> -> memref<1x!tpu.dma_semaphore, #tpu.memory_space<semaphore_mem>>
      %dma_start3A_148 = tpu.memref_squeeze %dma_start3A_147 : memref<1x!tpu.dma_semaphore, #tpu.memory_space<semaphore_mem>> -> memref<!tpu.dma_semaphore, #tpu.memory_space<semaphore_mem>>
      tpu.enqueue_indirect_dma source(%dma_start3A_140 : memref<80x64xf32, #tpu.memory_space<vmem>>) target(%dma_start3A_146 : memref<10000x64xf32, #tpu.memory_space<vmem_shared>>) offsets(%dma_start3A_143 : memref<80xi32, #tpu.memory_space<vmem>>) semaphore(%dma_start3A_148 : memref<!tpu.dma_semaphore, #tpu.memory_space<semaphore_mem>>) {add = true}
    }
    %scan3A_51 = arith.constant 125 : i32
    %dma_wait3A = arith.constant 0 : i32
    %dma_wait3A_52 = arith.constant 0 : i32
    %dma_wait3A_53 = arith.constant 0 : i32
    %dma_wait3A_54 = arith.constant 0 : i32
    %dma_wait3A_55 = arith.constant 0 : i32
    %dma_wait3A_56 = tpu.memref_slice %arg8[%dma_wait3A, %dma_wait3A_54, %dma_wait3A_55] : memref<4x80x64xf32, #tpu.memory_space<vmem>> -> memref<1x80x64xf32, #tpu.memory_space<vmem>>
    %dma_wait3A_57 = tpu.memref_squeeze %dma_wait3A_56 : memref<1x80x64xf32, #tpu.memory_space<vmem>> -> memref<80x64xf32, #tpu.memory_space<vmem>>
    %dma_wait3A_58 = arith.constant 0 : i32
    %dma_wait3A_59 = tpu.memref_slice %arg7[%dma_wait3A_52, %dma_wait3A_58] : memref<125x80xi32, #tpu.memory_space<vmem>> -> memref<1x80xi32, #tpu.memory_space<vmem>>
    %dma_wait3A_60 = tpu.memref_squeeze %dma_wait3A_59 : memref<1x80xi32, #tpu.memory_space<vmem>> -> memref<80xi32, #tpu.memory_space<vmem>>
    %dma_wait3A_61 = arith.constant 0 : i32
    %dma_wait3A_62 = arith.constant 0 : i32
    %dma_wait3A_63 = tpu.memref_slice %arg9[%dma_wait3A_61, %dma_wait3A_62] : memref<10000x64xf32, #tpu.memory_space<vmem_shared>> -> memref<10000x64xf32, #tpu.memory_space<vmem_shared>>
    %dma_wait3A_64 = tpu.memref_slice %arg11[%dma_wait3A_53] : memref<4x!tpu.dma_semaphore, #tpu.memory_space<semaphore_mem>> -> memref<1x!tpu.dma_semaphore, #tpu.memory_space<semaphore_mem>>
    %dma_wait3A_65 = tpu.memref_squeeze %dma_wait3A_64 : memref<1x!tpu.dma_semaphore, #tpu.memory_space<semaphore_mem>> -> memref<!tpu.dma_semaphore, #tpu.memory_space<semaphore_mem>>
    tpu.wait_indirect_dma semaphore(%dma_wait3A_65 : memref<!tpu.dma_semaphore, #tpu.memory_space<semaphore_mem>>) src(%dma_wait3A_57 : memref<80x64xf32, #tpu.memory_space<vmem>>) dst(%dma_wait3A_63 : memref<10000x64xf32, #tpu.memory_space<vmem_shared>>)
    %dma_wait3A_66 = arith.constant 1 : i32
    %dma_wait3A_67 = arith.constant 0 : i32
    %dma_wait3A_68 = arith.constant 1 : i32
    %dma_wait3A_69 = arith.constant 0 : i32
    %dma_wait3A_70 = arith.constant 0 : i32
    %dma_wait3A_71 = tpu.memref_slice %arg8[%dma_wait3A_66, %dma_wait3A_69, %dma_wait3A_70] : memref<4x80x64xf32, #tpu.memory_space<vmem>> -> memref<1x80x64xf32, #tpu.memory_space<vmem>>
    %dma_wait3A_72 = tpu.memref_squeeze %dma_wait3A_71 : memref<1x80x64xf32, #tpu.memory_space<vmem>> -> memref<80x64xf32, #tpu.memory_space<vmem>>
    %dma_wait3A_73 = arith.constant 0 : i32
    %dma_wait3A_74 = tpu.memref_slice %arg7[%dma_wait3A_67, %dma_wait3A_73] : memref<125x80xi32, #tpu.memory_space<vmem>> -> memref<1x80xi32, #tpu.memory_space<vmem>>
    %dma_wait3A_75 = tpu.memref_squeeze %dma_wait3A_74 : memref<1x80xi32, #tpu.memory_space<vmem>> -> memref<80xi32, #tpu.memory_space<vmem>>
    %dma_wait3A_76 = arith.constant 0 : i32
    %dma_wait3A_77 = arith.constant 0 : i32
    %dma_wait3A_78 = tpu.memref_slice %arg9[%dma_wait3A_76, %dma_wait3A_77] : memref<10000x64xf32, #tpu.memory_space<vmem_shared>> -> memref<10000x64xf32, #tpu.memory_space<vmem_shared>>
    %dma_wait3A_79 = tpu.memref_slice %arg11[%dma_wait3A_68] : memref<4x!tpu.dma_semaphore, #tpu.memory_space<semaphore_mem>> -> memref<1x!tpu.dma_semaphore, #tpu.memory_space<semaphore_mem>>
    %dma_wait3A_80 = tpu.memref_squeeze %dma_wait3A_79 : memref<1x!tpu.dma_semaphore, #tpu.memory_space<semaphore_mem>> -> memref<!tpu.dma_semaphore, #tpu.memory_space<semaphore_mem>>
    tpu.wait_indirect_dma semaphore(%dma_wait3A_80 : memref<!tpu.dma_semaphore, #tpu.memory_space<semaphore_mem>>) src(%dma_wait3A_72 : memref<80x64xf32, #tpu.memory_space<vmem>>) dst(%dma_wait3A_78 : memref<10000x64xf32, #tpu.memory_space<vmem_shared>>)
    %dma_wait3A_81 = arith.constant 2 : i32
    %dma_wait3A_82 = arith.constant 0 : i32
    %dma_wait3A_83 = arith.constant 2 : i32
    %dma_wait3A_84 = arith.constant 0 : i32
    %dma_wait3A_85 = arith.constant 0 : i32
    %dma_wait3A_86 = tpu.memref_slice %arg8[%dma_wait3A_81, %dma_wait3A_84, %dma_wait3A_85] : memref<4x80x64xf32, #tpu.memory_space<vmem>> -> memref<1x80x64xf32, #tpu.memory_space<vmem>>
    %dma_wait3A_87 = tpu.memref_squeeze %dma_wait3A_86 : memref<1x80x64xf32, #tpu.memory_space<vmem>> -> memref<80x64xf32, #tpu.memory_space<vmem>>
    %dma_wait3A_88 = arith.constant 0 : i32
    %dma_wait3A_89 = tpu.memref_slice %arg7[%dma_wait3A_82, %dma_wait3A_88] : memref<125x80xi32, #tpu.memory_space<vmem>> -> memref<1x80xi32, #tpu.memory_space<vmem>>
    %dma_wait3A_90 = tpu.memref_squeeze %dma_wait3A_89 : memref<1x80xi32, #tpu.memory_space<vmem>> -> memref<80xi32, #tpu.memory_space<vmem>>
    %dma_wait3A_91 = arith.constant 0 : i32
    %dma_wait3A_92 = arith.constant 0 : i32
    %dma_wait3A_93 = tpu.memref_slice %arg9[%dma_wait3A_91, %dma_wait3A_92] : memref<10000x64xf32, #tpu.memory_space<vmem_shared>> -> memref<10000x64xf32, #tpu.memory_space<vmem_shared>>
    %dma_wait3A_94 = tpu.memref_slice %arg11[%dma_wait3A_83] : memref<4x!tpu.dma_semaphore, #tpu.memory_space<semaphore_mem>> -> memref<1x!tpu.dma_semaphore, #tpu.memory_space<semaphore_mem>>
    %dma_wait3A_95 = tpu.memref_squeeze %dma_wait3A_94 : memref<1x!tpu.dma_semaphore, #tpu.memory_space<semaphore_mem>> -> memref<!tpu.dma_semaphore, #tpu.memory_space<semaphore_mem>>
    tpu.wait_indirect_dma semaphore(%dma_wait3A_95 : memref<!tpu.dma_semaphore, #tpu.memory_space<semaphore_mem>>) src(%dma_wait3A_87 : memref<80x64xf32, #tpu.memory_space<vmem>>) dst(%dma_wait3A_93 : memref<10000x64xf32, #tpu.memory_space<vmem_shared>>)
    %dma_wait3A_96 = arith.constant 3 : i32
    %dma_wait3A_97 = arith.constant 0 : i32
    %dma_wait3A_98 = arith.constant 3 : i32
    %dma_wait3A_99 = arith.constant 0 : i32
    %dma_wait3A_100 = arith.constant 0 : i32
    %dma_wait3A_101 = tpu.memref_slice %arg8[%dma_wait3A_96, %dma_wait3A_99, %dma_wait3A_100] : memref<4x80x64xf32, #tpu.memory_space<vmem>> -> memref<1x80x64xf32, #tpu.memory_space<vmem>>
    %dma_wait3A_102 = tpu.memref_squeeze %dma_wait3A_101 : memref<1x80x64xf32, #tpu.memory_space<vmem>> -> memref<80x64xf32, #tpu.memory_space<vmem>>
    %dma_wait3A_103 = arith.constant 0 : i32
    %dma_wait3A_104 = tpu.memref_slice %arg7[%dma_wait3A_97, %dma_wait3A_103] : memref<125x80xi32, #tpu.memory_space<vmem>> -> memref<1x80xi32, #tpu.memory_space<vmem>>
    %dma_wait3A_105 = tpu.memref_squeeze %dma_wait3A_104 : memref<1x80xi32, #tpu.memory_space<vmem>> -> memref<80xi32, #tpu.memory_space<vmem>>
    %dma_wait3A_106 = arith.constant 0 : i32
    %dma_wait3A_107 = arith.constant 0 : i32
    %dma_wait3A_108 = tpu.memref_slice %arg9[%dma_wait3A_106, %dma_wait3A_107] : memref<10000x64xf32, #tpu.memory_space<vmem_shared>> -> memref<10000x64xf32, #tpu.memory_space<vmem_shared>>
    %dma_wait3A_109 = tpu.memref_slice %arg11[%dma_wait3A_98] : memref<4x!tpu.dma_semaphore, #tpu.memory_space<semaphore_mem>> -> memref<1x!tpu.dma_semaphore, #tpu.memory_space<semaphore_mem>>
    %dma_wait3A_110 = tpu.memref_squeeze %dma_wait3A_109 : memref<1x!tpu.dma_semaphore, #tpu.memory_space<semaphore_mem>> -> memref<!tpu.dma_semaphore, #tpu.memory_space<semaphore_mem>>
    tpu.wait_indirect_dma semaphore(%dma_wait3A_110 : memref<!tpu.dma_semaphore, #tpu.memory_space<semaphore_mem>>) src(%dma_wait3A_102 : memref<80x64xf32, #tpu.memory_space<vmem>>) dst(%dma_wait3A_108 : memref<10000x64xf32, #tpu.memory_space<vmem_shared>>)
    %barrier3A_111 = arith.constant 0 : index
    tpu.barrier barrier_id(%barrier3A_111)
    %eq3A_112 = arith.constant 0 : i32
    %eq3A_113 = arith.cmpi eq, %arg1, %eq3A_112 : i32
    %convert_element_type3A_114 = arith.extui %eq3A_113 : i1 to i32
    %cond3A_115 = arith.constant 0 : i32
    %cond3A_116 = arith.cmpi ne, %convert_element_type3A_114, %cond3A_115 : i32
    scf.if %cond3A_116 {
      "tpu.region"() ({
        %run_scoped3A = tpu.sem_alloc : memref<!tpu.dma_semaphore, #tpu.memory_space<semaphore_mem>>
        %dma_start3A_117 = arith.constant 0 : i32
        %dma_start3A_118 = arith.constant 0 : i32
        %dma_start3A_119 = tpu.memref_slice %arg5[%arg0, %dma_start3A_117, %dma_start3A_118] : memref<2x10000x64xf32, #tpu.memory_space<hbm>> -> memref<1x10000x64xf32, #tpu.memory_space<hbm>>
        %dma_start3A_120 = tpu.memref_squeeze %dma_start3A_119 : memref<1x10000x64xf32, #tpu.memory_space<hbm>> -> memref<10000x64xf32, #tpu.memory_space<hbm>>
        tpu.enqueue_dma source(%arg9 : memref<10000x64xf32, #tpu.memory_space<vmem_shared>>) target(%dma_start3A_120 : memref<10000x64xf32, #tpu.memory_space<hbm>>) target_semaphore(%run_scoped3A : memref<!tpu.dma_semaphore, #tpu.memory_space<semaphore_mem>>)
        %dma_wait3A_121 = arith.constant 0 : i32
        %dma_wait3A_122 = arith.constant 0 : i32
        %dma_wait3A_123 = tpu.memref_slice %arg5[%arg0, %dma_wait3A_121, %dma_wait3A_122] : memref<2x10000x64xf32, #tpu.memory_space<hbm>> -> memref<1x10000x64xf32, #tpu.memory_space<hbm>>
        %dma_wait3A_124 = tpu.memref_squeeze %dma_wait3A_123 : memref<1x10000x64xf32, #tpu.memory_space<hbm>> -> memref<10000x64xf32, #tpu.memory_space<hbm>>
        tpu.wait_dma2 semaphore(%run_scoped3A : memref<!tpu.dma_semaphore, #tpu.memory_space<semaphore_mem>>) src(%arg9 : memref<10000x64xf32, #tpu.memory_space<vmem_shared>>) dst(%dma_wait3A_124 : memref<10000x64xf32, #tpu.memory_space<hbm>>)
        tpu.yield
      }) : () -> ()
    } else {
    }
    return
  }
}

#map = affine_map<(d0, d1) -> (0, 0, 0)>
#map1 = affine_map<(d0, d1) -> (0, 0)>
module attributes {stable_mosaic.version = 14 : i64} {
  func.func @k(%arg0: i32, %arg1: i32, %arg2: memref<32x125x80xi32, #tpu.memory_space<hbm>>, %arg3: memref<32x125x80xi32, #tpu.memory_space<hbm>>, %arg4: memref<10000x64xf32, #tpu.memory_space<hbm>>, %arg5: memref<2x10000x64xf32, #tpu.memory_space<hbm>>, %arg6: memref<125x80xi32, #tpu.memory_space<vmem>>, %arg7: memref<125x80xi32, #tpu.memory_space<vmem>>, %arg8: memref<4x80x64xf32, #tpu.memory_space<vmem>>, %arg9: memref<10000x64xf32, #tpu.memory_space<vmem_shared>>, %arg10: memref<4x!tpu.dma_semaphore, #tpu.memory_space<semaphore_mem>>, %arg11: memref<4x!tpu.dma_semaphore, #tpu.memory_space<semaphore_mem>>) attributes {dimension_semantics = [#tpu.dimension_semantics<core_parallel>, #tpu.dimension_semantics<subcore_parallel>], iteration_bounds = array<i64: 2, 16>, scalar_prefetch = 0 : i64, scratch_operands = 6 : i64, tpu.core_type = #tpu.core_type<sc_vector_subcore>, window_params = [{transform_indices = #map}, {transform_indices = #map}, {transform_indices = #map1}, {transform_indices = #map}]} {
    %mul3A = arith.constant 16 : i32
    %mul3A_0 = arith.muli %arg0, %mul3A : i32
    %add3A = arith.addi %mul3A_0, %arg1 : i32
    %eq3A = arith.constant 0 : i32
    %eq3A_1 = arith.cmpi eq, %arg1, %eq3A : i32
    %convert_element_type3A = arith.extui %eq3A_1 : i1 to i32
    %cond3A = arith.constant 0 : i32
    %cond3A_2 = arith.cmpi ne, %convert_element_type3A, %cond3A : i32
    scf.if %cond3A_2 {
      "tpu.region"() ({
        %run_scoped3A = tpu.sem_alloc : memref<!tpu.dma_semaphore, #tpu.memory_space<semaphore_mem>>
        tpu.enqueue_dma source(%arg4 : memref<10000x64xf32, #tpu.memory_space<hbm>>) target(%arg9 : memref<10000x64xf32, #tpu.memory_space<vmem_shared>>) target_semaphore(%run_scoped3A : memref<!tpu.dma_semaphore, #tpu.memory_space<semaphore_mem>>)
        tpu.wait_dma2 semaphore(%run_scoped3A : memref<!tpu.dma_semaphore, #tpu.memory_space<semaphore_mem>>) src(%arg4 : memref<10000x64xf32, #tpu.memory_space<hbm>>) dst(%arg9 : memref<10000x64xf32, #tpu.memory_space<vmem_shared>>)
        tpu.yield
      }) : () -> ()
    } else {
    }
    "tpu.region"() ({
      %run_scoped3A = tpu.sem_alloc : memref<!tpu.dma_semaphore, #tpu.memory_space<semaphore_mem>>
      %dma_start3A_117 = arith.constant 0 : i32
      %dma_start3A_118 = arith.constant 0 : i32
      %dma_start3A_119 = tpu.memref_slice %arg2[%add3A, %dma_start3A_117, %dma_start3A_118] : memref<32x125x80xi32, #tpu.memory_space<hbm>> -> memref<1x125x80xi32, #tpu.memory_space<hbm>>
      %dma_start3A_120 = tpu.memref_squeeze %dma_start3A_119 : memref<1x125x80xi32, #tpu.memory_space<hbm>> -> memref<125x80xi32, #tpu.memory_space<hbm>>
      %dma_start3A_121 = arith.constant 0 : i32
      %dma_start3A_122 = arith.constant 0 : i32
      %dma_start3A_123 = tpu.memref_slice %arg2[%add3A, %dma_start3A_121, %dma_start3A_122] : memref<32x125x80xi32, #tpu.memory_space<hbm>> -> memref<1x125x80xi32, #tpu.memory_space<hbm>>
      %dma_start3A_124 = tpu.memref_squeeze %dma_start3A_123 : memref<1x125x80xi32, #tpu.memory_space<hbm>> -> memref<125x80xi32, #tpu.memory_space<hbm>>
      tpu.enqueue_dma source(%dma_start3A_124 : memref<125x80xi32, #tpu.memory_space<hbm>>) target(%arg6 : memref<125x80xi32, #tpu.memory_space<vmem>>) target_semaphore(%run_scoped3A : memref<!tpu.dma_semaphore, #tpu.memory_space<semaphore_mem>>)
      %dma_wait3A_125 = arith.constant 0 : i32
      %dma_wait3A_126 = arith.constant 0 : i32
      %dma_wait3A_127 = tpu.memref_slice %arg2[%add3A, %dma_wait3A_125, %dma_wait3A_126] : memref<32x125x80xi32, #tpu.memory_space<hbm>> -> memref<1x125x80xi32, #tpu.memory_space<hbm>>
      %dma_wait3A_128 = tpu.memref_squeeze %dma_wait3A_127 : memref<1x125x80xi32, #tpu.memory_space<hbm>> -> memref<125x80xi32, #tpu.memory_space<hbm>>
      %dma_wait3A_129 = arith.constant 0 : i32
      %dma_wait3A_130 = arith.constant 0 : i32
      %dma_wait3A_131 = tpu.memref_slice %arg2[%add3A, %dma_wait3A_129, %dma_wait3A_130] : memref<32x125x80xi32, #tpu.memory_space<hbm>> -> memref<1x125x80xi32, #tpu.memory_space<hbm>>
      %dma_wait3A_132 = tpu.memref_squeeze %dma_wait3A_131 : memref<1x125x80xi32, #tpu.memory_space<hbm>> -> memref<125x80xi32, #tpu.memory_space<hbm>>
      tpu.wait_dma2 semaphore(%run_scoped3A : memref<!tpu.dma_semaphore, #tpu.memory_space<semaphore_mem>>) src(%dma_wait3A_132 : memref<125x80xi32, #tpu.memory_space<hbm>>) dst(%arg6 : memref<125x80xi32, #tpu.memory_space<vmem>>)
      tpu.yield
    }) : () -> ()
    "tpu.region"() ({
      %run_scoped3A = tpu.sem_alloc : memref<!tpu.dma_semaphore, #tpu.memory_space<semaphore_mem>>
      %dma_start3A_117 = arith.constant 0 : i32
      %dma_start3A_118 = arith.constant 0 : i32
      %dma_start3A_119 = tpu.memref_slice %arg3[%add3A, %dma_start3A_117, %dma_start3A_118] : memref<32x125x80xi32, #tpu.memory_space<hbm>> -> memref<1x125x80xi32, #tpu.memory_space<hbm>>
      %dma_start3A_120 = tpu.memref_squeeze %dma_start3A_119 : memref<1x125x80xi32, #tpu.memory_space<hbm>> -> memref<125x80xi32, #tpu.memory_space<hbm>>
      %dma_start3A_121 = arith.constant 0 : i32
      %dma_start3A_122 = arith.constant 0 : i32
      %dma_start3A_123 = tpu.memref_slice %arg3[%add3A, %dma_start3A_121, %dma_start3A_122] : memref<32x125x80xi32, #tpu.memory_space<hbm>> -> memref<1x125x80xi32, #tpu.memory_space<hbm>>
      %dma_start3A_124 = tpu.memref_squeeze %dma_start3A_123 : memref<1x125x80xi32, #tpu.memory_space<hbm>> -> memref<125x80xi32, #tpu.memory_space<hbm>>
      tpu.enqueue_dma source(%dma_start3A_124 : memref<125x80xi32, #tpu.memory_space<hbm>>) target(%arg7 : memref<125x80xi32, #tpu.memory_space<vmem>>) target_semaphore(%run_scoped3A : memref<!tpu.dma_semaphore, #tpu.memory_space<semaphore_mem>>)
      %dma_wait3A_125 = arith.constant 0 : i32
      %dma_wait3A_126 = arith.constant 0 : i32
      %dma_wait3A_127 = tpu.memref_slice %arg3[%add3A, %dma_wait3A_125, %dma_wait3A_126] : memref<32x125x80xi32, #tpu.memory_space<hbm>> -> memref<1x125x80xi32, #tpu.memory_space<hbm>>
      %dma_wait3A_128 = tpu.memref_squeeze %dma_wait3A_127 : memref<1x125x80xi32, #tpu.memory_space<hbm>> -> memref<125x80xi32, #tpu.memory_space<hbm>>
      %dma_wait3A_129 = arith.constant 0 : i32
      %dma_wait3A_130 = arith.constant 0 : i32
      %dma_wait3A_131 = tpu.memref_slice %arg3[%add3A, %dma_wait3A_129, %dma_wait3A_130] : memref<32x125x80xi32, #tpu.memory_space<hbm>> -> memref<1x125x80xi32, #tpu.memory_space<hbm>>
      %dma_wait3A_132 = tpu.memref_squeeze %dma_wait3A_131 : memref<1x125x80xi32, #tpu.memory_space<hbm>> -> memref<125x80xi32, #tpu.memory_space<hbm>>
      tpu.wait_dma2 semaphore(%run_scoped3A : memref<!tpu.dma_semaphore, #tpu.memory_space<semaphore_mem>>) src(%dma_wait3A_132 : memref<125x80xi32, #tpu.memory_space<hbm>>) dst(%arg7 : memref<125x80xi32, #tpu.memory_space<vmem>>)
      tpu.yield
    }) : () -> ()
    %dma_start3A = arith.constant 0 : i32
    %dma_start3A_3 = arith.constant 0 : i32
    %dma_start3A_4 = arith.constant 0 : i32
    %dma_start3A_5 = arith.constant 0 : i32
    %dma_start3A_6 = arith.constant 0 : i32
    %dma_start3A_7 = tpu.memref_slice %arg8[%dma_start3A_3, %dma_start3A_5, %dma_start3A_6] : memref<4x80x64xf32, #tpu.memory_space<vmem>> -> memref<1x80x64xf32, #tpu.memory_space<vmem>>
    %dma_start3A_8 = tpu.memref_squeeze %dma_start3A_7 : memref<1x80x64xf32, #tpu.memory_space<vmem>> -> memref<80x64xf32, #tpu.memory_space<vmem>>
    %dma_start3A_9 = arith.constant 0 : i32
    %dma_start3A_10 = tpu.memref_slice %arg6[%dma_start3A, %dma_start3A_9] : memref<125x80xi32, #tpu.memory_space<vmem>> -> memref<1x80xi32, #tpu.memory_space<vmem>>
    %dma_start3A_11 = tpu.memref_squeeze %dma_start3A_10 : memref<1x80xi32, #tpu.memory_space<vmem>> -> memref<80xi32, #tpu.memory_space<vmem>>
    %dma_start3A_12 = arith.constant 0 : i32
    %dma_start3A_13 = arith.constant 0 : i32
    %dma_start3A_14 = tpu.memref_slice %arg4[%dma_start3A_12, %dma_start3A_13] : memref<10000x64xf32, #tpu.memory_space<hbm>> -> memref<10000x64xf32, #tpu.memory_space<hbm>>
    %dma_start3A_15 = tpu.memref_slice %arg10[%dma_start3A_4] : memref<4x!tpu.dma_semaphore, #tpu.memory_space<semaphore_mem>> -> memref<1x!tpu.dma_semaphore, #tpu.memory_space<semaphore_mem>>
    %dma_start3A_16 = tpu.memref_squeeze %dma_start3A_15 : memref<1x!tpu.dma_semaphore, #tpu.memory_space<semaphore_mem>> -> memref<!tpu.dma_semaphore, #tpu.memory_space<semaphore_mem>>
    tpu.enqueue_indirect_dma source(%dma_start3A_14 : memref<10000x64xf32, #tpu.memory_space<hbm>>) target(%dma_start3A_8 : memref<80x64xf32, #tpu.memory_space<vmem>>) offsets(%dma_start3A_11 : memref<80xi32, #tpu.memory_space<vmem>>) semaphore(%dma_start3A_16 : memref<!tpu.dma_semaphore, #tpu.memory_space<semaphore_mem>>)
    %dma_start3A_17 = arith.constant 1 : i32
    %dma_start3A_18 = arith.constant 1 : i32
    %dma_start3A_19 = arith.constant 1 : i32
    %dma_start3A_20 = arith.constant 0 : i32
    %dma_start3A_21 = arith.constant 0 : i32
    %dma_start3A_22 = tpu.memref_slice %arg8[%dma_start3A_18, %dma_start3A_20, %dma_start3A_21] : memref<4x80x64xf32, #tpu.memory_space<vmem>> -> memref<1x80x64xf32, #tpu.memory_space<vmem>>
    %dma_start3A_23 = tpu.memref_squeeze %dma_start3A_22 : memref<1x80x64xf32, #tpu.memory_space<vmem>> -> memref<80x64xf32, #tpu.memory_space<vmem>>
    %dma_start3A_24 = arith.constant 0 : i32
    %dma_start3A_25 = tpu.memref_slice %arg6[%dma_start3A_17, %dma_start3A_24] : memref<125x80xi32, #tpu.memory_space<vmem>> -> memref<1x80xi32, #tpu.memory_space<vmem>>
    %dma_start3A_26 = tpu.memref_squeeze %dma_start3A_25 : memref<1x80xi32, #tpu.memory_space<vmem>> -> memref<80xi32, #tpu.memory_space<vmem>>
    %dma_start3A_27 = arith.constant 0 : i32
    %dma_start3A_28 = arith.constant 0 : i32
    %dma_start3A_29 = tpu.memref_slice %arg4[%dma_start3A_27, %dma_start3A_28] : memref<10000x64xf32, #tpu.memory_space<hbm>> -> memref<10000x64xf32, #tpu.memory_space<hbm>>
    %dma_start3A_30 = tpu.memref_slice %arg10[%dma_start3A_19] : memref<4x!tpu.dma_semaphore, #tpu.memory_space<semaphore_mem>> -> memref<1x!tpu.dma_semaphore, #tpu.memory_space<semaphore_mem>>
    %dma_start3A_31 = tpu.memref_squeeze %dma_start3A_30 : memref<1x!tpu.dma_semaphore, #tpu.memory_space<semaphore_mem>> -> memref<!tpu.dma_semaphore, #tpu.memory_space<semaphore_mem>>
    tpu.enqueue_indirect_dma source(%dma_start3A_29 : memref<10000x64xf32, #tpu.memory_space<hbm>>) target(%dma_start3A_23 : memref<80x64xf32, #tpu.memory_space<vmem>>) offsets(%dma_start3A_26 : memref<80xi32, #tpu.memory_space<vmem>>) semaphore(%dma_start3A_31 : memref<!tpu.dma_semaphore, #tpu.memory_space<semaphore_mem>>)
    %dma_start3A_32 = arith.constant 2 : i32
    %dma_start3A_33 = arith.constant 2 : i32
    %dma_start3A_34 = arith.constant 2 : i32
    %dma_start3A_35 = arith.constant 0 : i32
    %dma_start3A_36 = arith.constant 0 : i32
    %dma_start3A_37 = tpu.memref_slice %arg8[%dma_start3A_33, %dma_start3A_35, %dma_start3A_36] : memref<4x80x64xf32, #tpu.memory_space<vmem>> -> memref<1x80x64xf32, #tpu.memory_space<vmem>>
    %dma_start3A_38 = tpu.memref_squeeze %dma_start3A_37 : memref<1x80x64xf32, #tpu.memory_space<vmem>> -> memref<80x64xf32, #tpu.memory_space<vmem>>
    %dma_start3A_39 = arith.constant 0 : i32
    %dma_start3A_40 = tpu.memref_slice %arg6[%dma_start3A_32, %dma_start3A_39] : memref<125x80xi32, #tpu.memory_space<vmem>> -> memref<1x80xi32, #tpu.memory_space<vmem>>
    %dma_start3A_41 = tpu.memref_squeeze %dma_start3A_40 : memref<1x80xi32, #tpu.memory_space<vmem>> -> memref<80xi32, #tpu.memory_space<vmem>>
    %dma_start3A_42 = arith.constant 0 : i32
    %dma_start3A_43 = arith.constant 0 : i32
    %dma_start3A_44 = tpu.memref_slice %arg4[%dma_start3A_42, %dma_start3A_43] : memref<10000x64xf32, #tpu.memory_space<hbm>> -> memref<10000x64xf32, #tpu.memory_space<hbm>>
    %dma_start3A_45 = tpu.memref_slice %arg10[%dma_start3A_34] : memref<4x!tpu.dma_semaphore, #tpu.memory_space<semaphore_mem>> -> memref<1x!tpu.dma_semaphore, #tpu.memory_space<semaphore_mem>>
    %dma_start3A_46 = tpu.memref_squeeze %dma_start3A_45 : memref<1x!tpu.dma_semaphore, #tpu.memory_space<semaphore_mem>> -> memref<!tpu.dma_semaphore, #tpu.memory_space<semaphore_mem>>
    tpu.enqueue_indirect_dma source(%dma_start3A_44 : memref<10000x64xf32, #tpu.memory_space<hbm>>) target(%dma_start3A_38 : memref<80x64xf32, #tpu.memory_space<vmem>>) offsets(%dma_start3A_41 : memref<80xi32, #tpu.memory_space<vmem>>) semaphore(%dma_start3A_46 : memref<!tpu.dma_semaphore, #tpu.memory_space<semaphore_mem>>)
    %barrier3A = arith.constant 0 : index
    tpu.barrier barrier_id(%barrier3A)
    %scan3A = arith.constant 0 : i32
    %scan3A_47 = arith.constant 0 : i32
    %scan3A_48 = arith.constant 125 : i32
    %scan3A_49 = arith.addi %scan3A_47, %scan3A_48 : i32
    %scan3A_50 = arith.constant 1 : i32
    scf.for %scan3A_117 = %scan3A_47 to %scan3A_49 step %scan3A_50  : i32 {
      %add3A_118 = arith.constant 3 : i32
      %add3A_119 = arith.addi %scan3A_117, %add3A_118 : i32
      %lt3A = arith.constant 125 : i32
      %lt3A_120 = arith.cmpi slt, %add3A_119, %lt3A : i32
      %convert_element_type3A_121 = arith.extui %lt3A_120 : i1 to i32
      %cond3A_122 = arith.constant 0 : i32
      %cond3A_123 = arith.cmpi ne, %convert_element_type3A_121, %cond3A_122 : i32
      scf.if %cond3A_123 {
        %add3A_149 = arith.constant 3 : i32
        %add3A_150 = arith.addi %scan3A_117, %add3A_149 : i32
        %rem3A_151 = arith.constant 4 : i32
        %rem3A_152 = arith.remsi %add3A_150, %rem3A_151 : i32
        %add3A_153 = arith.constant 3 : i32
        %add3A_154 = arith.addi %scan3A_117, %add3A_153 : i32
        %ge3A = arith.constant 4 : i32
        %ge3A_155 = arith.cmpi sge, %add3A_154, %ge3A : i32
        %convert_element_type3A_156 = arith.extui %ge3A_155 : i1 to i32
        %cond3A_157 = arith.constant 0 : i32
        %cond3A_158 = arith.cmpi ne, %convert_element_type3A_156, %cond3A_157 : i32
        scf.if %cond3A_158 {
          %dma_wait3A_173 = arith.constant 0 : i32
          %dma_wait3A_174 = arith.constant 0 : i32
          %dma_wait3A_175 = tpu.memref_slice %arg8[%rem3A_152, %dma_wait3A_173, %dma_wait3A_174] : memref<4x80x64xf32, #tpu.memory_space<vmem>> -> memref<1x80x64xf32, #tpu.memory_space<vmem>>
          %dma_wait3A_176 = tpu.memref_squeeze %dma_wait3A_175 : memref<1x80x64xf32, #tpu.memory_space<vmem>> -> memref<80x64xf32, #tpu.memory_space<vmem>>
          %dma_wait3A_177 = arith.constant 0 : i32
          %dma_wait3A_178 = tpu.memref_slice %arg7[%scan3A_117, %dma_wait3A_177] : memref<125x80xi32, #tpu.memory_space<vmem>> -> memref<1x80xi32, #tpu.memory_space<vmem>>
          %dma_wait3A_179 = tpu.memref_squeeze %dma_wait3A_178 : memref<1x80xi32, #tpu.memory_space<vmem>> -> memref<80xi32, #tpu.memory_space<vmem>>
          %dma_wait3A_180 = arith.constant 0 : i32
          %dma_wait3A_181 = arith.constant 0 : i32
          %dma_wait3A_182 = tpu.memref_slice %arg9[%dma_wait3A_180, %dma_wait3A_181] : memref<10000x64xf32, #tpu.memory_space<vmem_shared>> -> memref<10000x64xf32, #tpu.memory_space<vmem_shared>>
          %dma_wait3A_183 = tpu.memref_slice %arg11[%rem3A_152] : memref<4x!tpu.dma_semaphore, #tpu.memory_space<semaphore_mem>> -> memref<1x!tpu.dma_semaphore, #tpu.memory_space<semaphore_mem>>
          %dma_wait3A_184 = tpu.memref_squeeze %dma_wait3A_183 : memref<1x!tpu.dma_semaphore, #tpu.memory_space<semaphore_mem>> -> memref<!tpu.dma_semaphore, #tpu.memory_space<semaphore_mem>>
          tpu.wait_indirect_dma semaphore(%dma_wait3A_184 : memref<!tpu.dma_semaphore, #tpu.memory_space<semaphore_mem>>) src(%dma_wait3A_176 : memref<80x64xf32, #tpu.memory_space<vmem>>) dst(%dma_wait3A_182 : memref<10000x64xf32, #tpu.memory_space<vmem_shared>>)
        } else {
        }
        %add3A_159 = arith.constant 3 : i32
        %add3A_160 = arith.addi %scan3A_117, %add3A_159 : i32
        %dma_start3A_161 = arith.constant 0 : i32
        %dma_start3A_162 = arith.constant 0 : i32
        %dma_start3A_163 = tpu.memref_slice %arg8[%rem3A_152, %dma_start3A_161, %dma_start3A_162] : memref<4x80x64xf32, #tpu.memory_space<vmem>> -> memref<1x80x64xf32, #tpu.memory_space<vmem>>
        %dma_start3A_164 = tpu.memref_squeeze %dma_start3A_163 : memref<1x80x64xf32, #tpu.memory_space<vmem>> -> memref<80x64xf32, #tpu.memory_space<vmem>>
        %dma_start3A_165 = arith.constant 0 : i32
        %dma_start3A_166 = tpu.memref_slice %arg6[%add3A_160, %dma_start3A_165] : memref<125x80xi32, #tpu.memory_space<vmem>> -> memref<1x80xi32, #tpu.memory_space<vmem>>
        %dma_start3A_167 = tpu.memref_squeeze %dma_start3A_166 : memref<1x80xi32, #tpu.memory_space<vmem>> -> memref<80xi32, #tpu.memory_space<vmem>>
        %dma_start3A_168 = arith.constant 0 : i32
        %dma_start3A_169 = arith.constant 0 : i32
        %dma_start3A_170 = tpu.memref_slice %arg4[%dma_start3A_168, %dma_start3A_169] : memref<10000x64xf32, #tpu.memory_space<hbm>> -> memref<10000x64xf32, #tpu.memory_space<hbm>>
        %dma_start3A_171 = tpu.memref_slice %arg10[%rem3A_152] : memref<4x!tpu.dma_semaphore, #tpu.memory_space<semaphore_mem>> -> memref<1x!tpu.dma_semaphore, #tpu.memory_space<semaphore_mem>>
        %dma_start3A_172 = tpu.memref_squeeze %dma_start3A_171 : memref<1x!tpu.dma_semaphore, #tpu.memory_space<semaphore_mem>> -> memref<!tpu.dma_semaphore, #tpu.memory_space<semaphore_mem>>
        tpu.enqueue_indirect_dma source(%dma_start3A_170 : memref<10000x64xf32, #tpu.memory_space<hbm>>) target(%dma_start3A_164 : memref<80x64xf32, #tpu.memory_space<vmem>>) offsets(%dma_start3A_167 : memref<80xi32, #tpu.memory_space<vmem>>) semaphore(%dma_start3A_172 : memref<!tpu.dma_semaphore, #tpu.memory_space<semaphore_mem>>)
      } else {
      }
      %rem3A = arith.constant 4 : i32
      %rem3A_124 = arith.remsi %scan3A_117, %rem3A : i32
      %dma_wait3A_125 = arith.constant 0 : i32
      %dma_wait3A_126 = arith.constant 0 : i32
      %dma_wait3A_127 = tpu.memref_slice %arg8[%rem3A_124, %dma_wait3A_125, %dma_wait3A_126] : memref<4x80x64xf32, #tpu.memory_space<vmem>> -> memref<1x80x64xf32, #tpu.memory_space<vmem>>
      %dma_wait3A_128 = tpu.memref_squeeze %dma_wait3A_127 : memref<1x80x64xf32, #tpu.memory_space<vmem>> -> memref<80x64xf32, #tpu.memory_space<vmem>>
      %dma_wait3A_129 = arith.constant 0 : i32
      %dma_wait3A_130 = tpu.memref_slice %arg6[%scan3A_117, %dma_wait3A_129] : memref<125x80xi32, #tpu.memory_space<vmem>> -> memref<1x80xi32, #tpu.memory_space<vmem>>
      %dma_wait3A_131 = tpu.memref_squeeze %dma_wait3A_130 : memref<1x80xi32, #tpu.memory_space<vmem>> -> memref<80xi32, #tpu.memory_space<vmem>>
      %dma_wait3A_132 = arith.constant 0 : i32
      %dma_wait3A_133 = arith.constant 0 : i32
      %dma_wait3A_134 = tpu.memref_slice %arg4[%dma_wait3A_132, %dma_wait3A_133] : memref<10000x64xf32, #tpu.memory_space<hbm>> -> memref<10000x64xf32, #tpu.memory_space<hbm>>
      %dma_wait3A_135 = tpu.memref_slice %arg10[%rem3A_124] : memref<4x!tpu.dma_semaphore, #tpu.memory_space<semaphore_mem>> -> memref<1x!tpu.dma_semaphore, #tpu.memory_space<semaphore_mem>>
      %dma_wait3A_136 = tpu.memref_squeeze %dma_wait3A_135 : memref<1x!tpu.dma_semaphore, #tpu.memory_space<semaphore_mem>> -> memref<!tpu.dma_semaphore, #tpu.memory_space<semaphore_mem>>
      tpu.wait_indirect_dma semaphore(%dma_wait3A_136 : memref<!tpu.dma_semaphore, #tpu.memory_space<semaphore_mem>>) src(%dma_wait3A_134 : memref<10000x64xf32, #tpu.memory_space<hbm>>) dst(%dma_wait3A_128 : memref<80x64xf32, #tpu.memory_space<vmem>>)
      %dma_start3A_137 = arith.constant 0 : i32
      %dma_start3A_138 = arith.constant 0 : i32
      %dma_start3A_139 = tpu.memref_slice %arg8[%rem3A_124, %dma_start3A_137, %dma_start3A_138] : memref<4x80x64xf32, #tpu.memory_space<vmem>> -> memref<1x80x64xf32, #tpu.memory_space<vmem>>
      %dma_start3A_140 = tpu.memref_squeeze %dma_start3A_139 : memref<1x80x64xf32, #tpu.memory_space<vmem>> -> memref<80x64xf32, #tpu.memory_space<vmem>>
      %dma_start3A_141 = arith.constant 0 : i32
      %dma_start3A_142 = tpu.memref_slice %arg7[%scan3A_117, %dma_start3A_141] : memref<125x80xi32, #tpu.memory_space<vmem>> -> memref<1x80xi32, #tpu.memory_space<vmem>>
      %dma_start3A_143 = tpu.memref_squeeze %dma_start3A_142 : memref<1x80xi32, #tpu.memory_space<vmem>> -> memref<80xi32, #tpu.memory_space<vmem>>
      %dma_start3A_144 = arith.constant 0 : i32
      %dma_start3A_145 = arith.constant 0 : i32
      %dma_start3A_146 = tpu.memref_slice %arg9[%dma_start3A_144, %dma_start3A_145] : memref<10000x64xf32, #tpu.memory_space<vmem_shared>> -> memref<10000x64xf32, #tpu.memory_space<vmem_shared>>
      %dma_start3A_147 = tpu.memref_slice %arg11[%rem3A_124] : memref<4x!tpu.dma_semaphore, #tpu.memory_space<semaphore_mem>> -> memref<1x!tpu.dma_semaphore, #tpu.memory_space<semaphore_mem>>
      %dma_start3A_148 = tpu.memref_squeeze %dma_start3A_147 : memref<1x!tpu.dma_semaphore, #tpu.memory_space<semaphore_mem>> -> memref<!tpu.dma_semaphore, #tpu.memory_space<semaphore_mem>>
      tpu.enqueue_indirect_dma source(%dma_start3A_140 : memref<80x64xf32, #tpu.memory_space<vmem>>) target(%dma_start3A_146 : memref<10000x64xf32, #tpu.memory_space<vmem_shared>>) offsets(%dma_start3A_143 : memref<80xi32, #tpu.memory_space<vmem>>) semaphore(%dma_start3A_148 : memref<!tpu.dma_semaphore, #tpu.memory_space<semaphore_mem>>) {add = true}
    }
    %scan3A_51 = arith.constant 125 : i32
    %dma_wait3A = arith.constant 0 : i32
    %dma_wait3A_52 = arith.constant 0 : i32
    %dma_wait3A_53 = arith.constant 0 : i32
    %dma_wait3A_54 = arith.constant 0 : i32
    %dma_wait3A_55 = arith.constant 0 : i32
    %dma_wait3A_56 = tpu.memref_slice %arg8[%dma_wait3A, %dma_wait3A_54, %dma_wait3A_55] : memref<4x80x64xf32, #tpu.memory_space<vmem>> -> memref<1x80x64xf32, #tpu.memory_space<vmem>>
    %dma_wait3A_57 = tpu.memref_squeeze %dma_wait3A_56 : memref<1x80x64xf32, #tpu.memory_space<vmem>> -> memref<80x64xf32, #tpu.memory_space<vmem>>
    %dma_wait3A_58 = arith.constant 0 : i32
    %dma_wait3A_59 = tpu.memref_slice %arg7[%dma_wait3A_52, %dma_wait3A_58] : memref<125x80xi32, #tpu.memory_space<vmem>> -> memref<1x80xi32, #tpu.memory_space<vmem>>
    %dma_wait3A_60 = tpu.memref_squeeze %dma_wait3A_59 : memref<1x80xi32, #tpu.memory_space<vmem>> -> memref<80xi32, #tpu.memory_space<vmem>>
    %dma_wait3A_61 = arith.constant 0 : i32
    %dma_wait3A_62 = arith.constant 0 : i32
    %dma_wait3A_63 = tpu.memref_slice %arg9[%dma_wait3A_61, %dma_wait3A_62] : memref<10000x64xf32, #tpu.memory_space<vmem_shared>> -> memref<10000x64xf32, #tpu.memory_space<vmem_shared>>
    %dma_wait3A_64 = tpu.memref_slice %arg11[%dma_wait3A_53] : memref<4x!tpu.dma_semaphore, #tpu.memory_space<semaphore_mem>> -> memref<1x!tpu.dma_semaphore, #tpu.memory_space<semaphore_mem>>
    %dma_wait3A_65 = tpu.memref_squeeze %dma_wait3A_64 : memref<1x!tpu.dma_semaphore, #tpu.memory_space<semaphore_mem>> -> memref<!tpu.dma_semaphore, #tpu.memory_space<semaphore_mem>>
    tpu.wait_indirect_dma semaphore(%dma_wait3A_65 : memref<!tpu.dma_semaphore, #tpu.memory_space<semaphore_mem>>) src(%dma_wait3A_57 : memref<80x64xf32, #tpu.memory_space<vmem>>) dst(%dma_wait3A_63 : memref<10000x64xf32, #tpu.memory_space<vmem_shared>>)
    %dma_wait3A_66 = arith.constant 1 : i32
    %dma_wait3A_67 = arith.constant 0 : i32
    %dma_wait3A_68 = arith.constant 1 : i32
    %dma_wait3A_69 = arith.constant 0 : i32
    %dma_wait3A_70 = arith.constant 0 : i32
    %dma_wait3A_71 = tpu.memref_slice %arg8[%dma_wait3A_66, %dma_wait3A_69, %dma_wait3A_70] : memref<4x80x64xf32, #tpu.memory_space<vmem>> -> memref<1x80x64xf32, #tpu.memory_space<vmem>>
    %dma_wait3A_72 = tpu.memref_squeeze %dma_wait3A_71 : memref<1x80x64xf32, #tpu.memory_space<vmem>> -> memref<80x64xf32, #tpu.memory_space<vmem>>
    %dma_wait3A_73 = arith.constant 0 : i32
    %dma_wait3A_74 = tpu.memref_slice %arg7[%dma_wait3A_67, %dma_wait3A_73] : memref<125x80xi32, #tpu.memory_space<vmem>> -> memref<1x80xi32, #tpu.memory_space<vmem>>
    %dma_wait3A_75 = tpu.memref_squeeze %dma_wait3A_74 : memref<1x80xi32, #tpu.memory_space<vmem>> -> memref<80xi32, #tpu.memory_space<vmem>>
    %dma_wait3A_76 = arith.constant 0 : i32
    %dma_wait3A_77 = arith.constant 0 : i32
    %dma_wait3A_78 = tpu.memref_slice %arg9[%dma_wait3A_76, %dma_wait3A_77] : memref<10000x64xf32, #tpu.memory_space<vmem_shared>> -> memref<10000x64xf32, #tpu.memory_space<vmem_shared>>
    %dma_wait3A_79 = tpu.memref_slice %arg11[%dma_wait3A_68] : memref<4x!tpu.dma_semaphore, #tpu.memory_space<semaphore_mem>> -> memref<1x!tpu.dma_semaphore, #tpu.memory_space<semaphore_mem>>
    %dma_wait3A_80 = tpu.memref_squeeze %dma_wait3A_79 : memref<1x!tpu.dma_semaphore, #tpu.memory_space<semaphore_mem>> -> memref<!tpu.dma_semaphore, #tpu.memory_space<semaphore_mem>>
    tpu.wait_indirect_dma semaphore(%dma_wait3A_80 : memref<!tpu.dma_semaphore, #tpu.memory_space<semaphore_mem>>) src(%dma_wait3A_72 : memref<80x64xf32, #tpu.memory_space<vmem>>) dst(%dma_wait3A_78 : memref<10000x64xf32, #tpu.memory_space<vmem_shared>>)
    %dma_wait3A_81 = arith.constant 2 : i32
    %dma_wait3A_82 = arith.constant 0 : i32
    %dma_wait3A_83 = arith.constant 2 : i32
    %dma_wait3A_84 = arith.constant 0 : i32
    %dma_wait3A_85 = arith.constant 0 : i32
    %dma_wait3A_86 = tpu.memref_slice %arg8[%dma_wait3A_81, %dma_wait3A_84, %dma_wait3A_85] : memref<4x80x64xf32, #tpu.memory_space<vmem>> -> memref<1x80x64xf32, #tpu.memory_space<vmem>>
    %dma_wait3A_87 = tpu.memref_squeeze %dma_wait3A_86 : memref<1x80x64xf32, #tpu.memory_space<vmem>> -> memref<80x64xf32, #tpu.memory_space<vmem>>
    %dma_wait3A_88 = arith.constant 0 : i32
    %dma_wait3A_89 = tpu.memref_slice %arg7[%dma_wait3A_82, %dma_wait3A_88] : memref<125x80xi32, #tpu.memory_space<vmem>> -> memref<1x80xi32, #tpu.memory_space<vmem>>
    %dma_wait3A_90 = tpu.memref_squeeze %dma_wait3A_89 : memref<1x80xi32, #tpu.memory_space<vmem>> -> memref<80xi32, #tpu.memory_space<vmem>>
    %dma_wait3A_91 = arith.constant 0 : i32
    %dma_wait3A_92 = arith.constant 0 : i32
    %dma_wait3A_93 = tpu.memref_slice %arg9[%dma_wait3A_91, %dma_wait3A_92] : memref<10000x64xf32, #tpu.memory_space<vmem_shared>> -> memref<10000x64xf32, #tpu.memory_space<vmem_shared>>
    %dma_wait3A_94 = tpu.memref_slice %arg11[%dma_wait3A_83] : memref<4x!tpu.dma_semaphore, #tpu.memory_space<semaphore_mem>> -> memref<1x!tpu.dma_semaphore, #tpu.memory_space<semaphore_mem>>
    %dma_wait3A_95 = tpu.memref_squeeze %dma_wait3A_94 : memref<1x!tpu.dma_semaphore, #tpu.memory_space<semaphore_mem>> -> memref<!tpu.dma_semaphore, #tpu.memory_space<semaphore_mem>>
    tpu.wait_indirect_dma semaphore(%dma_wait3A_95 : memref<!tpu.dma_semaphore, #tpu.memory_space<semaphore_mem>>) src(%dma_wait3A_87 : memref<80x64xf32, #tpu.memory_space<vmem>>) dst(%dma_wait3A_93 : memref<10000x64xf32, #tpu.memory_space<vmem_shared>>)
    %dma_wait3A_96 = arith.constant 3 : i32
    %dma_wait3A_97 = arith.constant 0 : i32
    %dma_wait3A_98 = arith.constant 3 : i32
    %dma_wait3A_99 = arith.constant 0 : i32
    %dma_wait3A_100 = arith.constant 0 : i32
    %dma_wait3A_101 = tpu.memref_slice %arg8[%dma_wait3A_96, %dma_wait3A_99, %dma_wait3A_100] : memref<4x80x64xf32, #tpu.memory_space<vmem>> -> memref<1x80x64xf32, #tpu.memory_space<vmem>>
    %dma_wait3A_102 = tpu.memref_squeeze %dma_wait3A_101 : memref<1x80x64xf32, #tpu.memory_space<vmem>> -> memref<80x64xf32, #tpu.memory_space<vmem>>
    %dma_wait3A_103 = arith.constant 0 : i32
    %dma_wait3A_104 = tpu.memref_slice %arg7[%dma_wait3A_97, %dma_wait3A_103] : memref<125x80xi32, #tpu.memory_space<vmem>> -> memref<1x80xi32, #tpu.memory_space<vmem>>
    %dma_wait3A_105 = tpu.memref_squeeze %dma_wait3A_104 : memref<1x80xi32, #tpu.memory_space<vmem>> -> memref<80xi32, #tpu.memory_space<vmem>>
    %dma_wait3A_106 = arith.constant 0 : i32
    %dma_wait3A_107 = arith.constant 0 : i32
    %dma_wait3A_108 = tpu.memref_slice %arg9[%dma_wait3A_106, %dma_wait3A_107] : memref<10000x64xf32, #tpu.memory_space<vmem_shared>> -> memref<10000x64xf32, #tpu.memory_space<vmem_shared>>
    %dma_wait3A_109 = tpu.memref_slice %arg11[%dma_wait3A_98] : memref<4x!tpu.dma_semaphore, #tpu.memory_space<semaphore_mem>> -> memref<1x!tpu.dma_semaphore, #tpu.memory_space<semaphore_mem>>
    %dma_wait3A_110 = tpu.memref_squeeze %dma_wait3A_109 : memref<1x!tpu.dma_semaphore, #tpu.memory_space<semaphore_mem>> -> memref<!tpu.dma_semaphore, #tpu.memory_space<semaphore_mem>>
    tpu.wait_indirect_dma semaphore(%dma_wait3A_110 : memref<!tpu.dma_semaphore, #tpu.memory_space<semaphore_mem>>) src(%dma_wait3A_102 : memref<80x64xf32, #tpu.memory_space<vmem>>) dst(%dma_wait3A_108 : memref<10000x64xf32, #tpu.memory_space<vmem_shared>>)
    %barrier3A_111 = arith.constant 0 : index
    tpu.barrier barrier_id(%barrier3A_111)
    %eq3A_112 = arith.constant 0 : i32
    %eq3A_113 = arith.cmpi eq, %arg1, %eq3A_112 : i32
    %convert_element_type3A_114 = arith.extui %eq3A_113 : i1 to i32
    %cond3A_115 = arith.constant 0 : i32
    %cond3A_116 = arith.cmpi ne, %convert_element_type3A_114, %cond3A_115 : i32
    scf.if %cond3A_116 {
      "tpu.region"() ({
        %run_scoped3A = tpu.sem_alloc : memref<!tpu.dma_semaphore, #tpu.memory_space<semaphore_mem>>
        %dma_start3A_117 = arith.constant 0 : i32
        %dma_start3A_118 = arith.constant 0 : i32
        %dma_start3A_119 = tpu.memref_slice %arg5[%arg0, %dma_start3A_117, %dma_start3A_118] : memref<2x10000x64xf32, #tpu.memory_space<hbm>> -> memref<1x10000x64xf32, #tpu.memory_space<hbm>>
        %dma_start3A_120 = tpu.memref_squeeze %dma_start3A_119 : memref<1x10000x64xf32, #tpu.memory_space<hbm>> -> memref<10000x64xf32, #tpu.memory_space<hbm>>
        tpu.enqueue_dma source(%arg9 : memref<10000x64xf32, #tpu.memory_space<vmem_shared>>) target(%dma_start3A_120 : memref<10000x64xf32, #tpu.memory_space<hbm>>) target_semaphore(%run_scoped3A : memref<!tpu.dma_semaphore, #tpu.memory_space<semaphore_mem>>)
        %dma_wait3A_121 = arith.constant 0 : i32
        %dma_wait3A_122 = arith.constant 0 : i32
        %dma_wait3A_123 = tpu.memref_slice %arg5[%arg0, %dma_wait3A_121, %dma_wait3A_122] : memref<2x10000x64xf32, #tpu.memory_space<hbm>> -> memref<1x10000x64xf32, #tpu.memory_space<hbm>>
        %dma_wait3A_124 = tpu.memref_squeeze %dma_wait3A_123 : memref<1x10000x64xf32, #tpu.memory_space<hbm>> -> memref<10000x64xf32, #tpu.memory_space<hbm>>
        tpu.wait_dma2 semaphore(%run_scoped3A : memref<!tpu.dma_semaphore, #tpu.memory_space<semaphore_mem>>) src(%arg9 : memref<10000x64xf32, #tpu.memory_space<vmem_shared>>) dst(%dma_wait3A_124 : memref<10000x64xf32, #tpu.memory_space<hbm>>)
        tpu.yield
      }) : () -> ()
    } else {
    }
    return
  }
}

module attributes {stable_mosaic.version = 14 : i64} {
  func.func @body(%arg0: i32, %arg1: memref<1000x128xf32, #tpu.memory_space<vmem>>, %arg2: memref<128x64xf32, #tpu.memory_space<vmem>>, %arg3: memref<1000x64xf32, #tpu.memory_space<vmem>>) attributes {dimension_semantics = [#tpu.dimension_semantics<arbitrary>], iteration_bounds = array<i64: 10>, scalar_prefetch = 0 : i64, scratch_operands = 0 : i64, tpu.core_type = #tpu.core_type<tc>, window_params = [{transform_indices = @transform_0, window_bounds = array<i64: 1000, 128>}, {pipeline_mode = #tpu.pipeline_mode<synchronous>, transform_indices = @transform_1, window_bounds = array<i64: 128, 64>}, {transform_indices = @transform_2, window_bounds = array<i64: 1000, 64>}]} {
    %get3A = arith.constant 0 : index
    %get3A_0 = arith.constant 0 : index
    %get3A_1 = vector.load %arg1[%get3A, %get3A_0] : memref<1000x128xf32, #tpu.memory_space<vmem>>, vector<1000x128xf32>
    %get3A_2 = arith.constant 0 : index
    %get3A_3 = arith.constant 0 : index
    %get3A_4 = vector.load %arg2[%get3A_2, %get3A_3] : memref<128x64xf32, #tpu.memory_space<vmem>>, vector<128x64xf32>
    %dot_general3A = arith.constant dense<0.000000e+00> : vector<1000x64xf32>
    %dot_general3A_5 = tpu.matmul %get3A_1, %get3A_4, %dot_general3A {dimension_numbers = #tpu.dot_dimension_numbers<[1], [0], [0], [1], [0, 0, 1, 1], [], []>, transpose_lhs_hint = false} : vector<1000x128xf32>, vector<128x64xf32>, vector<1000x64xf32> -> vector<1000x64xf32>
    %swap3A = arith.constant 0 : index
    %swap3A_6 = arith.constant 0 : index
    %swap3A_7 = vector.load %arg3[%swap3A, %swap3A_6] : memref<1000x64xf32, #tpu.memory_space<vmem>>, vector<1000x64xf32>
    tpu.vector_store %arg3[%swap3A, %swap3A_6], %dot_general3A_5 {strides = array<i32>} : memref<1000x64xf32, #tpu.memory_space<vmem>>, vector<1000x64xf32>,
    return
  }
  func.func @transform_0(%arg0: i32) -> (i32, i32) {
    %c0_i32 = arith.constant 0 : i32
    %c0_i32_0 = arith.constant 0 : i32
    return %arg0, %c0_i32 : i32, i32
  }
  func.func @transform_1(%arg0: i32) -> (i32, i32) {
    %c0_i32 = arith.constant 0 : i32
    %c0_i32_0 = arith.constant 0 : i32
    %c0_i32_1 = arith.constant 0 : i32
    return %c0_i32, %c0_i32_0 : i32, i32
  }
  func.func @transform_2(%arg0: i32) -> (i32, i32) {
    %c0_i32 = arith.constant 0 : i32
    %c0_i32_0 = arith.constant 0 : i32
    return %arg0, %c0_i32 : i32, i32
  }
}

module attributes {stable_mosaic.version = 14 : i64} {
  func.func @body(%arg0: i32, %arg1: memref<2x1000x16xf32, #tpu.memory_space<vmem>>, %arg2: memref<1000x64xf32, #tpu.memory_space<vmem>>, %arg3: memref<1000x64xf32, #tpu.memory_space<vmem>>, %arg4: memref<1000x16xf32, #tpu.memory_space<vmem>>) attributes {dimension_semantics = [#tpu.dimension_semantics<arbitrary>], iteration_bounds = array<i64: 10>, scalar_prefetch = 0 : i64, scratch_operands = 0 : i64, tpu.core_type = #tpu.core_type<tc>, window_params = [{transform_indices = @transform_0, window_bounds = array<i64: 2, 1000, 16>}, {transform_indices = @transform_1, window_bounds = array<i64: 1000, 64>}, {transform_indices = @transform_2, window_bounds = array<i64: 1000, 64>}, {transform_indices = @transform_3, window_bounds = array<i64: 1000, 16>}]} {
    %get3A = arith.constant 0 : index
    %get3A_0 = arith.constant 0 : index
    %get3A_1 = arith.constant 0 : index
    %get3A_2 = vector.load %arg1[%get3A, %get3A_0, %get3A_1] : memref<2x1000x16xf32, #tpu.memory_space<vmem>>, vector<1x1000x1xf32>
    %get3A_3 = vector.shape_cast %get3A_2 : vector<1x1000x1xf32> to vector<1000x1xf32>
    %get3A_4 = arith.constant 1 : index
    %get3A_5 = arith.constant 0 : index
    %get3A_6 = arith.constant 0 : index
    %get3A_7 = vector.load %arg1[%get3A_4, %get3A_5, %get3A_6] : memref<2x1000x16xf32, #tpu.memory_space<vmem>>, vector<1x1000x1xf32>
    %get3A_8 = vector.shape_cast %get3A_7 : vector<1x1000x1xf32> to vector<1000x1xf32>
    %add3A = arith.addf %get3A_3, %get3A_8 : vector<1000x1xf32>
    %add3A_9 = arith.constant 1.000000e+00 : f32
    %add3A_10 = vector.broadcast %add3A_9 : f32 to vector<1000x1xf32>
    %add3A_11 = arith.addf %add3A, %add3A_10 : vector<1000x1xf32>
    %rsqrt3A = math.rsqrt %add3A_11 : vector<1000x1xf32>
    %get3A_12 = arith.constant 0 : index
    %get3A_13 = arith.constant 0 : index
    %get3A_14 = vector.load %arg2[%get3A_12, %get3A_13] : memref<1000x64xf32, #tpu.memory_space<vmem>>, vector<1000x64xf32>
    %mul3A = vector.broadcast %rsqrt3A : vector<1000x1xf32> to vector<1000x64xf32>
    %mul3A_15 = arith.mulf %mul3A, %get3A_14 : vector<1000x64xf32>
    %swap3A = arith.constant 0 : index
    %swap3A_16 = arith.constant 0 : index
    %swap3A_17 = vector.load %arg3[%swap3A, %swap3A_16] : memref<1000x64xf32, #tpu.memory_space<vmem>>, vector<1000x64xf32>
    tpu.vector_store %arg3[%swap3A, %swap3A_16], %mul3A_15 {strides = array<i32>} : memref<1000x64xf32, #tpu.memory_space<vmem>>, vector<1000x64xf32>,
    %broadcast_in_dim3A = vector.shape_cast %rsqrt3A : vector<1000x1xf32> to vector<1000x1xf32>
    %broadcast_in_dim3A_18 = vector.broadcast %broadcast_in_dim3A : vector<1000x1xf32> to vector<1000x16xf32>
    %swap3A_19 = arith.constant 0 : index
    %swap3A_20 = arith.constant 0 : index
    %swap3A_21 = vector.load %arg4[%swap3A_19, %swap3A_20] : memref<1000x16xf32, #tpu.memory_space<vmem>>, vector<1000x16xf32>
    tpu.vector_store %arg4[%swap3A_19, %swap3A_20], %broadcast_in_dim3A_18 {strides = array<i32>} : memref<1000x16xf32, #tpu.memory_space<vmem>>, vector<1000x16xf32>,
    return
  }
  func.func @transform_0(%arg0: i32) -> (i32, i32, i32) {
    %c0_i32 = arith.constant 0 : i32
    %c0_i32_0 = arith.constant 0 : i32
    %c0_i32_1 = arith.constant 0 : i32
    return %c0_i32, %arg0, %c0_i32_0 : i32, i32, i32
  }
  func.func @transform_1(%arg0: i32) -> (i32, i32) {
    %c0_i32 = arith.constant 0 : i32
    %c0_i32_0 = arith.constant 0 : i32
    return %arg0, %c0_i32 : i32, i32
  }
  func.func @transform_2(%arg0: i32) -> (i32, i32) {
    %c0_i32 = arith.constant 0 : i32
    %c0_i32_0 = arith.constant 0 : i32
    return %arg0, %c0_i32 : i32, i32
  }
  func.func @transform_3(%arg0: i32) -> (i32, i32) {
    %c0_i32 = arith.constant 0 : i32
    %c0_i32_0 = arith.constant 0 : i32
    return %arg0, %c0_i32 : i32, i32
  }
}

module attributes {stable_mosaic.version = 14 : i64} {
  func.func @body(%arg0: i32, %arg1: memref<2x1000x64xf32, #tpu.memory_space<vmem>>, %arg2: memref<1000x64xf32, #tpu.memory_space<vmem>>, %arg3: memref<1000x16xf32, #tpu.memory_space<vmem>>, %arg4: memref<64x64xf32, #tpu.memory_space<vmem>>, %arg5: memref<1x64xf32, #tpu.memory_space<vmem>>, %arg6: memref<1000x64xf32, #tpu.memory_space<vmem>>) attributes {dimension_semantics = [#tpu.dimension_semantics<arbitrary>], iteration_bounds = array<i64: 10>, scalar_prefetch = 0 : i64, scratch_operands = 0 : i64, tpu.core_type = #tpu.core_type<tc>, window_params = [{transform_indices = @transform_0, window_bounds = array<i64: 2, 1000, 64>}, {transform_indices = @transform_1, window_bounds = array<i64: 1000, 64>}, {transform_indices = @transform_2, window_bounds = array<i64: 1000, 16>}, {pipeline_mode = #tpu.pipeline_mode<synchronous>, transform_indices = @transform_3, window_bounds = array<i64: 64, 64>}, {pipeline_mode = #tpu.pipeline_mode<synchronous>, transform_indices = @transform_4, window_bounds = array<i64: 1, 64>}, {transform_indices = @transform_5, window_bounds = array<i64: 1000, 64>}]} {
    %get3A = arith.constant 0 : index
    %get3A_0 = arith.constant 0 : index
    %get3A_1 = vector.load %arg3[%get3A, %get3A_0] : memref<1000x16xf32, #tpu.memory_space<vmem>>, vector<1000x1xf32>
    %get3A_2 = arith.constant 0 : index
    %get3A_3 = arith.constant 0 : index
    %get3A_4 = arith.constant 0 : index
    %get3A_5 = vector.load %arg1[%get3A_2, %get3A_3, %get3A_4] : memref<2x1000x64xf32, #tpu.memory_space<vmem>>, vector<1x1000x64xf32>
    %get3A_6 = vector.shape_cast %get3A_5 : vector<1x1000x64xf32> to vector<1000x64xf32>
    %get3A_7 = arith.constant 1 : index
    %get3A_8 = arith.constant 0 : index
    %get3A_9 = arith.constant 0 : index
    %get3A_10 = vector.load %arg1[%get3A_7, %get3A_8, %get3A_9] : memref<2x1000x64xf32, #tpu.memory_space<vmem>>, vector<1x1000x64xf32>
    %get3A_11 = vector.shape_cast %get3A_10 : vector<1x1000x64xf32> to vector<1000x64xf32>
    %add3A = arith.addf %get3A_6, %get3A_11 : vector<1000x64xf32>
    %get3A_12 = arith.constant 0 : index
    %get3A_13 = arith.constant 0 : index
    %get3A_14 = vector.load %arg2[%get3A_12, %get3A_13] : memref<1000x64xf32, #tpu.memory_space<vmem>>, vector<1000x64xf32>
    %sub3A = arith.subf %add3A, %get3A_14 : vector<1000x64xf32>
    %mul3A = vector.broadcast %get3A_1 : vector<1000x1xf32> to vector<1000x64xf32>
    %mul3A_15 = arith.mulf %mul3A, %sub3A : vector<1000x64xf32>
    %get3A_16 = arith.constant 0 : index
    %get3A_17 = arith.constant 0 : index
    %get3A_18 = vector.load %arg5[%get3A_16, %get3A_17] : memref<1x64xf32, #tpu.memory_space<vmem>>, vector<1x64xf32>
    %get3A_19 = vector.shape_cast %get3A_18 : vector<1x64xf32> to vector<64xf32>
    %broadcast_in_dim3A = vector.shape_cast %get3A_19 : vector<64xf32> to vector<1x64xf32>
    %add3A_20 = vector.broadcast %broadcast_in_dim3A : vector<1x64xf32> to vector<1000x64xf32>
    %add3A_21 = arith.addf %mul3A_15, %add3A_20 : vector<1000x64xf32>
    %get3A_22 = arith.constant 0 : index
    %get3A_23 = arith.constant 0 : index
    %get3A_24 = vector.load %arg4[%get3A_22, %get3A_23] : memref<64x64xf32, #tpu.memory_space<vmem>>, vector<64x64xf32>
    %dot_general3A = arith.constant dense<0.000000e+00> : vector<1000x64xf32>
    %dot_general3A_25 = tpu.matmul %add3A_21, %get3A_24, %dot_general3A {dimension_numbers = #tpu.dot_dimension_numbers<[1], [0], [0], [1], [0, 0, 1, 1], [], []>, transpose_lhs_hint = false} : vector<1000x64xf32>, vector<64x64xf32>, vector<1000x64xf32> -> vector<1000x64xf32>
    %mul3A_26 = vector.broadcast %get3A_1 : vector<1000x1xf32> to vector<1000x64xf32>
    %mul3A_27 = arith.mulf %mul3A_26, %dot_general3A_25 : vector<1000x64xf32>
    %swap3A = arith.constant 0 : index
    %swap3A_28 = arith.constant 0 : index
    %swap3A_29 = vector.load %arg6[%swap3A, %swap3A_28] : memref<1000x64xf32, #tpu.memory_space<vmem>>, vector<1000x64xf32>
    tpu.vector_store %arg6[%swap3A, %swap3A_28], %mul3A_27 {strides = array<i32>} : memref<1000x64xf32, #tpu.memory_space<vmem>>, vector<1000x64xf32>,
    return
  }
  func.func @transform_0(%arg0: i32) -> (i32, i32, i32) {
    %c0_i32 = arith.constant 0 : i32
    %c0_i32_0 = arith.constant 0 : i32
    %c0_i32_1 = arith.constant 0 : i32
    return %c0_i32, %arg0, %c0_i32_0 : i32, i32, i32
  }
  func.func @transform_1(%arg0: i32) -> (i32, i32) {
    %c0_i32 = arith.constant 0 : i32
    %c0_i32_0 = arith.constant 0 : i32
    return %arg0, %c0_i32 : i32, i32
  }
  func.func @transform_2(%arg0: i32) -> (i32, i32) {
    %c0_i32 = arith.constant 0 : i32
    %c0_i32_0 = arith.constant 0 : i32
    return %arg0, %c0_i32 : i32, i32
  }
  func.func @transform_3(%arg0: i32) -> (i32, i32) {
    %c0_i32 = arith.constant 0 : i32
    %c0_i32_0 = arith.constant 0 : i32
    %c0_i32_1 = arith.constant 0 : i32
    return %c0_i32, %c0_i32_0 : i32, i32
  }
  func.func @transform_4(%arg0: i32) -> (i32, i32) {
    %c0_i32 = arith.constant 0 : i32
    %c0_i32_0 = arith.constant 0 : i32
    %c0_i32_1 = arith.constant 0 : i32
    return %c0_i32, %c0_i32_0 : i32, i32
  }
  func.func @transform_5(%arg0: i32) -> (i32, i32) {
    %c0_i32 = arith.constant 0 : i32
    %c0_i32_0 = arith.constant 0 : i32
    return %arg0, %c0_i32 : i32, i32
  }
}

module attributes {stable_mosaic.version = 14 : i64} {
  func.func @body(%arg0: i32, %arg1: memref<2x1000x64xf32, #tpu.memory_space<vmem>>, %arg2: memref<1000x64xf32, #tpu.memory_space<vmem>>, %arg3: memref<1000x16xf32, #tpu.memory_space<vmem>>, %arg4: memref<1x64xf32, #tpu.memory_space<vmem>>, %arg5: memref<64x32xf32, #tpu.memory_space<vmem>>, %arg6: memref<1x32xf32, #tpu.memory_space<vmem>>, %arg7: memref<64x32xf32, #tpu.memory_space<vmem>>, %arg8: memref<1x32xf32, #tpu.memory_space<vmem>>, %arg9: memref<1000x32xf32, #tpu.memory_space<vmem>>, %arg10: memref<1000x32xf32, #tpu.memory_space<vmem>>) attributes {dimension_semantics = [#tpu.dimension_semantics<arbitrary>], iteration_bounds = array<i64: 10>, scalar_prefetch = 0 : i64, scratch_operands = 0 : i64, tpu.core_type = #tpu.core_type<tc>, window_params = [{transform_indices = @transform_0, window_bounds = array<i64: 2, 1000, 64>}, {transform_indices = @transform_1, window_bounds = array<i64: 1000, 64>}, {transform_indices = @transform_2, window_bounds = array<i64: 1000, 16>}, {pipeline_mode = #tpu.pipeline_mode<synchronous>, transform_indices = @transform_3, window_bounds = array<i64: 1, 64>}, {pipeline_mode = #tpu.pipeline_mode<synchronous>, transform_indices = @transform_4, window_bounds = array<i64: 64, 32>}, {pipeline_mode = #tpu.pipeline_mode<synchronous>, transform_indices = @transform_5, window_bounds = array<i64: 1, 32>}, {pipeline_mode = #tpu.pipeline_mode<synchronous>, transform_indices = @transform_6, window_bounds = array<i64: 64, 32>}, {pipeline_mode = #tpu.pipeline_mode<synchronous>, transform_indices = @transform_7, window_bounds = array<i64: 1, 32>}, {transform_indices = @transform_8, window_bounds = array<i64: 1000, 32>}, {transform_indices = @transform_9, window_bounds = array<i64: 1000, 32>}]} {
    %get3A = arith.constant 0 : index
    %get3A_0 = arith.constant 0 : index
    %get3A_1 = vector.load %arg3[%get3A, %get3A_0] : memref<1000x16xf32, #tpu.memory_space<vmem>>, vector<1000x1xf32>
    %get3A_2 = arith.constant 0 : index
    %get3A_3 = arith.constant 0 : index
    %get3A_4 = arith.constant 0 : index
    %get3A_5 = vector.load %arg1[%get3A_2, %get3A_3, %get3A_4] : memref<2x1000x64xf32, #tpu.memory_space<vmem>>, vector<1x1000x64xf32>
    %get3A_6 = vector.shape_cast %get3A_5 : vector<1x1000x64xf32> to vector<1000x64xf32>
    %get3A_7 = arith.constant 1 : index
    %get3A_8 = arith.constant 0 : index
    %get3A_9 = arith.constant 0 : index
    %get3A_10 = vector.load %arg1[%get3A_7, %get3A_8, %get3A_9] : memref<2x1000x64xf32, #tpu.memory_space<vmem>>, vector<1x1000x64xf32>
    %get3A_11 = vector.shape_cast %get3A_10 : vector<1x1000x64xf32> to vector<1000x64xf32>
    %add3A = arith.addf %get3A_6, %get3A_11 : vector<1000x64xf32>
    %get3A_12 = arith.constant 0 : index
    %get3A_13 = arith.constant 0 : index
    %get3A_14 = vector.load %arg2[%get3A_12, %get3A_13] : memref<1000x64xf32, #tpu.memory_space<vmem>>, vector<1000x64xf32>
    %sub3A = arith.subf %add3A, %get3A_14 : vector<1000x64xf32>
    %mul3A = vector.broadcast %get3A_1 : vector<1000x1xf32> to vector<1000x64xf32>
    %mul3A_15 = arith.mulf %mul3A, %sub3A : vector<1000x64xf32>
    %get3A_16 = arith.constant 0 : index
    %get3A_17 = arith.constant 0 : index
    %get3A_18 = vector.load %arg4[%get3A_16, %get3A_17] : memref<1x64xf32, #tpu.memory_space<vmem>>, vector<1x64xf32>
    %get3A_19 = vector.shape_cast %get3A_18 : vector<1x64xf32> to vector<64xf32>
    %broadcast_in_dim3A = vector.shape_cast %get3A_19 : vector<64xf32> to vector<1x64xf32>
    %add3A_20 = vector.broadcast %broadcast_in_dim3A : vector<1x64xf32> to vector<1000x64xf32>
    %add3A_21 = arith.addf %mul3A_15, %add3A_20 : vector<1000x64xf32>
    %get3A_22 = arith.constant 0 : index
    %get3A_23 = arith.constant 0 : index
    %get3A_24 = vector.load %arg5[%get3A_22, %get3A_23] : memref<64x32xf32, #tpu.memory_space<vmem>>, vector<64x32xf32>
    %dot_general3A = arith.constant dense<0.000000e+00> : vector<1000x32xf32>
    %dot_general3A_25 = tpu.matmul %add3A_21, %get3A_24, %dot_general3A {dimension_numbers = #tpu.dot_dimension_numbers<[1], [0], [0], [1], [0, 0, 1, 1], [], []>, transpose_lhs_hint = false} : vector<1000x64xf32>, vector<64x32xf32>, vector<1000x32xf32> -> vector<1000x32xf32>
    %get3A_26 = arith.constant 0 : index
    %get3A_27 = arith.constant 0 : index
    %get3A_28 = vector.load %arg6[%get3A_26, %get3A_27] : memref<1x32xf32, #tpu.memory_space<vmem>>, vector<1x32xf32>
    %get3A_29 = vector.shape_cast %get3A_28 : vector<1x32xf32> to vector<32xf32>
    %broadcast_in_dim3A_30 = vector.shape_cast %get3A_29 : vector<32xf32> to vector<1x32xf32>
    %add3A_31 = vector.broadcast %broadcast_in_dim3A_30 : vector<1x32xf32> to vector<1000x32xf32>
    %add3A_32 = arith.addf %dot_general3A_25, %add3A_31 : vector<1000x32xf32>
    %swap3A = arith.constant 0 : index
    %swap3A_33 = arith.constant 0 : index
    %swap3A_34 = vector.load %arg9[%swap3A, %swap3A_33] : memref<1000x32xf32, #tpu.memory_space<vmem>>, vector<1000x32xf32>
    tpu.vector_store %arg9[%swap3A, %swap3A_33], %add3A_32 {strides = array<i32>} : memref<1000x32xf32, #tpu.memory_space<vmem>>, vector<1000x32xf32>,
    %get3A_35 = arith.constant 0 : index
    %get3A_36 = arith.constant 0 : index
    %get3A_37 = vector.load %arg7[%get3A_35, %get3A_36] : memref<64x32xf32, #tpu.memory_space<vmem>>, vector<64x32xf32>
    %dot_general3A_38 = arith.constant dense<0.000000e+00> : vector<1000x32xf32>
    %dot_general3A_39 = tpu.matmul %add3A_21, %get3A_37, %dot_general3A_38 {dimension_numbers = #tpu.dot_dimension_numbers<[1], [0], [0], [1], [0, 0, 1, 1], [], []>, transpose_lhs_hint = false} : vector<1000x64xf32>, vector<64x32xf32>, vector<1000x32xf32> -> vector<1000x32xf32>
    %get3A_40 = arith.constant 0 : index
    %get3A_41 = arith.constant 0 : index
    %get3A_42 = vector.load %arg8[%get3A_40, %get3A_41] : memref<1x32xf32, #tpu.memory_space<vmem>>, vector<1x32xf32>
    %get3A_43 = vector.shape_cast %get3A_42 : vector<1x32xf32> to vector<32xf32>
    %broadcast_in_dim3A_44 = vector.shape_cast %get3A_43 : vector<32xf32> to vector<1x32xf32>
    %add3A_45 = vector.broadcast %broadcast_in_dim3A_44 : vector<1x32xf32> to vector<1000x32xf32>
    %add3A_46 = arith.addf %dot_general3A_39, %add3A_45 : vector<1000x32xf32>
    %swap3A_47 = arith.constant 0 : index
    %swap3A_48 = arith.constant 0 : index
    %swap3A_49 = vector.load %arg10[%swap3A_47, %swap3A_48] : memref<1000x32xf32, #tpu.memory_space<vmem>>, vector<1000x32xf32>
    tpu.vector_store %arg10[%swap3A_47, %swap3A_48], %add3A_46 {strides = array<i32>} : memref<1000x32xf32, #tpu.memory_space<vmem>>, vector<1000x32xf32>,
    return
  }
  func.func @transform_0(%arg0: i32) -> (i32, i32, i32) {
    %c0_i32 = arith.constant 0 : i32
    %c0_i32_0 = arith.constant 0 : i32
    %c0_i32_1 = arith.constant 0 : i32
    return %c0_i32, %arg0, %c0_i32_0 : i32, i32, i32
  }
  func.func @transform_1(%arg0: i32) -> (i32, i32) {
    %c0_i32 = arith.constant 0 : i32
    %c0_i32_0 = arith.constant 0 : i32
    return %arg0, %c0_i32 : i32, i32
  }
  func.func @transform_2(%arg0: i32) -> (i32, i32) {
    %c0_i32 = arith.constant 0 : i32
    %c0_i32_0 = arith.constant 0 : i32
    return %arg0, %c0_i32 : i32, i32
  }
  func.func @transform_3(%arg0: i32) -> (i32, i32) {
    %c0_i32 = arith.constant 0 : i32
    %c0_i32_0 = arith.constant 0 : i32
    %c0_i32_1 = arith.constant 0 : i32
    return %c0_i32, %c0_i32_0 : i32, i32
  }
  func.func @transform_4(%arg0: i32) -> (i32, i32) {
    %c0_i32 = arith.constant 0 : i32
    %c0_i32_0 = arith.constant 0 : i32
    %c0_i32_1 = arith.constant 0 : i32
    return %c0_i32, %c0_i32_0 : i32, i32
  }
  func.func @transform_5(%arg0: i32) -> (i32, i32) {
    %c0_i32 = arith.constant 0 : i32
    %c0_i32_0 = arith.constant 0 : i32
    %c0_i32_1 = arith.constant 0 : i32
    return %c0_i32, %c0_i32_0 : i32, i32
  }
  func.func @transform_6(%arg0: i32) -> (i32, i32) {
    %c0_i32 = arith.constant 0 : i32
    %c0_i32_0 = arith.constant 0 : i32
    %c0_i32_1 = arith.constant 0 : i32
    return %c0_i32, %c0_i32_0 : i32, i32
  }
  func.func @transform_7(%arg0: i32) -> (i32, i32) {
    %c0_i32 = arith.constant 0 : i32
    %c0_i32_0 = arith.constant 0 : i32
    %c0_i32_1 = arith.constant 0 : i32
    return %c0_i32, %c0_i32_0 : i32, i32
  }
  func.func @transform_8(%arg0: i32) -> (i32, i32) {
    %c0_i32 = arith.constant 0 : i32
    %c0_i32_0 = arith.constant 0 : i32
    return %arg0, %c0_i32 : i32, i32
  }
  func.func @transform_9(%arg0: i32) -> (i32, i32) {
    %c0_i32 = arith.constant 0 : i32
    %c0_i32_0 = arith.constant 0 : i32
    return %arg0, %c0_i32 : i32, i32
  }
}

</mosaic_0001>

<sc_bundles>
// kernel: kernel.12.cloned.1.call-start
scs
__scs_entry_jumppad:
0x0: {  	(pc) =	sbr.rel $0x88, $3  }
0x1: {  	(tag) =	ssettag $0x0;
	lr =	simm.s32 $0x1  }
0x2: {  	[smem:$0x3F97] =	sst lr;
	_ =	strace $0xD0000000  }
0x3: {  	_ = 	snop  }
0x4: {  	_ = 	snop  }
0x5: {  	_ = 	snop  }
0x6: {  	_ = 	snop  }
0x7: {  	_ = 	snop  }
__scs_overlays_trampoline_lowered:
0x8: {  	[smem:$0x3FA6] =	sst s0  }
0x9: {  	[smem:$0x3FA7] =	sst s1  }
0xa: {  	[smem:$0x3FA8] =	sst s2  }
0xb: {  	[smem:$0x3FA9] =	sst s3  }
0xc: {  	[smem:$0x3FAA] =	sst s4  }
0xd: {  	[smem:$0x3FAB] =	sst s5  }
0xe: {  	[smem:$0x3FAC] =	sst s6  }
0xf: {  	[smem:$0x3FAD] =	sst s7  }
0x10: {  	[smem:$0x3FAE] =	sst s8  }
0x11: {  	[smem:$0x3FAF] =	sst s9;
	s0 =	simm.s32 @!p0 $0x0  }
0x12: {  	s1 =	sld [smem:$0x3F95];
	s0 =	simm.s32 @p0 $0x1  }
0x13: {  	[smem:$0x3FB0] =	sst s0;
	s0 =	simm.s32 @!p1 $0x0  }
0x14: {  	s2 =	sld [smem:$0x3F94];
	s0 =	simm.s32 @p1 $0x1  }
0x15: {  	[smem:$0x3FB1] =	sst s0;
	s0 =	simm.s32 @!p2 $0x0  }
0x16: {  	s3 =	sld [smem:$0x3FDB];
	s0 =	simm.s32 @p2 $0x1  }
0x17: {  	s4 =	simm.s32 $0x1BF5;
	[smem:$0x3FB3] =	sst s0  }
0x18: {  	s0 =	sld [smem:$0x3F96];
	_ =	swait.ge [sflag:s4], $0x0  }
0x19: {  	s7 =	sld [smem:$0x3F97]  }
0x1a: {  	s8 =	sadd.s32 $0xFFFFE003, lr  }
0x1b: {  	s9 =	sadd.s32 $0xFFFFFEF7, lr;
	s5 =	simm.s32 $0xFFFFFFFF;
	p2 =	slt.u32 s8, $0xFFFFF086  }
0x1c: {  	p1 =	slt.u32 s9, $0xF7A;
	s5 =	simm.s32 @!p2 $0x0  }
0x1d: {  	s5 =	simm.s32 @p1 $0x1;
	p0 =	seq.s32 s7, s2  }
0x1e: {  	s7 =	smul.u32 @!p0 $0xF7A, s2;
	p2 =	seq.s32 @!p0 s5, $0x0  }
0x1f: {  	s9 =	smul.u32 $0xF7A, s1;
	s8 =	simm.s32 @!p0 $0x1BF5;
	p2 =	por !p2, p0  }
0x20: {  	[sflag:s8] =	ssyncset.s32 @!p0 $0xFFFFF086;
	s6 =	sadd.s32 @!p0 s3, s7;
	s7 =	simm.s32 @!p0 $0x108  }
0x21: {  	s3 =	sadd.s32 s3, s9;
	s6 =	sadd.s32 @!p0 $0x88, s6;
	s7 =	simm.s32 @p2 $0x1082  }
0x22: {  	[simem:s7], [sflag:s8] =	dma.local @!p0 [hbm:s6], $0xF7A  }
0x23: {  	s9 =	sor.u32 $0xD0000000, s2;
	s6 =	simm.s32 $0x108;
	_ =	swait.ge @!p0 [sflag:s8], $0x0  }
0x24: {  	s3 =	sadd.s32 $0x88, s3;
	s6 =	simm.s32 @!p1 $0x1082;
	[sflag:s4] =	ssyncset.s32 $0xFFFFF086  }
0x25: {  	[simem:s6], [sflag:s4] =	dma.local [hbm:s3], $0xF7A  }
0x26: {  	[smem:$0x3F97] =	sst s1;
	(tag) =	ssettag s2;
	_ =	strace s9  }
0x27: {  	s1 =	sld [smem:$0x3FA7]  }
0x28: {  	s2 =	sld [smem:$0x3FA8]  }
0x29: {  	s4 =	sld [smem:$0x3FAA]  }
0x2a: {  	p0 =	seq.s32 s5, $0x0;
	s5 =	sld [smem:$0x3FAB]  }
0x2b: {  	s6 =	sld [smem:$0x3FAC]  }
0x2c: {  	s7 =	sld [smem:$0x3FAD]  }
0x2d: {  	s3 =	simm.s32 $0x108;
	s8 =	sld [smem:$0x3FAE]  }
0x2e: {  	s3 =	simm.s32 @!p0 $0x1082;
	s9 =	sld [smem:$0x3FAF]  }
0x2f: {  	lr =	sadd.s32 s0, s3;
	s0 =	sld [smem:$0x3FA6]  }
0x30: {  	s3 =	sld [smem:$0x3FA9]  }
0x31: {  	[smem:$0x3FB2] =	sst s10  }
0x32: {  	s10 =	sld [smem:$0x3FB0];
	_ =	sdelay $0x3  }
0x33: {  	p0 =	seq.s32 s10, $0x1;
	s10 =	sld [smem:$0x3FB2];
	_ =	sdelay $0x3  }
0x34: {  	[smem:$0x3FB2] =	sst s10  }
0x35: {  	s10 =	sld [smem:$0x3FB1];
	_ =	sdelay $0x3  }
0x36: {  	p1 =	seq.s32 s10, $0x1;
	s10 =	sld [smem:$0x3FB2];
	_ =	sdelay $0x3  }
0x37: {  	[smem:$0x3FB2] =	sst s10  }
0x38: {  	s10 =	sld [smem:$0x3FB3]  }
0x39: {  	_ = 	snop;
	(pc) =	sbr.ind lr, $3  }
0x3a: {  	_ = 	snop  }
0x3b: {  	_ = 	snop  }
0x3c: {  	p2 =	seq.s32 s10, $0x1;
	s10 =	sld [smem:$0x3FB2]  }
0x3d: {  	_ =	shalt  }
0x3e: {  	_ =	shalt  }
0x3f: {  	_ =	shalt  }
0x40: {  	_ =	shalt  }
0x41: {  	_ =	shalt  }
0x42: {  	_ =	shalt  }
0x43: {  	_ =	shalt  }
0x44: {  	_ =	shalt  }
0x45: {  	_ =	shalt  }
0x46: {  	_ =	shalt  }
0x47: {  	_ =	shalt  }
0x48: {  	_ =	shalt  }
0x49: {  	_ =	shalt  }
0x4a: {  	_ =	shalt  }
0x4b: {  	_ =	shalt  }
0x4c: {  	_ =	shalt  }
0x4d: {  	_ =	shalt  }
0x4e: {  	_ =	shalt  }
0x4f: {  	_ =	shalt  }
0x50: {  	_ =	shalt  }
0x51: {  	_ =	shalt  }
0x52: {  	_ =	shalt  }
0x53: {  	_ =	shalt  }
0x54: {  	_ =	shalt  }
0x55: {  	_ =	shalt  }
0x56: {  	_ =	shalt  }
0x57: {  	_ =	shalt  }
0x58: {  	_ =	shalt  }
0x59: {  	_ =	shalt  }
0x5a: {  	_ =	shalt  }
0x5b: {  	_ =	shalt  }
0x5c: {  	_ =	shalt  }
0x5d: {  	_ =	shalt  }
0x5e: {  	_ =	shalt  }
0x5f: {  	_ =	shalt  }
0x60: {  	_ =	shalt  }
0x61: {  	_ =	shalt  }
0x62: {  	_ =	shalt  }
0x63: {  	_ =	shalt  }
0x64: {  	_ =	shalt  }
0x65: {  	_ =	shalt  }
0x66: {  	_ =	shalt  }
0x67: {  	_ =	shalt  }
0x68: {  	_ =	shalt  }
0x69: {  	_ =	shalt  }
0x6a: {  	_ =	shalt  }
0x6b: {  	_ =	shalt  }
0x6c: {  	_ =	shalt  }
0x6d: {  	_ =	shalt  }
0x6e: {  	_ =	shalt  }
0x6f: {  	_ =	shalt  }
0x70: {  	_ =	shalt  }
0x71: {  	_ =	shalt  }
0x72: {  	_ =	shalt  }
0x73: {  	_ =	shalt  }
0x74: {  	_ =	shalt  }
0x75: {  	_ =	shalt  }
0x76: {  	_ =	shalt  }
0x77: {  	_ =	shalt  }
0x78: {  	_ =	shalt  }
0x79: {  	_ =	shalt  }
0x7a: {  	_ =	shalt  }
0x7b: {  	_ =	shalt  }
0x7c: {  	_ =	shalt  }
0x7d: {  	_ =	shalt  }
0x7e: {  	_ =	shalt  }
0x7f: {  	_ =	shalt  }
0x80: {  	_ =	shalt  }
0x81: {  	_ =	shalt  }
0x82: {  	_ =	shalt  }
0x83: {  	_ =	shalt  }
0x84: {  	_ =	shalt  }
0x85: {  	_ =	shalt  }
0x86: {  	_ =	shalt  }
0x87: {  	_ =	shalt  }
.Lfunc_end0:
.L_simem_size_0:
called_computation.1_lowered:
.L_overlay_start_0:
0x88: {  	s2 =	sld [smem:$0x3FD9]  }
0x89: {  	s3 =	sld [smem:$0x3FFE];
	_ =	sdelay $0x1  }
0x8a: {  	s1 =	srdreg.scid  }
0x8b: {  	s0 =	sand.u32 $0x1, s1  }
0x8c: {  	s14 =	sshll.u32 s0, $0xA;
	s2 =	sadd.s32 s3, s2  }
0x8d: {  	s2 =	sadd.s32 s2, s14  }
0x8e: {  	[smem:$0x3FBE] =	sst s2  }
0x8f: {  	_ = 	snop  }
0x90: {  	s2 =	sld [smem:$0x3FD0];
	_ =	sdelay $0x2  }
0x91: {  	s15 =	simm.s32 $0xA;
	s4 =	simm.s32 $0x10  }
0x92: {  	[smem:s4], [sflag:s15] =	dma.local [hbm:s2], $0x1  }
0x93: {  	_ =	swait.eq [sflag:s15], $0x1  }
0x94: {  	[sflag:s15] =	ssyncset.done $0x0  }
0x95: {  	s16 =	sld [smem:$0x10];
	[sflag:s15] =	ssyncadd.s32 $0xFFFFFFFF  }
0x96: {  	s17 =	sld [smem:$0x11];
	(tm) =	ssettm $0x1  }
0x97: {  	s18 =	sld [smem:$0x3FFB];
	_ =	sdelay $0x3  }
0x98: {  	_ =	strace s18  }
0x99: {  	s4 =	sld [smem:$0x3FFC];
	_ =	sdelay $0x3  }
0x9a: {  	_ =	strace s4  }
0x9b: {  	s4 =	sld [smem:$0x3FFD];
	_ =	sdelay $0x3  }
0x9c: {  	_ =	strace s4  }
0x9d: {  	_ =	strace $0x8FFFFFFF  }
0x9e: {  	s19 =	sld [smem:$0x3FDB];
	_ =	sdelay $0x1  }
0x9f: {  	s5 =	simm.s32 $_scs_section_size  }
0xa0: {  	s6 =	simm.s32 $_size__tile_overlayer_lowered;
	s7 =	simm.s32 $_tile_overlayer_lowered  }
0xa1: {  	s22 =	simm.s32 $0x1BFF;
	s21 =	sshll.u32 s7, $0x1;
	s4 =	sadd.s32 s5, s19  }
0xa2: {  	s8 =	simm.s32 $0x0;
	s20 =	sshll.u32 s6, $0x1;
	s6 =	sadd.s32 s21, s4  }
0xa3: {  	[timem:s8], [sflag:s22] =	dma.local [hbm:s6], s20  }
0xa4: {  	_ =	swait.ge [sflag:s22], s20  }
0xa5: {  	s5 =	ssub.s32 $0x0, s20;
	[sflag:s22] =	ssyncset.done $0x0  }
0xa6: {  	[sflag:s22] =	ssyncadd.s32 s5;
	_ =	sdelay $0x1  }
0xa7: {  	s23 =	simm.s32 $0x1B8B  }
0xa8: {  	_ =	swait.ge [sflag:s23], $0x1  }
0xa9: {  	[sflag:s23] =	ssyncset.done $0x0  }
0xaa: {  	s25 =	simm.s32 $0x1B8E;
	s24 =	sld [smem:$0x3FFE];
	[sflag:s23] =	ssyncadd.s32 $0xFFFFFFFF  }
0xab: {  	s26 =	simm.s32 $execute0_lowered;
	[smem:$0x3FD2] =	sst s25  }
0xac: {  	s6 =	sshll.u32 s26, $0x1;
	_ =	strace $0x80000049;
	[dreg:$0x1] =	wrdreg $0xFFFFFFFF  }
0xad: {  	s28 =	simm.s32 $_size_execute0_lowered;
	s4 =	sadd.s32 s4, s6;
	[dreg:$0x0] =	wrdreg $0x0  }
0xae: {  	s6 =	sshll.u32 s28, $0x1;
	[dreg:$0x2] =	wrdreg s4  }
0xaf: {  	[dreg:$0x3] =	wrdreg s6  }
0xb0: {  	[dreg:$0x4] =	wrdreg $0xC0  }
0xb1: {  	_ =	task [dreg:s8], $0x5FFFF  }
0xb2: {  	[dreg:$0x1] =	wrdreg $0xFFFFFFFF  }
0xb3: {  	[dreg:$0x0] =	wrdreg $0x60  }
0xb4: {  	[dreg:$0x2] =	wrdreg s16  }
0xb5: {  	[dreg:$0x3] =	wrdreg s17  }
0xb6: {  	[dreg:$0x4] =	wrdreg s24  }
0xb7: {  	[dreg:$0x5] =	wrdreg $0x9E200  }
0xb8: {  	[dreg:$0x6] =	wrdreg $0x9  }
0xb9: {  	_ =	task.clear_ibuf [dreg:s8], $0x7FFFF;
	_ =	strace $0x90000049  }
0xba: {  	s29 =	simm.s32 $0x9;
	_ =	strace $0x8000004B  }
0xbb: {  	_ =	swait.ge [sflag:s29], $0x1  }
0xbc: {  	[sflag:s29] =	ssyncadd.s32 $0xFFFFFFFF  }
0xbd: {  	_ =	strace $0x9000004B  }
0xbe: {  	_ =	sfence  }
0xbf: {  	s30 =	sld [smem:$0x0];
	_ =	sdelay $0x2  }
0xc0: {  	s31 =	sshll.u32 s1, $0xD;
	s1 =	sshrl.u32 s1, $0x2  }
0xc1: {  	s3 =	sand.u32 $0x4000, s31;
	s1 =	sadd.s32 s1, s30  }
0xc2: {  	s0 =	sor.u32 s3, s0;
	s1 =	sshll.u32 s1, $0x11  }
0xc3: {  	s0 =	sor.u32 s1, s0  }
0xc4: {  	s0 =	sadd.s32 $0x8F2B, s0  }
0xc5: {  	[sflag:s0] =	ssyncadd.remote.s32 $0x1  }
0xc6: {  	_ =	sfence.sel $0xFFFF  }
0xc7: {  	[dreg:$0x0] =	wrdreg $0xFFFFFFFF;
	(pc) =	sbr.abs _section_cstart, $3  }
0xc8: {  	[dreg:$0x1] =	wrdreg $0xFFFFFFFF  }
0xc9: {  	_ =	task.clear_ibuf [dreg:s8], $0x2FFFF;
	_ =	strace $0x9FFFFFFF  }
0xca: {  	(tm) =	ssettm $0x7FFFFFFF  }
0xcb: {  	_ =	shalt  }
tec
execute0_lowered:
.L_overlay_start_1:
0x0: {  	(tag) =	ssettag $0x1  }
0x1: {  	s4 =	rddreg [dreg:$0x0]  }
0x2: {  	s5 =	rddreg [dreg:$0x1]  }
0x3: {  	s6 =	rddreg [dreg:$0x2]  }
0x4: {  	s1 =	rddreg [dreg:$0x3]  }
0x5: {  	s3 =	srdreg.scid;
	s2 =	simm.s32 $0x0;
	s7 =	stileid.u32  }
0x6: {  	s12 =	simm.s32 $0x4E20;
	s16 =	simm.s32 $0xF0;
	s17 =	simm.s32 $0x8A20  }
0x7: {  	s18 =	simm.s32 $0x1;
	s19 =	simm.s32 $0x5;
	s20 =	simm.s32 $0x6  }
0x8: {  	s21 =	simm.s32 $0x7;
	s22 =	simm.s32 $0x8;
	s23 =	simm.s32 $0x0  }
0x9: {  	s3 =	sand.u32 $0x1, s3;
	[smem:$0x7FF] =	sst s2;
	p0 =	sne.s32 s7, $0x0  }
0xa: {  	s8 =	sshll.u32 s3, $0x4;
	s9 =	smul.u32 $0x13880, s3;
	s10 =	ssub.s32 $0x2, s3  }
0xb: {  	_ =	strace $0x8000004A;
	s3 =	sadd.s32 $0x2000, s6;
	s30 =	sor.u32 s7, s8  }
0xc: {  	s31 =	sshrl.u32 s10, $0x1;
	s11 =	smul.u32 $0x4E2, s30;
	s6 =	sadd.s32 s9, s6  }
0xd: {  	s8 =	ssub.s32 s10, s31;
	s9 =	simm.s32 $0x9;
	s10 =	simm.s32 $0x2710  }
0xe: {  	s6 =	sadd.s32 $0x15A00, s6;
	s7 =	smax.u32 s8, $0x1;
	s8 =	sshrl.u32 @!p0 s1, $0x3  }
0xf: {  	s4 =	sadd.s32 s4, s11;
	s5 =	sadd.s32 s5, s11;
	s11 =	simm.s32 $0x50  }
.LBB2_1:
0x10: {  	s24 =	simm.s32 @!p0 $0x1C09  }
0x11: {  	[spmem:s8], [sflag:s24] =	dma.local @!p0 [hbm:s3], $0x13880  }
0x12: {  	s24 =	simm.s32 @!p0 $0x9  }
0x13: {  	_ =	swait.ge @!p0 [sflag:s24], $0x13880  }
0x14: {  	[sflag:s24] =	ssyncset.done @!p0 $0x0  }
0x15: {  	[sflag:s24] =	ssyncadd.s32 @!p0 $0xFFFEC780  }
0x16: {  	[tilespmem:s2], [sflag:$0x9] =	stream.linear.gather [hbm4b:s4+s2], $0x2710, $0x38;
	[tilespmem:$0x13A60] =	vst v63  }
0x17: {  	_ =	swait.ge [sflag:s9], $0x2710  }
0x18: {  	[sflag:s9] =	ssyncset.done $0x0  }
0x19: {  	[sflag:s9] =	ssyncadd.s32 $0xFFFFD8F0  }
0x1a: {  	[tilespmem:s10], [sflag:$0x9] =	stream.linear.gather [hbm4b:s5+s2], $0x2710, $0x38;
	[tilespmem:$0x13A60] =	vst v63  }
0x1b: {  	_ =	swait.ge [sflag:s9], $0x2710  }
0x1c: {  	[sflag:s9] =	ssyncset.done $0x0  }
0x1d: {  	[sflag:s9] =	ssyncadd.s32 $0xFFFFD8F0  }
0x1e: {  	[tilespmem:s12], [sflag:$0x1] =	stream.indirect.gather [hbm4b:s3+s11], $0x40, s2, s11, $0xb8;
	[tilespmem:$0x13A60] =	vst v63  }
0x1f: {  	s0 =	simm.s32 $0x6220  }
0x20: {  	[tilespmem:s0], [sflag:$0x2] =	stream.indirect.gather [hbm4b:s3+s11], $0x40, s11, s11, $0xb8;
	[tilespmem:$0x13A60] =	vst v63  }
0x21: {  	s14 =	simm.s32 $0xA0;
	s13 =	simm.s32 $0x7620;
	s25 =	simm.s32 $0x4  }
0x22: {  	[tilespmem:s13], [sflag:$0x3] =	stream.indirect.gather [hbm4b:s3+s11], $0x40, s14, s11, $0xb8;
	[tilespmem:$0x13A60] =	vst v63  }
0x23: {  	p1 =	por $0x0, $0x0;
	s26 =	simm.s32 $0x140;
	[bflag:$0x0] =	sbarrier.arrive $0xFFFF  }
0x24: {  	[tilespmem:s17], [sflag:$0x4] =	stream.indirect.gather [hbm4b:s3+s11], $0x40, s16, s11, $0xb8;
	[tilespmem:$0x13A60] =	vst v63  }
0x25: {  	s28 =	simm.s32 $0x1;
	s25 =	sand.u32 @!p1 $0x3, s25;
	_ =	swait.ge [sflag:s18], $0x1400  }
0x26: {  	s30 =	sand.u32 $0x3, s28;
	s29 =	smul.u32 @!p1 $0x5000, s25;
	[sflag:s18] =	ssyncset.done $0x0  }
0x27: {  	s28 =	sadd.s32 @!p1 $0x5, s25;
	s31 =	smul.u32 $0x5000, s30;
	[sflag:s18] =	ssyncadd.s32 $0xFFFFEC00  }
0x28: {  	[spmem:s1] =	stream.indirect.scatter.add.f32 [tilespmem:s12], [sflag:$0x5], $0x40, s10, s11, $0xb8;
	[tilespmem:$0x13A60] =	vst v63  }
0x29: {  	s25 =	sadd.s32 @!p1 $0x1, s25;
	s15 =	sadd.s32 $0x1, s30;
	_ =	swait.ge @!p1 [sflag:s28], $0x1400  }
0x2a: {  	s30 =	sadd.s32 $0x5, s30;
	s29 =	sshrl.u32 @!p1 s29, $0x2;
	[sflag:s28] =	ssyncset.done @!p1 $0x0  }
0x2b: {  	s13 =	simm.s32 @!p1 $0x50;
	[sflag:s28] =	ssyncadd.s32 @!p1 $0xFFFFEC00;
	s28 =	sadd.s32 @!p1 $0x4E20, s29  }
0x2c: {  	[tilespmem:s28], [sflag:s25] =	stream.indirect.gather @!p1 [hbm4b:s3+s13], $0x40, s26, s13, $0xb8;
	[tilespmem:$0x13A60] =	vst v63  }
0x2d: {  	s24 =	simm.s32 $0x2760;
	s31 =	sshrl.u32 s31, $0x2;
	_ =	swait.ge [sflag:s15], $0x1400  }
0x2e: {  	s29 =	sadd.s32 $0x4E20, s31;
	s25 =	simm.s32 $0x5;
	[sflag:s15] =	ssyncset.done $0x0  }
0x2f: {  	s26 =	simm.s32 $0x27B0;
	s28 =	simm.s32 $0x190;
	[sflag:s15] =	ssyncadd.s32 $0xFFFFEC00  }
.LBB2_2:
0x30: {  	[spmem:s1] =	stream.indirect.scatter.add.f32 [tilespmem:s29], [sflag:s30], $0x40, s24, s11, $0xb8;
	[tilespmem:$0x13A60] =	vst v63  }
0x31: {  	s0 =	sadd.s32 $0xFFFFFFFD, s25;
	s13 =	smov.u32 s25;
	s25 =	sadd.s32 $0x1, s25  }
0x32: {  	p2 =	sgt.u32 s0, $0x79;
	s0 =	sand.u32 $0x3, s0;
	p1 =	sne.s32 s25, $0x80  }
0x33: {  	s24 =	smov.u32 s26;
	s13 =	sand.u32 @!p2 $0x3, s13;
	s29 =	smul.u32 $0x5000, s0  }
0x34: {  	s30 =	sadd.s32 @!p2 $0x5, s13;
	s31 =	smul.u32 @!p2 $0x5000, s13;
	s13 =	sadd.s32 @!p2 $0x1, s13  }
0x35: {  	s14 =	sadd.s32 $0x1, s0;
	s29 =	sshrl.u32 s29, $0x2;
	_ =	swait.ge @!p2 [sflag:s30], $0x1400  }
0x36: {  	s15 =	simm.s32 @!p2 $0x50;
	s31 =	sshrl.u32 @!p2 s31, $0x2;
	[sflag:s30] =	ssyncset.done @!p2 $0x0  }
.Ltmp0:
0x37: {  	[sflag:s30] =	ssyncadd.s32 @!p2 $0xFFFFEC00;
	s30 =	sadd.s32 @!p2 $0x4E20, s31;
	(pc) =	sbr.rel @p1 .LBB2_2-.Ltmp0, $4  }
0x38: {  	[tilespmem:s30], [sflag:s13] =	stream.indirect.gather @!p2 [hbm4b:s3+s15], $0x40, s28, s15, $0xb8;
	[tilespmem:$0x13A60] =	vst v63  }
0x39: {  	_ =	swait.ge [sflag:s14], $0x1400  }
0x3a: {  	s26 =	sadd.s32 $0x50, s26;
	s28 =	sadd.s32 $0x50, s28;
	[sflag:s14] =	ssyncset.done $0x0  }
0x3b: {  	s29 =	sadd.s32 $0x4E20, s29;
	s30 =	sadd.s32 $0x5, s0;
	[sflag:s14] =	ssyncadd.s32 $0xFFFFEC00  }
0x3c: {  	[spmem:s1] =	stream.indirect.scatter.add.f32 [tilespmem:s29], [sflag:s30], $0x40, s24, s11, $0xb8;
	[tilespmem:$0x13A60] =	vst v63  }
0x3d: {  	_ =	swait.ge [sflag:s19], $0x1400  }
0x3e: {  	[sflag:s19] =	ssyncset.done $0x0  }
0x3f: {  	[sflag:s19] =	ssyncadd.s32 $0xFFFFEC00  }
0x40: {  	_ =	swait.ge [sflag:s20], $0x1400  }
0x41: {  	[sflag:s20] =	ssyncset.done $0x0  }
0x42: {  	[sflag:s20] =	ssyncadd.s32 $0xFFFFEC00  }
0x43: {  	_ =	swait.ge [sflag:s21], $0x1400  }
0x44: {  	[sflag:s21] =	ssyncset.done $0x0  }
0x45: {  	[sflag:s21] =	ssyncadd.s32 $0xFFFFEC00  }
0x46: {  	_ =	swait.ge [sflag:s22], $0x1400  }
0x47: {  	[sflag:s22] =	ssyncset.done $0x0  }
0x48: {  	s23 =	sadd.s32 $0x1, s23;
	[sflag:s22] =	ssyncadd.s32 $0xFFFFEC00  }
0x49: {  	s0 =	simm.s32 @!p0 $0x1C09;
	p1 =	sne.s32 s23, s7;
	[bflag:$0x0] =	sbarrier.arrive $0xFFFF  }
0x4a: {  	[hbm:s6], [sflag:s0] =	dma.local @!p0 [spmem:s8], $0x13880  }
.Ltmp1:
0x4b: {  	_ = 	snop;
	(pc) =	sbr.rel @p1 .LBB2_1-.Ltmp1, $4  }
0x4c: {  	s0 =	simm.s32 @!p0 $0x9  }
0x4d: {  	_ =	swait.ge @!p0 [sflag:s0], $0x13880  }
0x4e: {  	[sflag:s0] =	ssyncset.done @!p0 $0x0  }
0x4f: {  	[sflag:s0] =	ssyncadd.s32 @!p0 $0xFFFEC780  }
0x50: {  	_ =	sfence.sel $0x180000  }
0x51: {  	[bflag:$0x0] =	sbarrier.arrive $0xFFFF  }
0x52: {  	_ =	strace $0x9000004A  }
0x53: {  	[bflag:$0x2] =	sbarrier.arrive $0xFFFF  }
0x54: {  	s0 =	rddreg [dreg:$0x4]  }
0x55: {  	s0 =	sadd.s32 @!p0 $0x100000, s0  }
0x56: {  	[sflag:s0] =	ssyncadd.tile.s32 @!p0 $0x1;
	_ =	shalt  }
.Lfunc_end2:
_tile_overlayer_lowered:
.L_overlay_start_2:
0x57: {  	(tag) =	ssettag $0x2  }
0x58: {  	s0 =	rddreg [dreg:$0x0];
	s2 =	stileid.u32  }
0x59: {  	s1 =	rddreg [dreg:$0x1];
	p0 =	sne.s32 s2, $0x0  }
0x5a: {  	s3 =	rddreg [dreg:$0x2];
	[bflag:$0x3] =	sbarrier.arrive $0xFFFF;
	s2 =	simm.s32 @!p0 $0x1C09  }
0x5b: {  	[timem:s3], [sflag:s2] =	dma.local @!p0 [hbm:s0], s1  }
0x5c: {  	s0 =	simm.s32 @!p0 $0x9  }
0x5d: {  	_ =	swait.ge @!p0 [sflag:s0], s1  }
0x5e: {  	s1 =	ssub.s32 @!p0 $0x0, s1;
	[sflag:s0] =	ssyncset.done @!p0 $0x0  }
0x5f: {  	[sflag:s0] =	ssyncadd.s32 @!p0 s1  }
0x60: {  	[bflag:$0x3] =	sbarrier.arrive $0xFFFF  }
0x61: {  	_ =	shalt  }

// kernel: kernel.15.cloned.1.call-start
scs
__scs_entry_jumppad:
0x0: {  	(pc) =	sbr.rel $0x88, $3  }
0x1: {  	(tag) =	ssettag $0x0;
	lr =	simm.s32 $0x1  }
0x2: {  	[smem:$0x3F97] =	sst lr;
	_ =	strace $0xD0000000  }
0x3: {  	_ = 	snop  }
0x4: {  	_ = 	snop  }
0x5: {  	_ = 	snop  }
0x6: {  	_ = 	snop  }
0x7: {  	_ = 	snop  }
__scs_overlays_trampoline_lowered:
0x8: {  	[smem:$0x3FA6] =	sst s0  }
0x9: {  	[smem:$0x3FA7] =	sst s1  }
0xa: {  	[smem:$0x3FA8] =	sst s2  }
0xb: {  	[smem:$0x3FA9] =	sst s3  }
0xc: {  	[smem:$0x3FAA] =	sst s4  }
0xd: {  	[smem:$0x3FAB] =	sst s5  }
0xe: {  	[smem:$0x3FAC] =	sst s6  }
0xf: {  	[smem:$0x3FAD] =	sst s7  }
0x10: {  	[smem:$0x3FAE] =	sst s8  }
0x11: {  	[smem:$0x3FAF] =	sst s9;
	s0 =	simm.s32 @!p0 $0x0  }
0x12: {  	s1 =	sld [smem:$0x3F95];
	s0 =	simm.s32 @p0 $0x1  }
0x13: {  	[smem:$0x3FB0] =	sst s0;
	s0 =	simm.s32 @!p1 $0x0  }
0x14: {  	s2 =	sld [smem:$0x3F94];
	s0 =	simm.s32 @p1 $0x1  }
0x15: {  	[smem:$0x3FB1] =	sst s0;
	s0 =	simm.s32 @!p2 $0x0  }
0x16: {  	s3 =	sld [smem:$0x3FDB];
	s0 =	simm.s32 @p2 $0x1  }
0x17: {  	s4 =	simm.s32 $0x1BF5;
	[smem:$0x3FB3] =	sst s0  }
0x18: {  	s0 =	sld [smem:$0x3F96];
	_ =	swait.ge [sflag:s4], $0x0  }
0x19: {  	s7 =	sld [smem:$0x3F97]  }
0x1a: {  	s8 =	sadd.s32 $0xFFFFE003, lr  }
0x1b: {  	s9 =	sadd.s32 $0xFFFFFEF7, lr;
	s5 =	simm.s32 $0xFFFFFFFF;
	p2 =	slt.u32 s8, $0xFFFFF086  }
0x1c: {  	p1 =	slt.u32 s9, $0xF7A;
	s5 =	simm.s32 @!p2 $0x0  }
0x1d: {  	s5 =	simm.s32 @p1 $0x1;
	p0 =	seq.s32 s7, s2  }
0x1e: {  	s7 =	smul.u32 @!p0 $0xF7A, s2;
	p2 =	seq.s32 @!p0 s5, $0x0  }
0x1f: {  	s9 =	smul.u32 $0xF7A, s1;
	s8 =	simm.s32 @!p0 $0x1BF5;
	p2 =	por !p2, p0  }
0x20: {  	[sflag:s8] =	ssyncset.s32 @!p0 $0xFFFFF086;
	s6 =	sadd.s32 @!p0 s3, s7;
	s7 =	simm.s32 @!p0 $0x108  }
0x21: {  	s3 =	sadd.s32 s3, s9;
	s6 =	sadd.s32 @!p0 $0x88, s6;
	s7 =	simm.s32 @p2 $0x1082  }
0x22: {  	[simem:s7], [sflag:s8] =	dma.local @!p0 [hbm:s6], $0xF7A  }
0x23: {  	s9 =	sor.u32 $0xD0000000, s2;
	s6 =	simm.s32 $0x108;
	_ =	swait.ge @!p0 [sflag:s8], $0x0  }
0x24: {  	s3 =	sadd.s32 $0x88, s3;
	s6 =	simm.s32 @!p1 $0x1082;
	[sflag:s4] =	ssyncset.s32 $0xFFFFF086  }
0x25: {  	[simem:s6], [sflag:s4] =	dma.local [hbm:s3], $0xF7A  }
0x26: {  	[smem:$0x3F97] =	sst s1;
	(tag) =	ssettag s2;
	_ =	strace s9  }
0x27: {  	s1 =	sld [smem:$0x3FA7]  }
0x28: {  	s2 =	sld [smem:$0x3FA8]  }
0x29: {  	s4 =	sld [smem:$0x3FAA]  }
0x2a: {  	p0 =	seq.s32 s5, $0x0;
	s5 =	sld [smem:$0x3FAB]  }
0x2b: {  	s6 =	sld [smem:$0x3FAC]  }
0x2c: {  	s7 =	sld [smem:$0x3FAD]  }
0x2d: {  	s3 =	simm.s32 $0x108;
	s8 =	sld [smem:$0x3FAE]  }
0x2e: {  	s3 =	simm.s32 @!p0 $0x1082;
	s9 =	sld [smem:$0x3FAF]  }
0x2f: {  	lr =	sadd.s32 s0, s3;
	s0 =	sld [smem:$0x3FA6]  }
0x30: {  	s3 =	sld [smem:$0x3FA9]  }
0x31: {  	[smem:$0x3FB2] =	sst s10  }
0x32: {  	s10 =	sld [smem:$0x3FB0];
	_ =	sdelay $0x3  }
0x33: {  	p0 =	seq.s32 s10, $0x1;
	s10 =	sld [smem:$0x3FB2];
	_ =	sdelay $0x3  }
0x34: {  	[smem:$0x3FB2] =	sst s10  }
0x35: {  	s10 =	sld [smem:$0x3FB1];
	_ =	sdelay $0x3  }
0x36: {  	p1 =	seq.s32 s10, $0x1;
	s10 =	sld [smem:$0x3FB2];
	_ =	sdelay $0x3  }
0x37: {  	[smem:$0x3FB2] =	sst s10  }
0x38: {  	s10 =	sld [smem:$0x3FB3]  }
0x39: {  	_ = 	snop;
	(pc) =	sbr.ind lr, $3  }
0x3a: {  	_ = 	snop  }
0x3b: {  	_ = 	snop  }
0x3c: {  	p2 =	seq.s32 s10, $0x1;
	s10 =	sld [smem:$0x3FB2]  }
0x3d: {  	_ =	shalt  }
0x3e: {  	_ =	shalt  }
0x3f: {  	_ =	shalt  }
0x40: {  	_ =	shalt  }
0x41: {  	_ =	shalt  }
0x42: {  	_ =	shalt  }
0x43: {  	_ =	shalt  }
0x44: {  	_ =	shalt  }
0x45: {  	_ =	shalt  }
0x46: {  	_ =	shalt  }
0x47: {  	_ =	shalt  }
0x48: {  	_ =	shalt  }
0x49: {  	_ =	shalt  }
0x4a: {  	_ =	shalt  }
0x4b: {  	_ =	shalt  }
0x4c: {  	_ =	shalt  }
0x4d: {  	_ =	shalt  }
0x4e: {  	_ =	shalt  }
0x4f: {  	_ =	shalt  }
0x50: {  	_ =	shalt  }
0x51: {  	_ =	shalt  }
0x52: {  	_ =	shalt  }
0x53: {  	_ =	shalt  }
0x54: {  	_ =	shalt  }
0x55: {  	_ =	shalt  }
0x56: {  	_ =	shalt  }
0x57: {  	_ =	shalt  }
0x58: {  	_ =	shalt  }
0x59: {  	_ =	shalt  }
0x5a: {  	_ =	shalt  }
0x5b: {  	_ =	shalt  }
0x5c: {  	_ =	shalt  }
0x5d: {  	_ =	shalt  }
0x5e: {  	_ =	shalt  }
0x5f: {  	_ =	shalt  }
0x60: {  	_ =	shalt  }
0x61: {  	_ =	shalt  }
0x62: {  	_ =	shalt  }
0x63: {  	_ =	shalt  }
0x64: {  	_ =	shalt  }
0x65: {  	_ =	shalt  }
0x66: {  	_ =	shalt  }
0x67: {  	_ =	shalt  }
0x68: {  	_ =	shalt  }
0x69: {  	_ =	shalt  }
0x6a: {  	_ =	shalt  }
0x6b: {  	_ =	shalt  }
0x6c: {  	_ =	shalt  }
0x6d: {  	_ =	shalt  }
0x6e: {  	_ =	shalt  }
0x6f: {  	_ =	shalt  }
0x70: {  	_ =	shalt  }
0x71: {  	_ =	shalt  }
0x72: {  	_ =	shalt  }
0x73: {  	_ =	shalt  }
0x74: {  	_ =	shalt  }
0x75: {  	_ =	shalt  }
0x76: {  	_ =	shalt  }
0x77: {  	_ =	shalt  }
0x78: {  	_ =	shalt  }
0x79: {  	_ =	shalt  }
0x7a: {  	_ =	shalt  }
0x7b: {  	_ =	shalt  }
0x7c: {  	_ =	shalt  }
0x7d: {  	_ =	shalt  }
0x7e: {  	_ =	shalt  }
0x7f: {  	_ =	shalt  }
0x80: {  	_ =	shalt  }
0x81: {  	_ =	shalt  }
0x82: {  	_ =	shalt  }
0x83: {  	_ =	shalt  }
0x84: {  	_ =	shalt  }
0x85: {  	_ =	shalt  }
0x86: {  	_ =	shalt  }
0x87: {  	_ =	shalt  }
.Lfunc_end0:
.L_simem_size_0:
called_computation.2_lowered:
.L_overlay_start_0:
0x88: {  	s2 =	sld [smem:$0x3FD9]  }
0x89: {  	s3 =	sld [smem:$0x3FFE];
	_ =	sdelay $0x1  }
0x8a: {  	s1 =	srdreg.scid  }
0x8b: {  	s0 =	sand.u32 $0x1, s1  }
0x8c: {  	s14 =	sshll.u32 s0, $0xA;
	s2 =	sadd.s32 s3, s2  }
0x8d: {  	s2 =	sadd.s32 s2, s14  }
0x8e: {  	[smem:$0x3FBE] =	sst s2  }
0x8f: {  	_ = 	snop  }
0x90: {  	s2 =	sld [smem:$0x3FD0];
	_ =	sdelay $0x2  }
0x91: {  	s15 =	simm.s32 $0xA;
	s4 =	simm.s32 $0x10  }
0x92: {  	[smem:s4], [sflag:s15] =	dma.local [hbm:s2], $0x1  }
0x93: {  	_ =	swait.eq [sflag:s15], $0x1  }
0x94: {  	[sflag:s15] =	ssyncset.done $0x0  }
0x95: {  	s16 =	sld [smem:$0x10];
	[sflag:s15] =	ssyncadd.s32 $0xFFFFFFFF  }
0x96: {  	s17 =	sld [smem:$0x11];
	(tm) =	ssettm $0x1  }
0x97: {  	s18 =	sld [smem:$0x3FFB];
	_ =	sdelay $0x3  }
0x98: {  	_ =	strace s18  }
0x99: {  	s4 =	sld [smem:$0x3FFC];
	_ =	sdelay $0x3  }
0x9a: {  	_ =	strace s4  }
0x9b: {  	s4 =	sld [smem:$0x3FFD];
	_ =	sdelay $0x3  }
0x9c: {  	_ =	strace s4  }
0x9d: {  	_ =	strace $0x8FFFFFFF  }
0x9e: {  	s19 =	sld [smem:$0x3FDB];
	_ =	sdelay $0x1  }
0x9f: {  	s5 =	simm.s32 $_scs_section_size  }
0xa0: {  	s6 =	simm.s32 $_size__tile_overlayer_lowered;
	s7 =	simm.s32 $_tile_overlayer_lowered  }
0xa1: {  	s22 =	simm.s32 $0x1BFF;
	s21 =	sshll.u32 s7, $0x1;
	s4 =	sadd.s32 s5, s19  }
0xa2: {  	s8 =	simm.s32 $0x0;
	s20 =	sshll.u32 s6, $0x1;
	s6 =	sadd.s32 s21, s4  }
0xa3: {  	[timem:s8], [sflag:s22] =	dma.local [hbm:s6], s20  }
0xa4: {  	_ =	swait.ge [sflag:s22], s20  }
0xa5: {  	s5 =	ssub.s32 $0x0, s20;
	[sflag:s22] =	ssyncset.done $0x0  }
0xa6: {  	[sflag:s22] =	ssyncadd.s32 s5;
	_ =	sdelay $0x1  }
0xa7: {  	s23 =	simm.s32 $0x1B8B  }
0xa8: {  	_ =	swait.ge [sflag:s23], $0x1  }
0xa9: {  	[sflag:s23] =	ssyncset.done $0x0  }
0xaa: {  	s25 =	simm.s32 $0x1B8E;
	s24 =	sld [smem:$0x3FFE];
	[sflag:s23] =	ssyncadd.s32 $0xFFFFFFFF  }
0xab: {  	s26 =	simm.s32 $execute0_lowered;
	[smem:$0x3FD2] =	sst s25  }
0xac: {  	s6 =	sshll.u32 s26, $0x1;
	_ =	strace $0x8000004C;
	[dreg:$0x1] =	wrdreg $0xFFFFFFFF  }
0xad: {  	s28 =	simm.s32 $_size_execute0_lowered;
	s4 =	sadd.s32 s4, s6;
	[dreg:$0x0] =	wrdreg $0x0  }
0xae: {  	s6 =	sshll.u32 s28, $0x1;
	[dreg:$0x2] =	wrdreg s4  }
0xaf: {  	[dreg:$0x3] =	wrdreg s6  }
0xb0: {  	[dreg:$0x4] =	wrdreg $0xC0  }
0xb1: {  	_ =	task [dreg:s8], $0x5FFFF  }
0xb2: {  	[dreg:$0x1] =	wrdreg $0xFFFFFFFF  }
0xb3: {  	[dreg:$0x0] =	wrdreg $0x60  }
0xb4: {  	[dreg:$0x2] =	wrdreg s16  }
0xb5: {  	[dreg:$0x3] =	wrdreg s17  }
0xb6: {  	[dreg:$0x4] =	wrdreg s24  }
0xb7: {  	[dreg:$0x5] =	wrdreg $0x9E200  }
0xb8: {  	[dreg:$0x6] =	wrdreg $0x9  }
0xb9: {  	_ =	task.clear_ibuf [dreg:s8], $0x7FFFF;
	_ =	strace $0x9000004C  }
0xba: {  	s29 =	simm.s32 $0x9;
	_ =	strace $0x8000004E  }
0xbb: {  	_ =	swait.ge [sflag:s29], $0x1  }
0xbc: {  	[sflag:s29] =	ssyncadd.s32 $0xFFFFFFFF  }
0xbd: {  	_ =	strace $0x9000004E  }
0xbe: {  	_ =	sfence  }
0xbf: {  	s30 =	sld [smem:$0x0];
	_ =	sdelay $0x2  }
0xc0: {  	s31 =	sshll.u32 s1, $0xD;
	s1 =	sshrl.u32 s1, $0x2  }
0xc1: {  	s3 =	sand.u32 $0x4000, s31;
	s1 =	sadd.s32 s1, s30  }
0xc2: {  	s0 =	sor.u32 s3, s0;
	s1 =	sshll.u32 s1, $0x11  }
0xc3: {  	s0 =	sor.u32 s1, s0  }
0xc4: {  	s0 =	sadd.s32 $0x8F2B, s0  }
0xc5: {  	[sflag:s0] =	ssyncadd.remote.s32 $0x1  }
0xc6: {  	_ =	sfence.sel $0xFFFF  }
0xc7: {  	[dreg:$0x0] =	wrdreg $0xFFFFFFFF;
	(pc) =	sbr.abs _section_cstart, $3  }
0xc8: {  	[dreg:$0x1] =	wrdreg $0xFFFFFFFF  }
0xc9: {  	_ =	task.clear_ibuf [dreg:s8], $0x2FFFF;
	_ =	strace $0x9FFFFFFF  }
0xca: {  	(tm) =	ssettm $0x7FFFFFFF  }
0xcb: {  	_ =	shalt  }
tec
execute0_lowered:
.L_overlay_start_1:
0x0: {  	(tag) =	ssettag $0x1  }
0x1: {  	s4 =	rddreg [dreg:$0x0]  }
0x2: {  	s5 =	rddreg [dreg:$0x1]  }
0x3: {  	s6 =	rddreg [dreg:$0x2]  }
0x4: {  	s1 =	rddreg [dreg:$0x3]  }
0x5: {  	s3 =	srdreg.scid;
	s2 =	simm.s32 $0x0;
	s7 =	stileid.u32  }
0x6: {  	s12 =	simm.s32 $0x4E20;
	s16 =	simm.s32 $0xF0;
	s17 =	simm.s32 $0x8A20  }
0x7: {  	s18 =	simm.s32 $0x1;
	s19 =	simm.s32 $0x5;
	s20 =	simm.s32 $0x6  }
0x8: {  	s21 =	simm.s32 $0x7;
	s22 =	simm.s32 $0x8;
	s23 =	simm.s32 $0x0  }
0x9: {  	s3 =	sand.u32 $0x1, s3;
	[smem:$0x7FF] =	sst s2;
	p0 =	sne.s32 s7, $0x0  }
0xa: {  	s8 =	sshll.u32 s3, $0x4;
	s9 =	smul.u32 $0x13880, s3;
	s10 =	ssub.s32 $0x2, s3  }
0xb: {  	_ =	strace $0x8000004D;
	s3 =	sadd.s32 $0x2000, s6;
	s30 =	sor.u32 s7, s8  }
0xc: {  	s31 =	sshrl.u32 s10, $0x1;
	s11 =	smul.u32 $0x4E2, s30;
	s6 =	sadd.s32 s9, s6  }
0xd: {  	s8 =	ssub.s32 s10, s31;
	s9 =	simm.s32 $0x9;
	s10 =	simm.s32 $0x2710  }
0xe: {  	s6 =	sadd.s32 $0x15A00, s6;
	s7 =	smax.u32 s8, $0x1;
	s8 =	sshrl.u32 @!p0 s1, $0x3  }
0xf: {  	s4 =	sadd.s32 s4, s11;
	s5 =	sadd.s32 s5, s11;
	s11 =	simm.s32 $0x50  }
.LBB2_1:
0x10: {  	s24 =	simm.s32 @!p0 $0x1C09  }
0x11: {  	[spmem:s8], [sflag:s24] =	dma.local @!p0 [hbm:s3], $0x13880  }
0x12: {  	s24 =	simm.s32 @!p0 $0x9  }
0x13: {  	_ =	swait.ge @!p0 [sflag:s24], $0x13880  }
0x14: {  	[sflag:s24] =	ssyncset.done @!p0 $0x0  }
0x15: {  	[sflag:s24] =	ssyncadd.s32 @!p0 $0xFFFEC780  }
0x16: {  	[tilespmem:s2], [sflag:$0x9] =	stream.linear.gather [hbm4b:s4+s2], $0x2710, $0x38;
	[tilespmem:$0x13A60] =	vst v63  }
0x17: {  	_ =	swait.ge [sflag:s9], $0x2710  }
0x18: {  	[sflag:s9] =	ssyncset.done $0x0  }
0x19: {  	[sflag:s9] =	ssyncadd.s32 $0xFFFFD8F0  }
0x1a: {  	[tilespmem:s10], [sflag:$0x9] =	stream.linear.gather [hbm4b:s5+s2], $0x2710, $0x38;
	[tilespmem:$0x13A60] =	vst v63  }
0x1b: {  	_ =	swait.ge [sflag:s9], $0x2710  }
0x1c: {  	[sflag:s9] =	ssyncset.done $0x0  }
0x1d: {  	[sflag:s9] =	ssyncadd.s32 $0xFFFFD8F0  }
0x1e: {  	[tilespmem:s12], [sflag:$0x1] =	stream.indirect.gather [hbm4b:s3+s11], $0x40, s2, s11, $0xb8;
	[tilespmem:$0x13A60] =	vst v63  }
0x1f: {  	s0 =	simm.s32 $0x6220  }
0x20: {  	[tilespmem:s0], [sflag:$0x2] =	stream.indirect.gather [hbm4b:s3+s11], $0x40, s11, s11, $0xb8;
	[tilespmem:$0x13A60] =	vst v63  }
0x21: {  	s14 =	simm.s32 $0xA0;
	s13 =	simm.s32 $0x7620;
	s25 =	simm.s32 $0x4  }
0x22: {  	[tilespmem:s13], [sflag:$0x3] =	stream.indirect.gather [hbm4b:s3+s11], $0x40, s14, s11, $0xb8;
	[tilespmem:$0x13A60] =	vst v63  }
0x23: {  	p1 =	por $0x0, $0x0;
	s26 =	simm.s32 $0x140;
	[bflag:$0x0] =	sbarrier.arrive $0xFFFF  }
0x24: {  	[tilespmem:s17], [sflag:$0x4] =	stream.indirect.gather [hbm4b:s3+s11], $0x40, s16, s11, $0xb8;
	[tilespmem:$0x13A60] =	vst v63  }
0x25: {  	s28 =	simm.s32 $0x1;
	s25 =	sand.u32 @!p1 $0x3, s25;
	_ =	swait.ge [sflag:s18], $0x1400  }
0x26: {  	s30 =	sand.u32 $0x3, s28;
	s29 =	smul.u32 @!p1 $0x5000, s25;
	[sflag:s18] =	ssyncset.done $0x0  }
0x27: {  	s28 =	sadd.s32 @!p1 $0x5, s25;
	s31 =	smul.u32 $0x5000, s30;
	[sflag:s18] =	ssyncadd.s32 $0xFFFFEC00  }
0x28: {  	[spmem:s1] =	stream.indirect.scatter.add.f32 [tilespmem:s12], [sflag:$0x5], $0x40, s10, s11, $0xb8;
	[tilespmem:$0x13A60] =	vst v63  }
0x29: {  	s25 =	sadd.s32 @!p1 $0x1, s25;
	s15 =	sadd.s32 $0x1, s30;
	_ =	swait.ge @!p1 [sflag:s28], $0x1400  }
0x2a: {  	s30 =	sadd.s32 $0x5, s30;
	s29 =	sshrl.u32 @!p1 s29, $0x2;
	[sflag:s28] =	ssyncset.done @!p1 $0x0  }
0x2b: {  	s13 =	simm.s32 @!p1 $0x50;
	[sflag:s28] =	ssyncadd.s32 @!p1 $0xFFFFEC00;
	s28 =	sadd.s32 @!p1 $0x4E20, s29  }
0x2c: {  	[tilespmem:s28], [sflag:s25] =	stream.indirect.gather @!p1 [hbm4b:s3+s13], $0x40, s26, s13, $0xb8;
	[tilespmem:$0x13A60] =	vst v63  }
0x2d: {  	s24 =	simm.s32 $0x2760;
	s31 =	sshrl.u32 s31, $0x2;
	_ =	swait.ge [sflag:s15], $0x1400  }
0x2e: {  	s29 =	sadd.s32 $0x4E20, s31;
	s25 =	simm.s32 $0x5;
	[sflag:s15] =	ssyncset.done $0x0  }
0x2f: {  	s26 =	simm.s32 $0x27B0;
	s28 =	simm.s32 $0x190;
	[sflag:s15] =	ssyncadd.s32 $0xFFFFEC00  }
.LBB2_2:
0x30: {  	[spmem:s1] =	stream.indirect.scatter.add.f32 [tilespmem:s29], [sflag:s30], $0x40, s24, s11, $0xb8;
	[tilespmem:$0x13A60] =	vst v63  }
0x31: {  	s0 =	sadd.s32 $0xFFFFFFFD, s25;
	s13 =	smov.u32 s25;
	s25 =	sadd.s32 $0x1, s25  }
0x32: {  	p2 =	sgt.u32 s0, $0x79;
	s0 =	sand.u32 $0x3, s0;
	p1 =	sne.s32 s25, $0x80  }
0x33: {  	s24 =	smov.u32 s26;
	s13 =	sand.u32 @!p2 $0x3, s13;
	s29 =	smul.u32 $0x5000, s0  }
0x34: {  	s30 =	sadd.s32 @!p2 $0x5, s13;
	s31 =	smul.u32 @!p2 $0x5000, s13;
	s13 =	sadd.s32 @!p2 $0x1, s13  }
0x35: {  	s14 =	sadd.s32 $0x1, s0;
	s29 =	sshrl.u32 s29, $0x2;
	_ =	swait.ge @!p2 [sflag:s30], $0x1400  }
0x36: {  	s15 =	simm.s32 @!p2 $0x50;
	s31 =	sshrl.u32 @!p2 s31, $0x2;
	[sflag:s30] =	ssyncset.done @!p2 $0x0  }
.Ltmp0:
0x37: {  	[sflag:s30] =	ssyncadd.s32 @!p2 $0xFFFFEC00;
	s30 =	sadd.s32 @!p2 $0x4E20, s31;
	(pc) =	sbr.rel @p1 .LBB2_2-.Ltmp0, $4  }
0x38: {  	[tilespmem:s30], [sflag:s13] =	stream.indirect.gather @!p2 [hbm4b:s3+s15], $0x40, s28, s15, $0xb8;
	[tilespmem:$0x13A60] =	vst v63  }
0x39: {  	_ =	swait.ge [sflag:s14], $0x1400  }
0x3a: {  	s26 =	sadd.s32 $0x50, s26;
	s28 =	sadd.s32 $0x50, s28;
	[sflag:s14] =	ssyncset.done $0x0  }
0x3b: {  	s29 =	sadd.s32 $0x4E20, s29;
	s30 =	sadd.s32 $0x5, s0;
	[sflag:s14] =	ssyncadd.s32 $0xFFFFEC00  }
0x3c: {  	[spmem:s1] =	stream.indirect.scatter.add.f32 [tilespmem:s29], [sflag:s30], $0x40, s24, s11, $0xb8;
	[tilespmem:$0x13A60] =	vst v63  }
0x3d: {  	_ =	swait.ge [sflag:s19], $0x1400  }
0x3e: {  	[sflag:s19] =	ssyncset.done $0x0  }
0x3f: {  	[sflag:s19] =	ssyncadd.s32 $0xFFFFEC00  }
0x40: {  	_ =	swait.ge [sflag:s20], $0x1400  }
0x41: {  	[sflag:s20] =	ssyncset.done $0x0  }
0x42: {  	[sflag:s20] =	ssyncadd.s32 $0xFFFFEC00  }
0x43: {  	_ =	swait.ge [sflag:s21], $0x1400  }
0x44: {  	[sflag:s21] =	ssyncset.done $0x0  }
0x45: {  	[sflag:s21] =	ssyncadd.s32 $0xFFFFEC00  }
0x46: {  	_ =	swait.ge [sflag:s22], $0x1400  }
0x47: {  	[sflag:s22] =	ssyncset.done $0x0  }
0x48: {  	s23 =	sadd.s32 $0x1, s23;
	[sflag:s22] =	ssyncadd.s32 $0xFFFFEC00  }
0x49: {  	s0 =	simm.s32 @!p0 $0x1C09;
	p1 =	sne.s32 s23, s7;
	[bflag:$0x0] =	sbarrier.arrive $0xFFFF  }
0x4a: {  	[hbm:s6], [sflag:s0] =	dma.local @!p0 [spmem:s8], $0x13880  }
.Ltmp1:
0x4b: {  	_ = 	snop;
	(pc) =	sbr.rel @p1 .LBB2_1-.Ltmp1, $4  }
0x4c: {  	s0 =	simm.s32 @!p0 $0x9  }
0x4d: {  	_ =	swait.ge @!p0 [sflag:s0], $0x13880  }
0x4e: {  	[sflag:s0] =	ssyncset.done @!p0 $0x0  }
0x4f: {  	[sflag:s0] =	ssyncadd.s32 @!p0 $0xFFFEC780  }
0x50: {  	_ =	sfence.sel $0x180000  }
0x51: {  	[bflag:$0x0] =	sbarrier.arrive $0xFFFF  }
0x52: {  	_ =	strace $0x9000004D  }
0x53: {  	[bflag:$0x2] =	sbarrier.arrive $0xFFFF  }
0x54: {  	s0 =	rddreg [dreg:$0x4]  }
0x55: {  	s0 =	sadd.s32 @!p0 $0x100000, s0  }
0x56: {  	[sflag:s0] =	ssyncadd.tile.s32 @!p0 $0x1;
	_ =	shalt  }
.Lfunc_end2:
_tile_overlayer_lowered:
.L_overlay_start_2:
0x57: {  	(tag) =	ssettag $0x2  }
0x58: {  	s0 =	rddreg [dreg:$0x0];
	s2 =	stileid.u32  }
0x59: {  	s1 =	rddreg [dreg:$0x1];
	p0 =	sne.s32 s2, $0x0  }
0x5a: {  	s3 =	rddreg [dreg:$0x2];
	[bflag:$0x3] =	sbarrier.arrive $0xFFFF;
	s2 =	simm.s32 @!p0 $0x1C09  }
0x5b: {  	[timem:s3], [sflag:s2] =	dma.local @!p0 [hbm:s0], s1  }
0x5c: {  	s0 =	simm.s32 @!p0 $0x9  }
0x5d: {  	_ =	swait.ge @!p0 [sflag:s0], s1  }
0x5e: {  	s1 =	ssub.s32 @!p0 $0x0, s1;
	[sflag:s0] =	ssyncset.done @!p0 $0x0  }
0x5f: {  	[sflag:s0] =	ssyncadd.s32 @!p0 s1  }
0x60: {  	[bflag:$0x3] =	sbarrier.arrive $0xFFFF  }
0x61: {  	_ =	shalt  }

// kernel: kernel.9.cloned.1.call-start
scs
__scs_entry_jumppad:
0x0: {  	(pc) =	sbr.rel $0x88, $3  }
0x1: {  	(tag) =	ssettag $0x0;
	lr =	simm.s32 $0x1  }
0x2: {  	[smem:$0x3F97] =	sst lr;
	_ =	strace $0xD0000000  }
0x3: {  	_ = 	snop  }
0x4: {  	_ = 	snop  }
0x5: {  	_ = 	snop  }
0x6: {  	_ = 	snop  }
0x7: {  	_ = 	snop  }
__scs_overlays_trampoline_lowered:
0x8: {  	[smem:$0x3FA6] =	sst s0  }
0x9: {  	[smem:$0x3FA7] =	sst s1  }
0xa: {  	[smem:$0x3FA8] =	sst s2  }
0xb: {  	[smem:$0x3FA9] =	sst s3  }
0xc: {  	[smem:$0x3FAA] =	sst s4  }
0xd: {  	[smem:$0x3FAB] =	sst s5  }
0xe: {  	[smem:$0x3FAC] =	sst s6  }
0xf: {  	[smem:$0x3FAD] =	sst s7  }
0x10: {  	[smem:$0x3FAE] =	sst s8  }
0x11: {  	[smem:$0x3FAF] =	sst s9;
	s0 =	simm.s32 @!p0 $0x0  }
0x12: {  	s1 =	sld [smem:$0x3F95];
	s0 =	simm.s32 @p0 $0x1  }
0x13: {  	[smem:$0x3FB0] =	sst s0;
	s0 =	simm.s32 @!p1 $0x0  }
0x14: {  	s2 =	sld [smem:$0x3F94];
	s0 =	simm.s32 @p1 $0x1  }
0x15: {  	[smem:$0x3FB1] =	sst s0;
	s0 =	simm.s32 @!p2 $0x0  }
0x16: {  	s3 =	sld [smem:$0x3FDB];
	s0 =	simm.s32 @p2 $0x1  }
0x17: {  	s4 =	simm.s32 $0x1BF5;
	[smem:$0x3FB3] =	sst s0  }
0x18: {  	s0 =	sld [smem:$0x3F96];
	_ =	swait.ge [sflag:s4], $0x0  }
0x19: {  	s7 =	sld [smem:$0x3F97]  }
0x1a: {  	s8 =	sadd.s32 $0xFFFFE003, lr  }
0x1b: {  	s9 =	sadd.s32 $0xFFFFFEF7, lr;
	s5 =	simm.s32 $0xFFFFFFFF;
	p2 =	slt.u32 s8, $0xFFFFF086  }
0x1c: {  	p1 =	slt.u32 s9, $0xF7A;
	s5 =	simm.s32 @!p2 $0x0  }
0x1d: {  	s5 =	simm.s32 @p1 $0x1;
	p0 =	seq.s32 s7, s2  }
0x1e: {  	s7 =	smul.u32 @!p0 $0xF7A, s2;
	p2 =	seq.s32 @!p0 s5, $0x0  }
0x1f: {  	s9 =	smul.u32 $0xF7A, s1;
	s8 =	simm.s32 @!p0 $0x1BF5;
	p2 =	por !p2, p0  }
0x20: {  	[sflag:s8] =	ssyncset.s32 @!p0 $0xFFFFF086;
	s6 =	sadd.s32 @!p0 s3, s7;
	s7 =	simm.s32 @!p0 $0x108  }
0x21: {  	s3 =	sadd.s32 s3, s9;
	s6 =	sadd.s32 @!p0 $0x88, s6;
	s7 =	simm.s32 @p2 $0x1082  }
0x22: {  	[simem:s7], [sflag:s8] =	dma.local @!p0 [hbm:s6], $0xF7A  }
0x23: {  	s9 =	sor.u32 $0xD0000000, s2;
	s6 =	simm.s32 $0x108;
	_ =	swait.ge @!p0 [sflag:s8], $0x0  }
0x24: {  	s3 =	sadd.s32 $0x88, s3;
	s6 =	simm.s32 @!p1 $0x1082;
	[sflag:s4] =	ssyncset.s32 $0xFFFFF086  }
0x25: {  	[simem:s6], [sflag:s4] =	dma.local [hbm:s3], $0xF7A  }
0x26: {  	[smem:$0x3F97] =	sst s1;
	(tag) =	ssettag s2;
	_ =	strace s9  }
0x27: {  	s1 =	sld [smem:$0x3FA7]  }
0x28: {  	s2 =	sld [smem:$0x3FA8]  }
0x29: {  	s4 =	sld [smem:$0x3FAA]  }
0x2a: {  	p0 =	seq.s32 s5, $0x0;
	s5 =	sld [smem:$0x3FAB]  }
0x2b: {  	s6 =	sld [smem:$0x3FAC]  }
0x2c: {  	s7 =	sld [smem:$0x3FAD]  }
0x2d: {  	s3 =	simm.s32 $0x108;
	s8 =	sld [smem:$0x3FAE]  }
0x2e: {  	s3 =	simm.s32 @!p0 $0x1082;
	s9 =	sld [smem:$0x3FAF]  }
0x2f: {  	lr =	sadd.s32 s0, s3;
	s0 =	sld [smem:$0x3FA6]  }
0x30: {  	s3 =	sld [smem:$0x3FA9]  }
0x31: {  	[smem:$0x3FB2] =	sst s10  }
0x32: {  	s10 =	sld [smem:$0x3FB0];
	_ =	sdelay $0x3  }
0x33: {  	p0 =	seq.s32 s10, $0x1;
	s10 =	sld [smem:$0x3FB2];
	_ =	sdelay $0x3  }
0x34: {  	[smem:$0x3FB2] =	sst s10  }
0x35: {  	s10 =	sld [smem:$0x3FB1];
	_ =	sdelay $0x3  }
0x36: {  	p1 =	seq.s32 s10, $0x1;
	s10 =	sld [smem:$0x3FB2];
	_ =	sdelay $0x3  }
0x37: {  	[smem:$0x3FB2] =	sst s10  }
0x38: {  	s10 =	sld [smem:$0x3FB3]  }
0x39: {  	_ = 	snop;
	(pc) =	sbr.ind lr, $3  }
0x3a: {  	_ = 	snop  }
0x3b: {  	_ = 	snop  }
0x3c: {  	p2 =	seq.s32 s10, $0x1;
	s10 =	sld [smem:$0x3FB2]  }
0x3d: {  	_ =	shalt  }
0x3e: {  	_ =	shalt  }
0x3f: {  	_ =	shalt  }
0x40: {  	_ =	shalt  }
0x41: {  	_ =	shalt  }
0x42: {  	_ =	shalt  }
0x43: {  	_ =	shalt  }
0x44: {  	_ =	shalt  }
0x45: {  	_ =	shalt  }
0x46: {  	_ =	shalt  }
0x47: {  	_ =	shalt  }
0x48: {  	_ =	shalt  }
0x49: {  	_ =	shalt  }
0x4a: {  	_ =	shalt  }
0x4b: {  	_ =	shalt  }
0x4c: {  	_ =	shalt  }
0x4d: {  	_ =	shalt  }
0x4e: {  	_ =	shalt  }
0x4f: {  	_ =	shalt  }
0x50: {  	_ =	shalt  }
0x51: {  	_ =	shalt  }
0x52: {  	_ =	shalt  }
0x53: {  	_ =	shalt  }
0x54: {  	_ =	shalt  }
0x55: {  	_ =	shalt  }
0x56: {  	_ =	shalt  }
0x57: {  	_ =	shalt  }
0x58: {  	_ =	shalt  }
0x59: {  	_ =	shalt  }
0x5a: {  	_ =	shalt  }
0x5b: {  	_ =	shalt  }
0x5c: {  	_ =	shalt  }
0x5d: {  	_ =	shalt  }
0x5e: {  	_ =	shalt  }
0x5f: {  	_ =	shalt  }
0x60: {  	_ =	shalt  }
0x61: {  	_ =	shalt  }
0x62: {  	_ =	shalt  }
0x63: {  	_ =	shalt  }
0x64: {  	_ =	shalt  }
0x65: {  	_ =	shalt  }
0x66: {  	_ =	shalt  }
0x67: {  	_ =	shalt  }
0x68: {  	_ =	shalt  }
0x69: {  	_ =	shalt  }
0x6a: {  	_ =	shalt  }
0x6b: {  	_ =	shalt  }
0x6c: {  	_ =	shalt  }
0x6d: {  	_ =	shalt  }
0x6e: {  	_ =	shalt  }
0x6f: {  	_ =	shalt  }
0x70: {  	_ =	shalt  }
0x71: {  	_ =	shalt  }
0x72: {  	_ =	shalt  }
0x73: {  	_ =	shalt  }
0x74: {  	_ =	shalt  }
0x75: {  	_ =	shalt  }
0x76: {  	_ =	shalt  }
0x77: {  	_ =	shalt  }
0x78: {  	_ =	shalt  }
0x79: {  	_ =	shalt  }
0x7a: {  	_ =	shalt  }
0x7b: {  	_ =	shalt  }
0x7c: {  	_ =	shalt  }
0x7d: {  	_ =	shalt  }
0x7e: {  	_ =	shalt  }
0x7f: {  	_ =	shalt  }
0x80: {  	_ =	shalt  }
0x81: {  	_ =	shalt  }
0x82: {  	_ =	shalt  }
0x83: {  	_ =	shalt  }
0x84: {  	_ =	shalt  }
0x85: {  	_ =	shalt  }
0x86: {  	_ =	shalt  }
0x87: {  	_ =	shalt  }
.Lfunc_end0:
.L_simem_size_0:
called_computation_lowered:
.L_overlay_start_0:
0x88: {  	s2 =	sld [smem:$0x3FD9]  }
0x89: {  	s3 =	sld [smem:$0x3FFE];
	_ =	sdelay $0x1  }
0x8a: {  	s1 =	srdreg.scid  }
0x8b: {  	s0 =	sand.u32 $0x1, s1  }
0x8c: {  	s14 =	sshll.u32 s0, $0xA;
	s2 =	sadd.s32 s3, s2  }
0x8d: {  	s2 =	sadd.s32 s2, s14  }
0x8e: {  	[smem:$0x3FBE] =	sst s2  }
0x8f: {  	_ = 	snop  }
0x90: {  	s2 =	sld [smem:$0x3FD0];
	_ =	sdelay $0x2  }
0x91: {  	s15 =	simm.s32 $0xA;
	s4 =	simm.s32 $0x10  }
0x92: {  	[smem:s4], [sflag:s15] =	dma.local [hbm:s2], $0x1  }
0x93: {  	_ =	swait.eq [sflag:s15], $0x1  }
0x94: {  	[sflag:s15] =	ssyncset.done $0x0  }
0x95: {  	[sflag:s15] =	ssyncadd.s32 $0xFFFFFFFF  }
0x96: {  	s16 =	sld [smem:$0x11];
	(tm) =	ssettm $0x1  }
0x97: {  	s17 =	sld [smem:$0x3FFB];
	_ =	sdelay $0x3  }
0x98: {  	_ =	strace s17  }
0x99: {  	s3 =	sld [smem:$0x3FFC];
	_ =	sdelay $0x3  }
0x9a: {  	_ =	strace s3  }
0x9b: {  	s3 =	sld [smem:$0x3FFD];
	_ =	sdelay $0x3  }
0x9c: {  	_ =	strace s3  }
0x9d: {  	_ =	strace $0x8FFFFFFF  }
0x9e: {  	s18 =	sld [smem:$0x3FDB];
	_ =	sdelay $0x1  }
0x9f: {  	s19 =	simm.s32 $_scs_section_size  }
0xa0: {  	s5 =	simm.s32 $_size__tile_overlayer_lowered;
	s6 =	simm.s32 $_tile_overlayer_lowered  }
0xa1: {  	s22 =	simm.s32 $0x1BFF;
	s21 =	sshll.u32 s6, $0x1;
	s3 =	sadd.s32 s19, s18  }
0xa2: {  	s7 =	simm.s32 $0x0;
	s20 =	sshll.u32 s5, $0x1;
	s5 =	sadd.s32 s21, s3  }
0xa3: {  	[timem:s7], [sflag:s22] =	dma.local [hbm:s5], s20  }
0xa4: {  	_ =	swait.ge [sflag:s22], s20  }
0xa5: {  	s4 =	ssub.s32 $0x0, s20;
	[sflag:s22] =	ssyncset.done $0x0  }
0xa6: {  	[sflag:s22] =	ssyncadd.s32 s4;
	_ =	sdelay $0x1  }
0xa7: {  	s23 =	simm.s32 $0x1B8B  }
0xa8: {  	_ =	swait.ge [sflag:s23], $0x1  }
0xa9: {  	[sflag:s23] =	ssyncset.done $0x0  }
0xaa: {  	s25 =	simm.s32 $0x1B8E;
	s24 =	sld [smem:$0x3FFE];
	[sflag:s23] =	ssyncadd.s32 $0xFFFFFFFF  }
0xab: {  	s26 =	simm.s32 $execute0_lowered;
	[smem:$0x3FD2] =	sst s25  }
0xac: {  	s5 =	sshll.u32 s26, $0x1;
	_ =	strace $0x80000046;
	[dreg:$0x1] =	wrdreg $0xFFFFFFFF  }
0xad: {  	s28 =	simm.s32 $_size_execute0_lowered;
	s3 =	sadd.s32 s3, s5;
	[dreg:$0x0] =	wrdreg $0x0  }
0xae: {  	s5 =	sshll.u32 s28, $0x1;
	[dreg:$0x2] =	wrdreg s3  }
0xaf: {  	[dreg:$0x3] =	wrdreg s5  }
0xb0: {  	[dreg:$0x4] =	wrdreg $0xC0  }
0xb1: {  	_ =	task [dreg:s7], $0x5FFFF  }
0xb2: {  	[dreg:$0x1] =	wrdreg $0xFFFFFFFF  }
0xb3: {  	[dreg:$0x0] =	wrdreg $0x60  }
0xb4: {  	[dreg:$0x2] =	wrdreg s16  }
0xb5: {  	[dreg:$0x3] =	wrdreg s24  }
0xb6: {  	[dreg:$0x4] =	wrdreg $0x2C100  }
0xb7: {  	[dreg:$0x5] =	wrdreg $0x9  }
0xb8: {  	_ =	task.clear_ibuf [dreg:s7], $0x6FFFF;
	_ =	strace $0x90000046  }
0xb9: {  	s29 =	simm.s32 $0x9;
	_ =	strace $0x80000048  }
0xba: {  	_ =	swait.ge [sflag:s29], $0x1  }
0xbb: {  	[sflag:s29] =	ssyncadd.s32 $0xFFFFFFFF  }
0xbc: {  	_ =	strace $0x90000048  }
0xbd: {  	_ =	sfence  }
0xbe: {  	s30 =	sld [smem:$0x0];
	_ =	sdelay $0x2  }
0xbf: {  	s31 =	sshll.u32 s1, $0xD;
	s1 =	sshrl.u32 s1, $0x2  }
0xc0: {  	s3 =	sand.u32 $0x4000, s31;
	s1 =	sadd.s32 s1, s30  }
0xc1: {  	s0 =	sor.u32 s3, s0;
	s1 =	sshll.u32 s1, $0x11  }
0xc2: {  	s0 =	sor.u32 s1, s0  }
0xc3: {  	s0 =	sadd.s32 $0x8F2B, s0  }
0xc4: {  	[sflag:s0] =	ssyncadd.remote.s32 $0x1  }
0xc5: {  	_ =	sfence.sel $0xFFFF  }
0xc6: {  	[dreg:$0x0] =	wrdreg $0xFFFFFFFF;
	(pc) =	sbr.abs _section_cstart, $3  }
0xc7: {  	[dreg:$0x1] =	wrdreg $0xFFFFFFFF  }
0xc8: {  	_ =	task.clear_ibuf [dreg:s7], $0x2FFFF;
	_ =	strace $0x9FFFFFFF  }
0xc9: {  	(tm) =	ssettm $0x7FFFFFFF  }
tec
execute0_lowered:
.L_overlay_start_1:
0x0: {  	(tag) =	ssettag $0x1  }
0x1: {  	s4 =	rddreg [dreg:$0x0]  }
0x2: {  	s5 =	rddreg [dreg:$0x1];
	s0 =	srdreg.scid  }
0x3: {  	s1 =	rddreg [dreg:$0x2];
	s7 =	stileid.u32  }
0x4: {  	s2 =	simm.s32 $0x0;
	s3 =	sand.u32 $0x1, s0;
	s0 =	rddreg [dreg:$0x3]  }
0x5: {  	s11 =	simm.s32 $0x1;
	s12 =	simm.s32 $0x0;
	[smem:$0x7FF] =	sst s2  }
0x6: {  	p0 =	sne.s32 s7, $0x0;
	s6 =	sshll.u32 s3, $0x4;
	s8 =	smul.u32 $0x4E20, s3  }
0x7: {  	s9 =	ssub.s32 $0x2, s3;
	_ =	strace $0x80000047;
	s3 =	sadd.s32 $0x2000, s5  }
0x8: {  	s6 =	sor.u32 s7, s6;
	s10 =	sshrl.u32 s9, $0x1;
	s7 =	simm.s32 $0x2  }
0x9: {  	s6 =	smul.u32 $0x4E2, s6;
	s5 =	sadd.s32 s8, s5;
	s31 =	ssub.s32 s9, s10  }
0xa: {  	s8 =	sshrl.u32 @!p0 s1, $0x3;
	s9 =	simm.s32 $0x50;
	s10 =	simm.s32 $0x2710  }
0xb: {  	v0 =	vimm.f32 $1.000000000e+00;
	s5 =	sadd.s32 $0x7000, s5;
	s4 =	sadd.s32 s4, s6;
	s6 =	smax.u32 s31, $0x1  }
.LBB2_1:
0xc: {  	[tilespmem:$0x2710] =	vst v0  }
0xd: {  	[tilespmem:$0x2720] =	vst v0  }
0xe: {  	[tilespmem:$0x2730] =	vst v0  }
0xf: {  	[tilespmem:$0x2740] =	vst v0  }
0x10: {  	[tilespmem:$0x2750] =	vst v0  }
0x11: {  	[tilespmem:$0x2760] =	vst v0  }
0x12: {  	[tilespmem:$0x2770] =	vst v0  }
0x13: {  	[tilespmem:$0x2780] =	vst v0  }
0x14: {  	[tilespmem:$0x2790] =	vst v0  }
0x15: {  	[tilespmem:$0x27A0] =	vst v0  }
0x16: {  	[tilespmem:$0x27B0] =	vst v0  }
0x17: {  	[tilespmem:$0x27C0] =	vst v0  }
0x18: {  	[tilespmem:$0x27D0] =	vst v0  }
0x19: {  	[tilespmem:$0x27E0] =	vst v0  }
0x1a: {  	[tilespmem:$0x27F0] =	vst v0  }
0x1b: {  	[tilespmem:$0x2800] =	vst v0  }
0x1c: {  	[tilespmem:$0x2810] =	vst v0  }
0x1d: {  	[tilespmem:$0x2820] =	vst v0  }
0x1e: {  	[tilespmem:$0x2830] =	vst v0  }
0x1f: {  	[tilespmem:$0x2840] =	vst v0  }
0x20: {  	[tilespmem:$0x2850] =	vst v0  }
0x21: {  	[tilespmem:$0x2860] =	vst v0  }
0x22: {  	[tilespmem:$0x2870] =	vst v0  }
0x23: {  	[tilespmem:$0x2880] =	vst v0  }
0x24: {  	[tilespmem:$0x2890] =	vst v0  }
0x25: {  	[tilespmem:$0x28A0] =	vst v0  }
0x26: {  	[tilespmem:$0x28B0] =	vst v0  }
0x27: {  	[tilespmem:$0x28C0] =	vst v0  }
0x28: {  	[tilespmem:$0x28D0] =	vst v0  }
0x29: {  	[tilespmem:$0x28E0] =	vst v0  }
0x2a: {  	[tilespmem:$0x28F0] =	vst v0  }
0x2b: {  	[tilespmem:$0x2900] =	vst v0  }
0x2c: {  	[tilespmem:$0x2910] =	vst v0  }
0x2d: {  	[tilespmem:$0x2920] =	vst v0  }
0x2e: {  	[tilespmem:$0x2930] =	vst v0  }
0x2f: {  	[tilespmem:$0x2940] =	vst v0  }
0x30: {  	[tilespmem:$0x2950] =	vst v0  }
0x31: {  	[tilespmem:$0x2960] =	vst v0  }
0x32: {  	[tilespmem:$0x2970] =	vst v0  }
0x33: {  	[tilespmem:$0x2980] =	vst v0  }
0x34: {  	[tilespmem:$0x2990] =	vst v0  }
0x35: {  	[tilespmem:$0x29A0] =	vst v0  }
0x36: {  	[tilespmem:$0x29B0] =	vst v0  }
0x37: {  	[tilespmem:$0x29C0] =	vst v0  }
0x38: {  	[tilespmem:$0x29D0] =	vst v0  }
0x39: {  	[tilespmem:$0x29E0] =	vst v0  }
0x3a: {  	[tilespmem:$0x29F0] =	vst v0  }
0x3b: {  	[tilespmem:$0x2A00] =	vst v0  }
0x3c: {  	[tilespmem:$0x2A10] =	vst v0  }
0x3d: {  	[tilespmem:$0x2A20] =	vst v0  }
0x3e: {  	[tilespmem:$0x2A30] =	vst v0  }
0x3f: {  	[tilespmem:$0x2A40] =	vst v0  }
0x40: {  	[tilespmem:$0x2A50] =	vst v0  }
0x41: {  	[tilespmem:$0x2A60] =	vst v0  }
0x42: {  	[tilespmem:$0x2A70] =	vst v0  }
0x43: {  	[tilespmem:$0x2A80] =	vst v0  }
0x44: {  	[tilespmem:$0x2A90] =	vst v0  }
0x45: {  	[tilespmem:$0x2AA0] =	vst v0  }
0x46: {  	[tilespmem:$0x2AB0] =	vst v0  }
0x47: {  	[tilespmem:$0x2AC0] =	vst v0  }
0x48: {  	[tilespmem:$0x2AD0] =	vst v0  }
0x49: {  	[tilespmem:$0x2AE0] =	vst v0  }
0x4a: {  	[tilespmem:$0x2AF0] =	vst v0  }
0x4b: {  	[tilespmem:$0x2B00] =	vst v0  }
0x4c: {  	[tilespmem:$0x2B10] =	vst v0  }
0x4d: {  	[tilespmem:$0x2B20] =	vst v0  }
0x4e: {  	[tilespmem:$0x2B30] =	vst v0  }
0x4f: {  	[tilespmem:$0x2B40] =	vst v0  }
0x50: {  	[tilespmem:$0x2B50] =	vst v0  }
0x51: {  	[tilespmem:$0x2B60] =	vst v0  }
0x52: {  	[tilespmem:$0x2B70] =	vst v0  }
0x53: {  	[tilespmem:$0x2B80] =	vst v0  }
0x54: {  	[tilespmem:$0x2B90] =	vst v0  }
0x55: {  	[tilespmem:$0x2BA0] =	vst v0  }
0x56: {  	[tilespmem:$0x2BB0] =	vst v0  }
0x57: {  	[tilespmem:$0x2BC0] =	vst v0  }
0x58: {  	[tilespmem:$0x2BD0] =	vst v0  }
0x59: {  	[tilespmem:$0x2BE0] =	vst v0  }
0x5a: {  	[tilespmem:$0x2BF0] =	vst v0  }
0x5b: {  	[tilespmem:$0x2C00] =	vst v0  }
0x5c: {  	[tilespmem:s2], [sflag:$0x2] =	stream.linear.gather [hbm4b:s4+s2], $0x2710, $0x38;
	[tilespmem:$0x5320] =	vst v63  }
0x5d: {  	_ =	swait.ge [sflag:s7], $0x2710  }
0x5e: {  	[sflag:s7] =	ssyncset.done $0x0  }
0x5f: {  	s13 =	simm.s32 @!p0 $0x1C02;
	[sflag:s7] =	ssyncadd.s32 $0xFFFFD8F0  }
0x60: {  	[spmem:s8], [sflag:s13] =	dma.local @!p0 [hbm:s3], $0x4E20  }
0x61: {  	s13 =	simm.s32 @!p0 $0x2  }
0x62: {  	_ =	swait.ge @!p0 [sflag:s13], $0x4E20  }
0x63: {  	[sflag:s13] =	ssyncset.done @!p0 $0x0  }
0x64: {  	p1 =	por $0x1, $0x1;
	[sflag:s13] =	ssyncadd.s32 @!p0 $0xFFFFB1E0  }
0x65: {  	s15 =	simm.s32 @!p1 $0x1;
	[bflag:$0x0] =	sbarrier.arrive $0xFFFF  }
0x66: {  	[spmem:s1] =	stream.indirect.scatter.add.f32 [tilespmem:s10], [sflag:$0x1], $0x10, s2, s9, $0xb8;
	[tilespmem:$0x5320] =	vst v63  }
0x67: {  	_ =	swait.ge @!p1 [sflag:s15], $0x500  }
0x68: {  	s14 =	simm.s32 $0x0;
	s13 =	simm.s32 $0x1;
	[sflag:s15] =	ssyncset.done @!p1 $0x0  }
.LBB2_2:
0x69: {  	[sflag:s15] =	ssyncadd.s32 @!p1 $0xFFFFFB00  }
0x6a: {  	s14 =	sadd.s32 $0x50, s14;
	s15 =	smov.u32 s13;
	s13 =	sadd.s32 $0x1, s13  }
0x6b: {  	p2 =	sne.s32 s13, $0x7D  }
0x6c: {  	[spmem:s1] =	stream.indirect.scatter.add.f32 [tilespmem:s10], [sflag:$0x1], $0x10, s14, s9, $0xb8;
	[tilespmem:$0x5320] =	vst v63  }
.Ltmp0:
0x6d: {  	_ = 	snop;
	(pc) =	sbr.rel @p2 .LBB2_2-.Ltmp0, $4  }
0x6e: {  	p1 =	slt.u32 s15, $0x8  }
0x6f: {  	s15 =	simm.s32 @!p1 $0x1  }
0x70: {  	_ =	swait.ge @!p1 [sflag:s15], $0x500  }
0x71: {  	[sflag:s15] =	ssyncset.done @!p1 $0x0  }
0x72: {  	[sflag:s15] =	ssyncadd.s32 @!p1 $0xFFFFFB00  }
0x73: {  	_ =	swait.ge [sflag:s11], $0x500  }
0x74: {  	[sflag:s11] =	ssyncset.done $0x0  }
0x75: {  	[sflag:s11] =	ssyncadd.s32 $0xFFFFFB00  }
0x76: {  	_ =	swait.ge [sflag:s11], $0x500  }
0x77: {  	[sflag:s11] =	ssyncset.done $0x0  }
0x78: {  	[sflag:s11] =	ssyncadd.s32 $0xFFFFFB00  }
0x79: {  	_ =	swait.ge [sflag:s11], $0x500  }
0x7a: {  	[sflag:s11] =	ssyncset.done $0x0  }
0x7b: {  	[sflag:s11] =	ssyncadd.s32 $0xFFFFFB00  }
0x7c: {  	_ =	swait.ge [sflag:s11], $0x500  }
0x7d: {  	[sflag:s11] =	ssyncset.done $0x0  }
0x7e: {  	[sflag:s11] =	ssyncadd.s32 $0xFFFFFB00  }
0x7f: {  	_ =	swait.ge [sflag:s11], $0x500  }
0x80: {  	[sflag:s11] =	ssyncset.done $0x0  }
0x81: {  	[sflag:s11] =	ssyncadd.s32 $0xFFFFFB00  }
0x82: {  	_ =	swait.ge [sflag:s11], $0x500  }
0x83: {  	[sflag:s11] =	ssyncset.done $0x0  }
0x84: {  	[sflag:s11] =	ssyncadd.s32 $0xFFFFFB00  }
0x85: {  	_ =	swait.ge [sflag:s11], $0x500  }
0x86: {  	[sflag:s11] =	ssyncset.done $0x0  }
0x87: {  	[sflag:s11] =	ssyncadd.s32 $0xFFFFFB00  }
0x88: {  	_ =	swait.ge [sflag:s11], $0x500  }
0x89: {  	[sflag:s11] =	ssyncset.done $0x0  }
0x8a: {  	s12 =	sadd.s32 $0x1, s12;
	[sflag:s11] =	ssyncadd.s32 $0xFFFFFB00  }
0x8b: {  	s13 =	simm.s32 @!p0 $0x1C02;
	p1 =	sne.s32 s12, s6;
	[bflag:$0x0] =	sbarrier.arrive $0xFFFF  }
0x8c: {  	[hbm:s5], [sflag:s13] =	dma.local @!p0 [spmem:s8], $0x4E20  }
.Ltmp1:
0x8d: {  	_ = 	snop;
	(pc) =	sbr.rel @p1 .LBB2_1-.Ltmp1, $4  }
0x8e: {  	s13 =	simm.s32 @!p0 $0x2  }
0x8f: {  	_ =	swait.ge @!p0 [sflag:s13], $0x4E20  }
0x90: {  	[sflag:s13] =	ssyncset.done @!p0 $0x0  }
0x91: {  	[sflag:s13] =	ssyncadd.s32 @!p0 $0xFFFFB1E0  }
0x92: {  	_ =	sfence.sel $0x180000  }
0x93: {  	[bflag:$0x0] =	sbarrier.arrive $0xFFFF  }
0x94: {  	_ =	strace $0x90000047  }
0x95: {  	s0 =	sadd.s32 @!p0 $0x100000, s0;
	[bflag:$0x2] =	sbarrier.arrive $0xFFFF  }
0x96: {  	[sflag:s0] =	ssyncadd.tile.s32 @!p0 $0x1;
	_ =	shalt  }
.Lfunc_end2:
_tile_overlayer_lowered:
.L_overlay_start_2:
0x97: {  	(tag) =	ssettag $0x2  }
0x98: {  	s0 =	rddreg [dreg:$0x0];
	s2 =	stileid.u32  }
0x99: {  	s1 =	rddreg [dreg:$0x1];
	p0 =	sne.s32 s2, $0x0  }
0x9a: {  	s3 =	rddreg [dreg:$0x2];
	[bflag:$0x3] =	sbarrier.arrive $0xFFFF;
	s2 =	simm.s32 @!p0 $0x1C02  }
0x9b: {  	[timem:s3], [sflag:s2] =	dma.local @!p0 [hbm:s0], s1  }
0x9c: {  	s0 =	simm.s32 @!p0 $0x2  }
0x9d: {  	_ =	swait.ge @!p0 [sflag:s0], s1  }
0x9e: {  	s1 =	ssub.s32 @!p0 $0x0, s1;
	[sflag:s0] =	ssyncset.done @!p0 $0x0  }
0x9f: {  	[sflag:s0] =	ssyncadd.s32 @!p0 s1  }
0xa0: {  	[bflag:$0x3] =	sbarrier.arrive $0xFFFF  }
0xa1: {  	_ =	shalt  }

</sc_bundles>
